<compile_context>
chip_gen: v7x
topology: tpu7x:2x2x1
jax: 0.10.2.dev20260603
libtpu: 0.0.44.dev20260713+nightly
codegen_flags: <defaults>
</compile_context>

<pallas_src>
import functools

import jax
import jax.numpy as jnp
from jax import lax
from jax.experimental import pallas as pl
from jax.experimental.pallas import tpu as pltpu
from jax.experimental.pallas import tpu_sc as plsc

NC = 2
NS = 16
NW = NC * NS
LANES = 16

ECH = 80


N_MARK = 10016


def _sc_gather_deg(uifs_pad, emb_table, edge_src, edge_dst, s_vec, n_nodes):
  npad, d = uifs_pad.shape[0], emb_table.shape[1]
  e = edge_dst.shape[0]
  rows_w = npad // NW
  edges_w = e // NW
  g_ch = rows_w // 4
  mesh = plsc.VectorSubcoreMesh(core_axis_name="c", subcore_axis_name="s")

  @functools.partial(
      pl.kernel,
      out_type=(jax.ShapeDtypeStruct((npad, d), jnp.float32),
                jax.ShapeDtypeStruct((NW, n_nodes), jnp.float32),
                jax.ShapeDtypeStruct((NW, N_MARK), jnp.float32)),
      mesh=mesh,
      compiler_params=pltpu.CompilerParams(needs_layout_passes=False),
      scratch_types=[
          pltpu.VMEM((rows_w,), jnp.int32),
          pltpu.VMEM((rows_w, d), jnp.float32),
          pltpu.VMEM((edges_w,), jnp.int32),
          pltpu.VMEM((edges_w,), jnp.int32),
          pltpu.VMEM((n_nodes,), jnp.float32),
          pltpu.VMEM((N_MARK,), jnp.float32),
          pltpu.VMEM((LANES,), jnp.int32),
          pltpu.SemaphoreType.DMA,
      ],
  )
  def k(uifs_hbm, emb_hbm, src_hbm, dst_hbm, svec_hbm, x_out, deg_out,
        whist_out, idx_v, rows_v, src_v, dst_v, hist_v, whist_v, s_v, sem):
    c = lax.axis_index("c")
    s = lax.axis_index("s")
    w = c * NS + s
    base = w * rows_w
    pltpu.sync_copy(uifs_hbm.at[pl.ds(base, rows_w)], idx_v)
    cps = []
    for j in range(rows_w // g_ch):
      cps.append(pltpu.async_copy(
          emb_hbm.at[idx_v.at[pl.ds(j * g_ch, g_ch)]],
          rows_v.at[pl.ds(j * g_ch, g_ch)], sem))
    ebase = w * edges_w
    pltpu.sync_copy(src_hbm.at[pl.ds(ebase, edges_w)], src_v)
    pltpu.sync_copy(dst_hbm.at[pl.ds(ebase, edges_w)], dst_v)
    pltpu.sync_copy(svec_hbm, s_v)
    sv = s_v[...]
    zeros16 = jnp.zeros((LANES,), jnp.float32)
    ones16 = jnp.ones((LANES,), jnp.float32)

    def zbody(i, _):
      whist_v[pl.ds(i * LANES, LANES)] = zeros16

      @pl.when(i < n_nodes // LANES)
      def _():
        hist_v[pl.ds(i * LANES, LANES)] = zeros16
      return 0
    lax.fori_loop(0, N_MARK // LANES, zbody, 0)

    def hbody(i, _):
      d16 = dst_v[pl.ds(i * LANES, LANES)]
      plsc.addupdate_scatter(hist_v, [d16], ones16)
      m = jnp.logical_and(d16 >= sv, d16 < sv + 51)
      s16 = src_v[pl.ds(i * LANES, LANES)]
      plsc.addupdate_scatter(whist_v, [s16], ones16, mask=m)
      return 0
    lax.fori_loop(0, edges_w // LANES, hbody, 0)
    pltpu.sync_copy(hist_v, deg_out.at[w])
    pltpu.sync_copy(whist_v, whist_out.at[w])
    for cp in cps:
      cp.wait()
    pltpu.sync_copy(rows_v, x_out.at[pl.ds(base, rows_w)])

  return k(uifs_pad, emb_table, edge_src, edge_dst, s_vec)


def _sc_edge_accum(hs, src_pad, dst_pad, wmark, n_acc):
  d = hs.shape[1]
  epad = src_pad.shape[0]
  edges_w = epad // NW
  rows_w = edges_w // ECH
  nper = n_acc // NS
  mesh = plsc.VectorSubcoreMesh(core_axis_name="c", subcore_axis_name="s")

  @functools.partial(
      pl.kernel,
      out_type=jax.ShapeDtypeStruct((NC, n_acc, d), jnp.float32),
      mesh=mesh,
      compiler_params=pltpu.CompilerParams(needs_layout_passes=False),
      scratch_types=[
          pltpu.VMEM((edges_w + 2 * ECH,), jnp.int32),
          pltpu.VMEM((edges_w + 2 * ECH,), jnp.int32),
          pltpu.VMEM((N_MARK,), jnp.float32),
          pltpu.VMEM((ECH, d), jnp.float32),
          pltpu.VMEM_SHARED((n_acc, d), jnp.float32),
          pltpu.SemaphoreType.DMA,
      ],
  )
  def k(hs_hbm, src_hbm, dst_hbm, wmark_hbm, acc_out, src_v, dst_v,
        wmark_v, rows_a, acc_sh, sem):
    c = lax.axis_index("c")
    s = lax.axis_index("s")
    w = c * NS + s
    zeros16 = jnp.zeros((LANES,), jnp.float32)

    def zbody(i, _):
      rows_a[i // (d // LANES), pl.ds((i % (d // LANES)) * LANES, LANES)] = (
          zeros16)
      return 0
    lax.fori_loop(0, ECH * d // LANES, zbody, 0)
    for j in range(nper // ECH):
      pltpu.sync_copy(rows_a,
                      acc_sh.at[pl.ds(s * nper + j * ECH, ECH)])
    plsc.subcore_barrier()
    ebase = w * edges_w
    pltpu.sync_copy(src_hbm.at[pl.ds(ebase, edges_w)],
                    src_v.at[pl.ds(0, edges_w)])
    pltpu.sync_copy(dst_hbm.at[pl.ds(ebase, edges_w)],
                    dst_v.at[pl.ds(0, edges_w)])
    pltpu.sync_copy(wmark_hbm, wmark_v)

    def scan(g, cnt):
      d16 = dst_v[pl.ds(g * LANES, LANES)]
      s16 = src_v[pl.ds(g * LANES, LANES)]
      mk = plsc.load_gather(wmark_v, [d16])
      m = mk > 0.0
      plsc.store_compressed(dst_v.at[pl.ds(cnt, LANES)], d16, mask=m)
      plsc.store_compressed(src_v.at[pl.ds(cnt, LANES)], s16, mask=m)
      return cnt + jnp.sum(m.astype(jnp.int32))

    cnt = lax.fori_loop(0, edges_w // LANES, scan, 0)
    garb16 = jnp.full((LANES,), n_acc - 8, jnp.int32)
    zi16 = jnp.zeros((LANES,), jnp.int32)
    for j in range(ECH // LANES + 1):
      dst_v[pl.ds(cnt + j * LANES, LANES)] = garb16
      src_v[pl.ds(cnt + j * LANES, LANES)] = zi16

    nq = (cnt + ECH - 1) // ECH

    def ebody(q, _):
      @pl.when(q < nq)
      def _():
        pltpu.async_copy(
            hs_hbm.at[src_v.at[pl.ds(q * ECH, ECH)]], rows_a, sem).wait()
        pltpu.sync_copy(rows_a, acc_sh.at[dst_v.at[pl.ds(q * ECH, ECH)]],
                        add=True)
      return 0
    with jax.named_scope("c1_edges"):
      lax.fori_loop(0, rows_w, ebody, 0)
    plsc.subcore_barrier()
    with jax.named_scope("c1_flush"):
      pltpu.sync_copy(acc_sh.at[pl.ds(s * nper, nper)],
                      acc_out.at[c, pl.ds(s * nper, nper)])

  return k(hs, src_pad, dst_pad, wmark)


def _tc_prep(x_raw, deg_part, whist_part, times, s_arr, time_table,
             time_transfer, w1, n_nodes):
  d = x_raw.shape[1]
  nt = times.shape[0]

  def body(x_ref, degp_ref, whistp_ref, times_ref, s_ref, tt_ref, ttr_ref,
           w1_ref, hs1_ref, dinv_ref, wmark_ref, wmark2_ref):
    deg = jnp.sum(degp_ref[...], axis=0) + 1.0
    dinv = lax.rsqrt(deg)
    dinv_ref[...] = dinv
    s0 = s_ref[0]
    nidx = lax.broadcasted_iota(jnp.int32, (N_MARK,), 0)
    inwin = jnp.logical_and(nidx >= s0, nidx < s0 + 51)
    whs = jnp.sum(whistp_ref[...], axis=0)
    wmark_ref[...] = jnp.where(jnp.logical_or(whs > 0.0, inwin), 1.0, 0.0)
    wmark2_ref[...] = jnp.where(inwin, 1.0, 0.0)
    rows = [tt_ref[times_ref[i], :][None, :] for i in range(nt)]
    te = jnp.concatenate(rows, axis=0) @ ttr_ref[...]
    x = jnp.concatenate([x_ref[0:n_nodes - nt], te], axis=0)
    h1 = jnp.dot(x, w1_ref[...], preferred_element_type=jnp.float32)
    hs1_ref[...] = h1 * dinv[:, None]

  return pl.pallas_call(
      body,
      out_shape=(jax.ShapeDtypeStruct((n_nodes, d), jnp.float32),
                 jax.ShapeDtypeStruct((n_nodes,), jnp.float32),
                 jax.ShapeDtypeStruct((N_MARK,), jnp.float32),
                 jax.ShapeDtypeStruct((N_MARK,), jnp.float32)),
      in_specs=[pl.BlockSpec(memory_space=pltpu.VMEM),
                pl.BlockSpec(memory_space=pltpu.VMEM),
                pl.BlockSpec(memory_space=pltpu.VMEM),
                pl.BlockSpec(memory_space=pltpu.SMEM),
                pl.BlockSpec(memory_space=pltpu.SMEM),
                pl.BlockSpec(memory_space=pltpu.VMEM),
                pl.BlockSpec(memory_space=pltpu.VMEM),
                pl.BlockSpec(memory_space=pltpu.VMEM)],
  )(x_raw, deg_part, whist_part, times, s_arr, time_table, time_transfer, w1)


def _tc_mid(acc_part, hs1, dinv, b1, w2):
  n, d = hs1.shape

  def body(accp_ref, hs1_ref, dinv_ref, b1_ref, w2_ref, hs2_ref):
    acc = accp_ref[0, 0:n] + accp_ref[1, 0:n] + hs1_ref[...]
    dinv = dinv_ref[...]
    out1 = acc * dinv[:, None] + b1_ref[...][None, :]
    h2 = jnp.dot(out1, w2_ref[...], preferred_element_type=jnp.float32)
    hs2_ref[...] = h2 * dinv[:, None]

  return pl.pallas_call(
      body,
      out_shape=jax.ShapeDtypeStruct((n, d), jnp.float32),
  )(acc_part, hs1, dinv, b1, w2)


def _tc_tail(acc2w, hs2w, dinvw, b2, wih, whh, bih, bhh, fcw, fcb):
  t, d = hs2w.shape
  h3 = wih.shape[0]

  def body(a2_ref, hs2_ref, dinv_ref, b2_ref, wih_ref, whh_ref, bih_ref,
           bhh_ref, fcw_ref, fcb_ref, out_ref, gi_ref):
    dinv = dinv_ref[...]
    seq = ((a2_ref[0] + a2_ref[1] + hs2_ref[...]) * dinv[:, None]
           + b2_ref[...][None, :])
    gi = lax.dot_general(seq, wih_ref[...], (((1,), (1,)), ((), ())),
                         preferred_element_type=jnp.float32)
    gi_ref[...] = gi + bih_ref[...][None, :]
    whh = whh_ref[...]
    bhh = bhh_ref[...][None, :]

    def step(i, h):
      git = gi_ref[pl.ds(i, 1), :]
      gh = lax.dot_general(h, whh, (((1,), (1,)), ((), ())),
                           preferred_element_type=jnp.float32) + bhh
      i_r, i_z, i_n = git[:, 0:d], git[:, d:2 * d], git[:, 2 * d:3 * d]
      h_r, h_z, h_n = gh[:, 0:d], gh[:, d:2 * d], gh[:, 2 * d:3 * d]
      r = jax.nn.sigmoid(i_r + h_r)
      z = jax.nn.sigmoid(i_z + h_z)
      nn = jnp.tanh(i_n + r * h_n)
      return (1.0 - z) * nn + z * h

    hT = lax.fori_loop(0, t, step, jnp.zeros((1, d), jnp.float32))
    out = jnp.dot(hT, fcw_ref[...].T, preferred_element_type=jnp.float32)
    out_ref[...] = jnp.maximum(out + fcb_ref[...][None, :], 0.0)

  return pl.pallas_call(
      body,
      out_shape=jax.ShapeDtypeStruct((1, d), jnp.float32),
      scratch_shapes=[pltpu.VMEM((t, h3), jnp.float32)],
  )(acc2w, hs2w, dinvw, b2, wih, whh, bih, bhh, fcw, fcb)


def kernel(uifs, times, edge_index, cur_len, emb_table, time_table,
           time_transfer, gnn1_W, gnn1_b, gnn2_W, gnn2_b, gru_Wih, gru_Whh,
           gru_bih, gru_bhh, fc1_W, fc1_b):
  n_nodes = uifs.shape[0] + times.shape[0]
  e = edge_index.shape[1]
  d = emb_table.shape[1]

  npad = ((n_nodes + NW * 8 - 1) // (NW * 8)) * (NW * 8)
  uifs_pad = jnp.concatenate(
      [uifs.astype(jnp.int32),
       jnp.zeros((npad - uifs.shape[0],), jnp.int32)])
  epad = ((e + NW * 8 * ECH - 1) // (NW * 8 * ECH)) * (NW * 8 * ECH)
  n_acc = npad
  src_pad = jnp.concatenate(
      [edge_index[0].astype(jnp.int32),
       jnp.zeros((epad - e,), jnp.int32)])
  dst_pad = jnp.concatenate(
      [edge_index[1].astype(jnp.int32),
       jnp.full((epad - e,), n_nodes, jnp.int32)])

  win = 51
  start = jnp.clip(jnp.asarray(cur_len, jnp.int32) - 50, 0, n_nodes - win)
  s_vec = jnp.full((LANES,), start, jnp.int32)
  s_arr = jnp.reshape(start, (1,))
  x_raw, deg_part, whist_part = _sc_gather_deg(
      uifs_pad, emb_table, edge_index[0].astype(jnp.int32),
      edge_index[1].astype(jnp.int32), s_vec, n_nodes)
  hs1, dinv, wmark, wmark2 = _tc_prep(x_raw, deg_part, whist_part,
                                      times.astype(jnp.int32), s_arr,
                                      time_table, time_transfer, gnn1_W,
                                      n_nodes)
  acc1 = _sc_edge_accum(hs1, src_pad, dst_pad, wmark, n_acc)
  hs2 = _tc_mid(acc1, hs1, dinv, gnn1_b, gnn2_W)

  acc2 = _sc_edge_accum(hs2, src_pad, dst_pad, wmark2, n_acc)
  acc2w = lax.dynamic_slice(acc2, (0, start, 0), (NC, win, d))
  hs2w = lax.dynamic_slice(hs2, (start, 0), (win, d))
  dinvw = lax.dynamic_slice(dinv, (start,), (win,))
  out = _tc_tail(acc2w, hs2w, dinvw, gnn2_b, gru_Wih, gru_Whh, gru_bih,
                 gru_bhh, fc1_W, fc1_b)
  return out[:, None, :]

# --- scband reference (transcript-rebuilt; emitter-appended) ---
"""Pipeline reference for scband-graph-encoder-49426483642521 (READ-ONLY COPY).

The authoritative reference and input builder live on the scoring server;
editing this copy changes nothing except your own understanding.
"""

import jax, jax.numpy as jnp
import numpy as np

ENTITY = 50000
EMB = 128
HID = 128
N_NODES = 10000
N_TIMES = 5
N_EDGES = 320000
TIME_NUM = 94
TIME_DIM = 16

def setup_inputs(seed: int = 0) -> dict:
    key = jax.random.key(seed)
    ks = jax.random.split(key, 16)
    s_emb = 1.0 / np.sqrt(EMB)
    s_hid = 1.0 / np.sqrt(HID)
    inp = {}
    inp['uifs'] = jax.random.randint(ks[0], (N_NODES - N_TIMES,), 0, ENTITY - 1)
    inp['times'] = jax.random.randint(ks[1], (N_TIMES,), 0, TIME_NUM)
    inp['edge_index'] = jax.random.randint(ks[2], (2, N_EDGES), 0, N_NODES)
    inp['cur_len'] = 50
    inp['emb_table'] = jax.random.normal(ks[3], (ENTITY, EMB), dtype=jnp.float32) * 0.02
    inp['time_table'] = jax.random.normal(ks[4], (TIME_NUM, TIME_DIM), dtype=jnp.float32) * 0.02
    inp['time_transfer'] = jax.random.normal(ks[5], (TIME_DIM, EMB), dtype=jnp.float32) * (1.0 / np.sqrt(TIME_DIM))
    inp['gnn1_W'] = jax.random.normal(ks[6], (EMB, HID), dtype=jnp.float32) * s_emb
    inp['gnn1_b'] = jnp.zeros((HID,), dtype=jnp.float32)
    inp['gnn2_W'] = jax.random.normal(ks[7], (HID, HID), dtype=jnp.float32) * s_hid
    inp['gnn2_b'] = jnp.zeros((HID,), dtype=jnp.float32)
    inp['gru_Wih'] = jax.random.normal(ks[8], (3 * HID, HID), dtype=jnp.float32) * s_hid
    inp['gru_Whh'] = jax.random.normal(ks[9], (3 * HID, HID), dtype=jnp.float32) * s_hid
    inp['gru_bih'] = jnp.zeros((3 * HID,), dtype=jnp.float32)
    inp['gru_bhh'] = jnp.zeros((3 * HID,), dtype=jnp.float32)
    inp['fc1_W'] = jax.random.normal(ks[10], (HID, HID), dtype=jnp.float32) * s_hid
    inp['fc1_b'] = jnp.zeros((HID,), dtype=jnp.float32)
    return inp

def _gcn_conv(x, src, dst, W, b):
    N = x.shape[0]
    h = x @ W
    sl = jnp.arange(N)
    src2 = jnp.concatenate([src, sl])
    dst2 = jnp.concatenate([dst, sl])
    deg = jax.ops.segment_sum(jnp.ones((src2.shape[0],), dtype=h.dtype), dst2, num_segments=N)
    dinv = jax.lax.rsqrt(jnp.maximum(deg, 1.0))
    norm = dinv[src2] * dinv[dst2]
    msg = jnp.take(h, src2, axis=0) * norm[:, None]
    out = jax.ops.segment_sum(msg, dst2, num_segments=N)
    return out + b

def _gru_last(seq, Wih, Whh, bih, bhh):
    H = Whh.shape[1]
    B = seq.shape[0]
    def step(hprev, xt):
        gi = xt @ Wih.T + bih
        gh = hprev @ Whh.T + bhh
        i_r, i_z, i_n = jnp.split(gi, 3, axis=-1)
        h_r, h_z, h_n = jnp.split(gh, 3, axis=-1)
        r = jax.nn.sigmoid(i_r + h_r)
        z = jax.nn.sigmoid(i_z + h_z)
        n = jnp.tanh(i_n + r * h_n)
        hnew = (1.0 - z) * n + z * hprev
        return hnew, None
    h0 = jnp.zeros((B, H), dtype=seq.dtype)
    hT, _ = jax.lax.scan(step, h0, jnp.swapaxes(seq, 0, 1))
    return hT

def reference(uifs, times, edge_index, cur_len, emb_table, time_table, time_transfer, gnn1_W, gnn1_b, gnn2_W, gnn2_b, gru_Wih, gru_Whh, gru_bih, gru_bhh, fc1_W, fc1_b):
    uifs_emb = jnp.take(emb_table, uifs, axis=0)
    time_emb = jnp.take(time_table, times, axis=0) @ time_transfer
    x = jnp.concatenate([uifs_emb, time_emb], axis=0)
    src, dst = edge_index[0], edge_index[1]
    x = _gcn_conv(x, src, dst, gnn1_W, gnn1_b)
    x = _gcn_conv(x, src, dst, gnn2_W, gnn2_b)
    seq = jax.lax.dynamic_slice_in_dim(x, cur_len - 50, 51, axis=0)[None, :, :]
    hT = _gru_last(seq, gru_Wih, gru_Whh, gru_bih, gru_bhh)
    h = hT[:, None, :]
    out = jax.nn.relu(h @ fc1_W.T + fc1_b)
    return out

if __name__ == "__main__":
    import jax
    _d = setup_inputs()
    print(jax.jit(kernel)(*tuple(_d.values())))

</pallas_src>

<mosaic_0001>
#map = affine_map<(d0, d1) -> (0, 0)>
#map1 = affine_map<(d0, d1) -> (0)>
#map2 = affine_map<(d0, d1) -> (0, 0, 0)>
module attributes {stable_mosaic.version = 14 : i64} {
  func.func @k(%arg0: i32, %arg1: i32, %arg2: memref<10000x128xf32, #tpu.memory_space<hbm>>, %arg3: memref<327680xi32, #tpu.memory_space<hbm>>, %arg4: memref<327680xi32, #tpu.memory_space<hbm>>, %arg5: memref<10016xf32, #tpu.memory_space<hbm>>, %arg6: memref<2x10240x128xf32, #tpu.memory_space<hbm>>, %arg7: memref<10400xi32, #tpu.memory_space<vmem>>, %arg8: memref<10400xi32, #tpu.memory_space<vmem>>, %arg9: memref<10016xf32, #tpu.memory_space<vmem>>, %arg10: memref<80x128xf32, #tpu.memory_space<vmem>>, %arg11: memref<10240x128xf32, #tpu.memory_space<vmem_shared>>, %arg12: memref<!tpu.dma_semaphore, #tpu.memory_space<semaphore_mem>>) attributes {dimension_semantics = [#tpu.dimension_semantics<core_parallel>, #tpu.dimension_semantics<subcore_parallel>], iteration_bounds = array<i64: 2, 16>, scalar_prefetch = 0 : i64, scratch_operands = 6 : i64, tpu.core_type = #tpu.core_type<sc_vector_subcore>, window_params = [{transform_indices = #map}, {transform_indices = #map1}, {transform_indices = #map1}, {transform_indices = #map1}, {transform_indices = #map2}]} {
    %mul3A = arith.constant 16 : i32
    %mul3A_0 = arith.muli %arg0, %mul3A : i32
    %add3A = arith.addi %mul3A_0, %arg1 : i32
    %broadcast_in_dim3A = arith.constant 0.000000e+00 : f32
    %broadcast_in_dim3A_1 = vector.broadcast %broadcast_in_dim3A : f32 to vector<16xf32>
    %scan3A = arith.constant 0 : i32
    %scan3A_2 = arith.constant 0 : i32
    %scan3A_3 = arith.constant 640 : i32
    %scan3A_4 = arith.addi %scan3A_2, %scan3A_3 : i32
    %scan3A_5 = arith.constant 1 : i32
    %scan3A_6 = scf.for %scan3A_132 = %scan3A_2 to %scan3A_4 step %scan3A_5 iter_args(%scan3A_133 = %scan3A) -> (i32)  : i32 {
      %jit3A_134 = arith.constant 8 : i32
      %div3A_135 = arith.divsi %scan3A_132, %jit3A_134 : i32
      %sign3A_136 = arith.constant 0 : i32
      %sign3A_137 = arith.cmpi sgt, %scan3A_132, %sign3A_136 : i32
      %sign3A_138 = arith.extui %sign3A_137 : i1 to i32
      %sign3A_139 = arith.constant 0 : i32
      %sign3A_140 = arith.cmpi slt, %scan3A_132, %sign3A_139 : i32
      %sign3A_141 = arith.extui %sign3A_140 : i1 to i32
      %sign3A_142 = arith.subi %sign3A_138, %sign3A_141 : i32
      %sign3A_143 = arith.constant 0 : i32
      %sign3A_144 = arith.cmpi sgt, %jit3A_134, %sign3A_143 : i32
      %sign3A_145 = arith.extui %sign3A_144 : i1 to i32
      %sign3A_146 = arith.constant 0 : i32
      %sign3A_147 = arith.cmpi slt, %jit3A_134, %sign3A_146 : i32
      %sign3A_148 = arith.extui %sign3A_147 : i1 to i32
      %sign3A_149 = arith.subi %sign3A_145, %sign3A_148 : i32
      %ne3A_150 = arith.cmpi ne, %sign3A_142, %sign3A_149 : i32
      %rem3A_151 = arith.remsi %scan3A_132, %jit3A_134 : i32
      %ne3A_152 = arith.constant 0 : i32
      %ne3A_153 = arith.cmpi ne, %rem3A_151, %ne3A_152 : i32
      %and3A_154 = arith.andi %ne3A_150, %ne3A_153 : i1
      %sub3A_155 = arith.constant 1 : i32
      %sub3A_156 = arith.subi %div3A_135, %sub3A_155 : i32
      %select_n3A_157 = arith.select %and3A_154, %sub3A_156, %div3A_135 : i32
      %jit3A_158 = arith.constant 8 : i32
      %eq3A = arith.constant 0 : i32
      %eq3A_159 = arith.cmpi eq, %jit3A_158, %eq3A : i32
      %jit3A_160 = arith.constant 1 : i32
      %select_n3A_161 = arith.select %eq3A_159, %jit3A_160, %jit3A_158 : i32
      %rem3A_162 = arith.remsi %scan3A_132, %select_n3A_161 : i32
      %ne3A_163 = arith.constant 0 : i32
      %ne3A_164 = arith.cmpi ne, %rem3A_162, %ne3A_163 : i32
      %lt3A = arith.constant 0 : i32
      %lt3A_165 = arith.cmpi slt, %rem3A_162, %lt3A : i32
      %lt3A_166 = arith.constant 0 : i32
      %lt3A_167 = arith.cmpi slt, %select_n3A_161, %lt3A_166 : i32
      %ne3A_168 = arith.xori %lt3A_165, %lt3A_167 : i1
      %and3A_169 = arith.andi %ne3A_168, %ne3A_164 : i1
      %add3A_170 = arith.addi %rem3A_162, %select_n3A_161 : i32
      %select_n3A_171 = arith.select %and3A_169, %add3A_170, %rem3A_162 : i32
      %mul3A_172 = arith.constant 16 : i32
      %mul3A_173 = arith.muli %select_n3A_171, %mul3A_172 : i32
      %swap3A_174 = arith.index_cast %select_n3A_157 : i32 to index
      %swap3A_175 = arith.index_cast %mul3A_173 : i32 to index
      %swap3A_176 = tpu.vector_load %arg10[%swap3A_174, %swap3A_175] {strides = array<i32>} : memref<80x128xf32, #tpu.memory_space<vmem>>, vector<16xf32>,
      tpu.vector_store %arg10[%swap3A_174, %swap3A_175], %broadcast_in_dim3A_1 {strides = array<i32>} : memref<80x128xf32, #tpu.memory_space<vmem>>, vector<16xf32>,
      %scan3A_177 = arith.constant 0 : i32
      scf.yield %scan3A_177 : i32
    }
    %scan3A_7 = arith.constant 640 : i32
    %mul3A_8 = arith.constant 640 : i32
    %mul3A_9 = arith.muli %arg1, %mul3A_8 : i32
    %add3A_10 = arith.constant 0 : i32
    %add3A_11 = arith.addi %mul3A_9, %add3A_10 : i32
    "tpu.region"() ({
      %run_scoped3A = tpu.sem_alloc : memref<!tpu.dma_semaphore, #tpu.memory_space<semaphore_mem>>
      %dma_start3A = arith.constant 0 : i32
      %dma_start3A_132 = tpu.memref_slice %arg11[%add3A_11, %dma_start3A] : memref<10240x128xf32, #tpu.memory_space<vmem_shared>> -> memref<80x128xf32, #tpu.memory_space<vmem_shared>>
      %dma_start3A_133 = arith.constant 0 : i32
      %dma_start3A_134 = tpu.memref_slice %arg11[%add3A_11, %dma_start3A_133] : memref<10240x128xf32, #tpu.memory_space<vmem_shared>> -> memref<80x128xf32, #tpu.memory_space<vmem_shared>>
      tpu.enqueue_dma source(%arg10 : memref<80x128xf32, #tpu.memory_space<vmem>>) target(%dma_start3A_134 : memref<80x128xf32, #tpu.memory_space<vmem_shared>>) target_semaphore(%run_scoped3A : memref<!tpu.dma_semaphore, #tpu.memory_space<semaphore_mem>>)
      %dma_wait3A = arith.constant 0 : i32
      %dma_wait3A_135 = tpu.memref_slice %arg11[%add3A_11, %dma_wait3A] : memref<10240x128xf32, #tpu.memory_space<vmem_shared>> -> memref<80x128xf32, #tpu.memory_space<vmem_shared>>
      %dma_wait3A_136 = arith.constant 0 : i32
      %dma_wait3A_137 = tpu.memref_slice %arg11[%add3A_11, %dma_wait3A_136] : memref<10240x128xf32, #tpu.memory_space<vmem_shared>> -> memref<80x128xf32, #tpu.memory_space<vmem_shared>>
      tpu.wait_dma2 semaphore(%run_scoped3A : memref<!tpu.dma_semaphore, #tpu.memory_space<semaphore_mem>>) src(%arg10 : memref<80x128xf32, #tpu.memory_space<vmem>>) dst(%dma_wait3A_137 : memref<80x128xf32, #tpu.memory_space<vmem_shared>>)
      tpu.yield
    }) : () -> ()
    %mul3A_12 = arith.constant 640 : i32
    %mul3A_13 = arith.muli %arg1, %mul3A_12 : i32
    %add3A_14 = arith.constant 80 : i32
    %add3A_15 = arith.addi %mul3A_13, %add3A_14 : i32
    "tpu.region"() ({
      %run_scoped3A = tpu.sem_alloc : memref<!tpu.dma_semaphore, #tpu.memory_space<semaphore_mem>>
      %dma_start3A = arith.constant 0 : i32
      %dma_start3A_132 = tpu.memref_slice %arg11[%add3A_15, %dma_start3A] : memref<10240x128xf32, #tpu.memory_space<vmem_shared>> -> memref<80x128xf32, #tpu.memory_space<vmem_shared>>
      %dma_start3A_133 = arith.constant 0 : i32
      %dma_start3A_134 = tpu.memref_slice %arg11[%add3A_15, %dma_start3A_133] : memref<10240x128xf32, #tpu.memory_space<vmem_shared>> -> memref<80x128xf32, #tpu.memory_space<vmem_shared>>
      tpu.enqueue_dma source(%arg10 : memref<80x128xf32, #tpu.memory_space<vmem>>) target(%dma_start3A_134 : memref<80x128xf32, #tpu.memory_space<vmem_shared>>) target_semaphore(%run_scoped3A : memref<!tpu.dma_semaphore, #tpu.memory_space<semaphore_mem>>)
      %dma_wait3A = arith.constant 0 : i32
      %dma_wait3A_135 = tpu.memref_slice %arg11[%add3A_15, %dma_wait3A] : memref<10240x128xf32, #tpu.memory_space<vmem_shared>> -> memref<80x128xf32, #tpu.memory_space<vmem_shared>>
      %dma_wait3A_136 = arith.constant 0 : i32
      %dma_wait3A_137 = tpu.memref_slice %arg11[%add3A_15, %dma_wait3A_136] : memref<10240x128xf32, #tpu.memory_space<vmem_shared>> -> memref<80x128xf32, #tpu.memory_space<vmem_shared>>
      tpu.wait_dma2 semaphore(%run_scoped3A : memref<!tpu.dma_semaphore, #tpu.memory_space<semaphore_mem>>) src(%arg10 : memref<80x128xf32, #tpu.memory_space<vmem>>) dst(%dma_wait3A_137 : memref<80x128xf32, #tpu.memory_space<vmem_shared>>)
      tpu.yield
    }) : () -> ()
    %mul3A_16 = arith.constant 640 : i32
    %mul3A_17 = arith.muli %arg1, %mul3A_16 : i32
    %add3A_18 = arith.constant 160 : i32
    %add3A_19 = arith.addi %mul3A_17, %add3A_18 : i32
    "tpu.region"() ({
      %run_scoped3A = tpu.sem_alloc : memref<!tpu.dma_semaphore, #tpu.memory_space<semaphore_mem>>
      %dma_start3A = arith.constant 0 : i32
      %dma_start3A_132 = tpu.memref_slice %arg11[%add3A_19, %dma_start3A] : memref<10240x128xf32, #tpu.memory_space<vmem_shared>> -> memref<80x128xf32, #tpu.memory_space<vmem_shared>>
      %dma_start3A_133 = arith.constant 0 : i32
      %dma_start3A_134 = tpu.memref_slice %arg11[%add3A_19, %dma_start3A_133] : memref<10240x128xf32, #tpu.memory_space<vmem_shared>> -> memref<80x128xf32, #tpu.memory_space<vmem_shared>>
      tpu.enqueue_dma source(%arg10 : memref<80x128xf32, #tpu.memory_space<vmem>>) target(%dma_start3A_134 : memref<80x128xf32, #tpu.memory_space<vmem_shared>>) target_semaphore(%run_scoped3A : memref<!tpu.dma_semaphore, #tpu.memory_space<semaphore_mem>>)
      %dma_wait3A = arith.constant 0 : i32
      %dma_wait3A_135 = tpu.memref_slice %arg11[%add3A_19, %dma_wait3A] : memref<10240x128xf32, #tpu.memory_space<vmem_shared>> -> memref<80x128xf32, #tpu.memory_space<vmem_shared>>
      %dma_wait3A_136 = arith.constant 0 : i32
      %dma_wait3A_137 = tpu.memref_slice %arg11[%add3A_19, %dma_wait3A_136] : memref<10240x128xf32, #tpu.memory_space<vmem_shared>> -> memref<80x128xf32, #tpu.memory_space<vmem_shared>>
      tpu.wait_dma2 semaphore(%run_scoped3A : memref<!tpu.dma_semaphore, #tpu.memory_space<semaphore_mem>>) src(%arg10 : memref<80x128xf32, #tpu.memory_space<vmem>>) dst(%dma_wait3A_137 : memref<80x128xf32, #tpu.memory_space<vmem_shared>>)
      tpu.yield
    }) : () -> ()
    %mul3A_20 = arith.constant 640 : i32
    %mul3A_21 = arith.muli %arg1, %mul3A_20 : i32
    %add3A_22 = arith.constant 240 : i32
    %add3A_23 = arith.addi %mul3A_21, %add3A_22 : i32
    "tpu.region"() ({
      %run_scoped3A = tpu.sem_alloc : memref<!tpu.dma_semaphore, #tpu.memory_space<semaphore_mem>>
      %dma_start3A = arith.constant 0 : i32
      %dma_start3A_132 = tpu.memref_slice %arg11[%add3A_23, %dma_start3A] : memref<10240x128xf32, #tpu.memory_space<vmem_shared>> -> memref<80x128xf32, #tpu.memory_space<vmem_shared>>
      %dma_start3A_133 = arith.constant 0 : i32
      %dma_start3A_134 = tpu.memref_slice %arg11[%add3A_23, %dma_start3A_133] : memref<10240x128xf32, #tpu.memory_space<vmem_shared>> -> memref<80x128xf32, #tpu.memory_space<vmem_shared>>
      tpu.enqueue_dma source(%arg10 : memref<80x128xf32, #tpu.memory_space<vmem>>) target(%dma_start3A_134 : memref<80x128xf32, #tpu.memory_space<vmem_shared>>) target_semaphore(%run_scoped3A : memref<!tpu.dma_semaphore, #tpu.memory_space<semaphore_mem>>)
      %dma_wait3A = arith.constant 0 : i32
      %dma_wait3A_135 = tpu.memref_slice %arg11[%add3A_23, %dma_wait3A] : memref<10240x128xf32, #tpu.memory_space<vmem_shared>> -> memref<80x128xf32, #tpu.memory_space<vmem_shared>>
      %dma_wait3A_136 = arith.constant 0 : i32
      %dma_wait3A_137 = tpu.memref_slice %arg11[%add3A_23, %dma_wait3A_136] : memref<10240x128xf32, #tpu.memory_space<vmem_shared>> -> memref<80x128xf32, #tpu.memory_space<vmem_shared>>
      tpu.wait_dma2 semaphore(%run_scoped3A : memref<!tpu.dma_semaphore, #tpu.memory_space<semaphore_mem>>) src(%arg10 : memref<80x128xf32, #tpu.memory_space<vmem>>) dst(%dma_wait3A_137 : memref<80x128xf32, #tpu.memory_space<vmem_shared>>)
      tpu.yield
    }) : () -> ()
    %mul3A_24 = arith.constant 640 : i32
    %mul3A_25 = arith.muli %arg1, %mul3A_24 : i32
    %add3A_26 = arith.constant 320 : i32
    %add3A_27 = arith.addi %mul3A_25, %add3A_26 : i32
    "tpu.region"() ({
      %run_scoped3A = tpu.sem_alloc : memref<!tpu.dma_semaphore, #tpu.memory_space<semaphore_mem>>
      %dma_start3A = arith.constant 0 : i32
      %dma_start3A_132 = tpu.memref_slice %arg11[%add3A_27, %dma_start3A] : memref<10240x128xf32, #tpu.memory_space<vmem_shared>> -> memref<80x128xf32, #tpu.memory_space<vmem_shared>>
      %dma_start3A_133 = arith.constant 0 : i32
      %dma_start3A_134 = tpu.memref_slice %arg11[%add3A_27, %dma_start3A_133] : memref<10240x128xf32, #tpu.memory_space<vmem_shared>> -> memref<80x128xf32, #tpu.memory_space<vmem_shared>>
      tpu.enqueue_dma source(%arg10 : memref<80x128xf32, #tpu.memory_space<vmem>>) target(%dma_start3A_134 : memref<80x128xf32, #tpu.memory_space<vmem_shared>>) target_semaphore(%run_scoped3A : memref<!tpu.dma_semaphore, #tpu.memory_space<semaphore_mem>>)
      %dma_wait3A = arith.constant 0 : i32
      %dma_wait3A_135 = tpu.memref_slice %arg11[%add3A_27, %dma_wait3A] : memref<10240x128xf32, #tpu.memory_space<vmem_shared>> -> memref<80x128xf32, #tpu.memory_space<vmem_shared>>
      %dma_wait3A_136 = arith.constant 0 : i32
      %dma_wait3A_137 = tpu.memref_slice %arg11[%add3A_27, %dma_wait3A_136] : memref<10240x128xf32, #tpu.memory_space<vmem_shared>> -> memref<80x128xf32, #tpu.memory_space<vmem_shared>>
      tpu.wait_dma2 semaphore(%run_scoped3A : memref<!tpu.dma_semaphore, #tpu.memory_space<semaphore_mem>>) src(%arg10 : memref<80x128xf32, #tpu.memory_space<vmem>>) dst(%dma_wait3A_137 : memref<80x128xf32, #tpu.memory_space<vmem_shared>>)
      tpu.yield
    }) : () -> ()
    %mul3A_28 = arith.constant 640 : i32
    %mul3A_29 = arith.muli %arg1, %mul3A_28 : i32
    %add3A_30 = arith.constant 400 : i32
    %add3A_31 = arith.addi %mul3A_29, %add3A_30 : i32
    "tpu.region"() ({
      %run_scoped3A = tpu.sem_alloc : memref<!tpu.dma_semaphore, #tpu.memory_space<semaphore_mem>>
      %dma_start3A = arith.constant 0 : i32
      %dma_start3A_132 = tpu.memref_slice %arg11[%add3A_31, %dma_start3A] : memref<10240x128xf32, #tpu.memory_space<vmem_shared>> -> memref<80x128xf32, #tpu.memory_space<vmem_shared>>
      %dma_start3A_133 = arith.constant 0 : i32
      %dma_start3A_134 = tpu.memref_slice %arg11[%add3A_31, %dma_start3A_133] : memref<10240x128xf32, #tpu.memory_space<vmem_shared>> -> memref<80x128xf32, #tpu.memory_space<vmem_shared>>
      tpu.enqueue_dma source(%arg10 : memref<80x128xf32, #tpu.memory_space<vmem>>) target(%dma_start3A_134 : memref<80x128xf32, #tpu.memory_space<vmem_shared>>) target_semaphore(%run_scoped3A : memref<!tpu.dma_semaphore, #tpu.memory_space<semaphore_mem>>)
      %dma_wait3A = arith.constant 0 : i32
      %dma_wait3A_135 = tpu.memref_slice %arg11[%add3A_31, %dma_wait3A] : memref<10240x128xf32, #tpu.memory_space<vmem_shared>> -> memref<80x128xf32, #tpu.memory_space<vmem_shared>>
      %dma_wait3A_136 = arith.constant 0 : i32
      %dma_wait3A_137 = tpu.memref_slice %arg11[%add3A_31, %dma_wait3A_136] : memref<10240x128xf32, #tpu.memory_space<vmem_shared>> -> memref<80x128xf32, #tpu.memory_space<vmem_shared>>
      tpu.wait_dma2 semaphore(%run_scoped3A : memref<!tpu.dma_semaphore, #tpu.memory_space<semaphore_mem>>) src(%arg10 : memref<80x128xf32, #tpu.memory_space<vmem>>) dst(%dma_wait3A_137 : memref<80x128xf32, #tpu.memory_space<vmem_shared>>)
      tpu.yield
    }) : () -> ()
    %mul3A_32 = arith.constant 640 : i32
    %mul3A_33 = arith.muli %arg1, %mul3A_32 : i32
    %add3A_34 = arith.constant 480 : i32
    %add3A_35 = arith.addi %mul3A_33, %add3A_34 : i32
    "tpu.region"() ({
      %run_scoped3A = tpu.sem_alloc : memref<!tpu.dma_semaphore, #tpu.memory_space<semaphore_mem>>
      %dma_start3A = arith.constant 0 : i32
      %dma_start3A_132 = tpu.memref_slice %arg11[%add3A_35, %dma_start3A] : memref<10240x128xf32, #tpu.memory_space<vmem_shared>> -> memref<80x128xf32, #tpu.memory_space<vmem_shared>>
      %dma_start3A_133 = arith.constant 0 : i32
      %dma_start3A_134 = tpu.memref_slice %arg11[%add3A_35, %dma_start3A_133] : memref<10240x128xf32, #tpu.memory_space<vmem_shared>> -> memref<80x128xf32, #tpu.memory_space<vmem_shared>>
      tpu.enqueue_dma source(%arg10 : memref<80x128xf32, #tpu.memory_space<vmem>>) target(%dma_start3A_134 : memref<80x128xf32, #tpu.memory_space<vmem_shared>>) target_semaphore(%run_scoped3A : memref<!tpu.dma_semaphore, #tpu.memory_space<semaphore_mem>>)
      %dma_wait3A = arith.constant 0 : i32
      %dma_wait3A_135 = tpu.memref_slice %arg11[%add3A_35, %dma_wait3A] : memref<10240x128xf32, #tpu.memory_space<vmem_shared>> -> memref<80x128xf32, #tpu.memory_space<vmem_shared>>
      %dma_wait3A_136 = arith.constant 0 : i32
      %dma_wait3A_137 = tpu.memref_slice %arg11[%add3A_35, %dma_wait3A_136] : memref<10240x128xf32, #tpu.memory_space<vmem_shared>> -> memref<80x128xf32, #tpu.memory_space<vmem_shared>>
      tpu.wait_dma2 semaphore(%run_scoped3A : memref<!tpu.dma_semaphore, #tpu.memory_space<semaphore_mem>>) src(%arg10 : memref<80x128xf32, #tpu.memory_space<vmem>>) dst(%dma_wait3A_137 : memref<80x128xf32, #tpu.memory_space<vmem_shared>>)
      tpu.yield
    }) : () -> ()
    %mul3A_36 = arith.constant 640 : i32
    %mul3A_37 = arith.muli %arg1, %mul3A_36 : i32
    %add3A_38 = arith.constant 560 : i32
    %add3A_39 = arith.addi %mul3A_37, %add3A_38 : i32
    "tpu.region"() ({
      %run_scoped3A = tpu.sem_alloc : memref<!tpu.dma_semaphore, #tpu.memory_space<semaphore_mem>>
      %dma_start3A = arith.constant 0 : i32
      %dma_start3A_132 = tpu.memref_slice %arg11[%add3A_39, %dma_start3A] : memref<10240x128xf32, #tpu.memory_space<vmem_shared>> -> memref<80x128xf32, #tpu.memory_space<vmem_shared>>
      %dma_start3A_133 = arith.constant 0 : i32
      %dma_start3A_134 = tpu.memref_slice %arg11[%add3A_39, %dma_start3A_133] : memref<10240x128xf32, #tpu.memory_space<vmem_shared>> -> memref<80x128xf32, #tpu.memory_space<vmem_shared>>
      tpu.enqueue_dma source(%arg10 : memref<80x128xf32, #tpu.memory_space<vmem>>) target(%dma_start3A_134 : memref<80x128xf32, #tpu.memory_space<vmem_shared>>) target_semaphore(%run_scoped3A : memref<!tpu.dma_semaphore, #tpu.memory_space<semaphore_mem>>)
      %dma_wait3A = arith.constant 0 : i32
      %dma_wait3A_135 = tpu.memref_slice %arg11[%add3A_39, %dma_wait3A] : memref<10240x128xf32, #tpu.memory_space<vmem_shared>> -> memref<80x128xf32, #tpu.memory_space<vmem_shared>>
      %dma_wait3A_136 = arith.constant 0 : i32
      %dma_wait3A_137 = tpu.memref_slice %arg11[%add3A_39, %dma_wait3A_136] : memref<10240x128xf32, #tpu.memory_space<vmem_shared>> -> memref<80x128xf32, #tpu.memory_space<vmem_shared>>
      tpu.wait_dma2 semaphore(%run_scoped3A : memref<!tpu.dma_semaphore, #tpu.memory_space<semaphore_mem>>) src(%arg10 : memref<80x128xf32, #tpu.memory_space<vmem>>) dst(%dma_wait3A_137 : memref<80x128xf32, #tpu.memory_space<vmem_shared>>)
      tpu.yield
    }) : () -> ()
    %barrier3A = arith.constant 0 : index
    tpu.barrier barrier_id(%barrier3A)
    %mul3A_40 = arith.constant 10240 : i32
    %mul3A_41 = arith.muli %add3A, %mul3A_40 : i32
    "tpu.region"() ({
      %run_scoped3A = tpu.sem_alloc : memref<!tpu.dma_semaphore, #tpu.memory_space<semaphore_mem>>
      %dma_start3A = arith.constant 0 : i32
      %dma_start3A_132 = tpu.memref_slice %arg7[%dma_start3A] : memref<10400xi32, #tpu.memory_space<vmem>> -> memref<10240xi32, #tpu.memory_space<vmem>>
      %dma_start3A_133 = tpu.memref_slice %arg3[%mul3A_41] : memref<327680xi32, #tpu.memory_space<hbm>> -> memref<10240xi32, #tpu.memory_space<hbm>>
      %dma_start3A_134 = arith.constant 0 : i32
      %dma_start3A_135 = tpu.memref_slice %arg7[%dma_start3A_134] : memref<10400xi32, #tpu.memory_space<vmem>> -> memref<10240xi32, #tpu.memory_space<vmem>>
      %dma_start3A_136 = tpu.memref_slice %arg3[%mul3A_41] : memref<327680xi32, #tpu.memory_space<hbm>> -> memref<10240xi32, #tpu.memory_space<hbm>>
      tpu.enqueue_dma source(%dma_start3A_136 : memref<10240xi32, #tpu.memory_space<hbm>>) target(%dma_start3A_135 : memref<10240xi32, #tpu.memory_space<vmem>>) target_semaphore(%run_scoped3A : memref<!tpu.dma_semaphore, #tpu.memory_space<semaphore_mem>>)
      %dma_wait3A = arith.constant 0 : i32
      %dma_wait3A_137 = tpu.memref_slice %arg7[%dma_wait3A] : memref<10400xi32, #tpu.memory_space<vmem>> -> memref<10240xi32, #tpu.memory_space<vmem>>
      %dma_wait3A_138 = tpu.memref_slice %arg3[%mul3A_41] : memref<327680xi32, #tpu.memory_space<hbm>> -> memref<10240xi32, #tpu.memory_space<hbm>>
      %dma_wait3A_139 = arith.constant 0 : i32
      %dma_wait3A_140 = tpu.memref_slice %arg7[%dma_wait3A_139] : memref<10400xi32, #tpu.memory_space<vmem>> -> memref<10240xi32, #tpu.memory_space<vmem>>
      %dma_wait3A_141 = tpu.memref_slice %arg3[%mul3A_41] : memref<327680xi32, #tpu.memory_space<hbm>> -> memref<10240xi32, #tpu.memory_space<hbm>>
      tpu.wait_dma2 semaphore(%run_scoped3A : memref<!tpu.dma_semaphore, #tpu.memory_space<semaphore_mem>>) src(%dma_wait3A_141 : memref<10240xi32, #tpu.memory_space<hbm>>) dst(%dma_wait3A_140 : memref<10240xi32, #tpu.memory_space<vmem>>)
      tpu.yield
    }) : () -> ()
    "tpu.region"() ({
      %run_scoped3A = tpu.sem_alloc : memref<!tpu.dma_semaphore, #tpu.memory_space<semaphore_mem>>
      %dma_start3A = arith.constant 0 : i32
      %dma_start3A_132 = tpu.memref_slice %arg8[%dma_start3A] : memref<10400xi32, #tpu.memory_space<vmem>> -> memref<10240xi32, #tpu.memory_space<vmem>>
      %dma_start3A_133 = tpu.memref_slice %arg4[%mul3A_41] : memref<327680xi32, #tpu.memory_space<hbm>> -> memref<10240xi32, #tpu.memory_space<hbm>>
      %dma_start3A_134 = arith.constant 0 : i32
      %dma_start3A_135 = tpu.memref_slice %arg8[%dma_start3A_134] : memref<10400xi32, #tpu.memory_space<vmem>> -> memref<10240xi32, #tpu.memory_space<vmem>>
      %dma_start3A_136 = tpu.memref_slice %arg4[%mul3A_41] : memref<327680xi32, #tpu.memory_space<hbm>> -> memref<10240xi32, #tpu.memory_space<hbm>>
      tpu.enqueue_dma source(%dma_start3A_136 : memref<10240xi32, #tpu.memory_space<hbm>>) target(%dma_start3A_135 : memref<10240xi32, #tpu.memory_space<vmem>>) target_semaphore(%run_scoped3A : memref<!tpu.dma_semaphore, #tpu.memory_space<semaphore_mem>>)
      %dma_wait3A = arith.constant 0 : i32
      %dma_wait3A_137 = tpu.memref_slice %arg8[%dma_wait3A] : memref<10400xi32, #tpu.memory_space<vmem>> -> memref<10240xi32, #tpu.memory_space<vmem>>
      %dma_wait3A_138 = tpu.memref_slice %arg4[%mul3A_41] : memref<327680xi32, #tpu.memory_space<hbm>> -> memref<10240xi32, #tpu.memory_space<hbm>>
      %dma_wait3A_139 = arith.constant 0 : i32
      %dma_wait3A_140 = tpu.memref_slice %arg8[%dma_wait3A_139] : memref<10400xi32, #tpu.memory_space<vmem>> -> memref<10240xi32, #tpu.memory_space<vmem>>
      %dma_wait3A_141 = tpu.memref_slice %arg4[%mul3A_41] : memref<327680xi32, #tpu.memory_space<hbm>> -> memref<10240xi32, #tpu.memory_space<hbm>>
      tpu.wait_dma2 semaphore(%run_scoped3A : memref<!tpu.dma_semaphore, #tpu.memory_space<semaphore_mem>>) src(%dma_wait3A_141 : memref<10240xi32, #tpu.memory_space<hbm>>) dst(%dma_wait3A_140 : memref<10240xi32, #tpu.memory_space<vmem>>)
      tpu.yield
    }) : () -> ()
    "tpu.region"() ({
      %run_scoped3A = tpu.sem_alloc : memref<!tpu.dma_semaphore, #tpu.memory_space<semaphore_mem>>
      tpu.enqueue_dma source(%arg5 : memref<10016xf32, #tpu.memory_space<hbm>>) target(%arg9 : memref<10016xf32, #tpu.memory_space<vmem>>) target_semaphore(%run_scoped3A : memref<!tpu.dma_semaphore, #tpu.memory_space<semaphore_mem>>)
      tpu.wait_dma2 semaphore(%run_scoped3A : memref<!tpu.dma_semaphore, #tpu.memory_space<semaphore_mem>>) src(%arg5 : memref<10016xf32, #tpu.memory_space<hbm>>) dst(%arg9 : memref<10016xf32, #tpu.memory_space<vmem>>)
      tpu.yield
    }) : () -> ()
    %scan3A_42 = arith.constant 0 : i32
    %scan3A_43 = arith.constant 0 : i32
    %scan3A_44 = arith.constant 640 : i32
    %scan3A_45 = arith.addi %scan3A_43, %scan3A_44 : i32
    %scan3A_46 = arith.constant 1 : i32
    %scan3A_47 = scf.for %scan3A_132 = %scan3A_43 to %scan3A_45 step %scan3A_46 iter_args(%scan3A_133 = %scan3A_42) -> (i32)  : i32 {
      %mul3A_134 = arith.constant 16 : i32
      %mul3A_135 = arith.muli %scan3A_132, %mul3A_134 : i32
      %get3A = arith.index_cast %mul3A_135 : i32 to index
      %get3A_136 = tpu.vector_load %arg8[%get3A] {strides = array<i32>} : memref<10400xi32, #tpu.memory_space<vmem>>, vector<16xi32>,
      %mul3A_137 = arith.constant 16 : i32
      %mul3A_138 = arith.muli %scan3A_132, %mul3A_137 : i32
      %get3A_139 = arith.index_cast %mul3A_138 : i32 to index
      %get3A_140 = tpu.vector_load %arg7[%get3A_139] {strides = array<i32>} : memref<10400xi32, #tpu.memory_space<vmem>>, vector<16xi32>,
      %gather3A = tpu.vector_load_idx %arg9[%get3A_136] : memref<10016xf32, #tpu.memory_space<vmem>>[vector<16xi32>], vector<16xf32>,
      %gt3A = arith.constant 0.000000e+00 : f32
      %gt3A_141 = vector.broadcast %gt3A : f32 to vector<16xf32>
      %gt3A_142 = arith.cmpf ogt, %gather3A, %gt3A_141 : vector<16xf32>
      %swap3A_143 = arith.index_cast %scan3A_133 : i32 to index
      %swap3A_144 = tpu.vector_load %arg8[%swap3A_143] masked %gt3A_142 {strides = array<i32>} : memref<10400xi32, #tpu.memory_space<vmem>>, vector<16xi32>, vector<16xi1>
      tpu.vector_store %arg8[%swap3A_143], %get3A_136 masked %gt3A_142 {strides = array<i32>} : memref<10400xi32, #tpu.memory_space<vmem>>, vector<16xi32>, vector<16xi1>
      %swap3A_145 = arith.index_cast %scan3A_133 : i32 to index
      %swap3A_146 = tpu.vector_load %arg7[%swap3A_145] masked %gt3A_142 {strides = array<i32>} : memref<10400xi32, #tpu.memory_space<vmem>>, vector<16xi32>, vector<16xi1>
      tpu.vector_store %arg7[%swap3A_145], %get3A_140 masked %gt3A_142 {strides = array<i32>} : memref<10400xi32, #tpu.memory_space<vmem>>, vector<16xi32>, vector<16xi1>
      %convert_element_type3A = arith.extui %gt3A_142 : vector<16xi1> to vector<16xi32>
      %reduce_sum3A = arith.constant true
      %reduce_sum3A_147 = vector.broadcast %reduce_sum3A : i1 to vector<16xi1>
      %reduce_sum3A_148 = tpu.scan <sum>, %convert_element_type3A masked %reduce_sum3A_147 : vector<16xi32>, vector<16xi1> -> vector<16xi32>
      %reduce_sum3A_149 = vector.extract %reduce_sum3A_148[15] : i32 from vector<16xi32>
      %add3A_150 = arith.addi %scan3A_133, %reduce_sum3A_149 : i32
      scf.yield %add3A_150 : i32
    }
    %scan3A_48 = arith.constant 640 : i32
    %broadcast_in_dim3A_49 = arith.constant 10232 : i32
    %broadcast_in_dim3A_50 = vector.broadcast %broadcast_in_dim3A_49 : i32 to vector<16xi32>
    %broadcast_in_dim3A_51 = arith.constant 0 : i32
    %broadcast_in_dim3A_52 = vector.broadcast %broadcast_in_dim3A_51 : i32 to vector<16xi32>
    %add3A_53 = arith.constant 0 : i32
    %add3A_54 = arith.addi %scan3A_47, %add3A_53 : i32
    %swap3A = arith.index_cast %add3A_54 : i32 to index
    %swap3A_55 = tpu.vector_load %arg8[%swap3A] {strides = array<i32>} : memref<10400xi32, #tpu.memory_space<vmem>>, vector<16xi32>,
    tpu.vector_store %arg8[%swap3A], %broadcast_in_dim3A_50 {strides = array<i32>} : memref<10400xi32, #tpu.memory_space<vmem>>, vector<16xi32>,
    %add3A_56 = arith.constant 0 : i32
    %add3A_57 = arith.addi %scan3A_47, %add3A_56 : i32
    %swap3A_58 = arith.index_cast %add3A_57 : i32 to index
    %swap3A_59 = tpu.vector_load %arg7[%swap3A_58] {strides = array<i32>} : memref<10400xi32, #tpu.memory_space<vmem>>, vector<16xi32>,
    tpu.vector_store %arg7[%swap3A_58], %broadcast_in_dim3A_52 {strides = array<i32>} : memref<10400xi32, #tpu.memory_space<vmem>>, vector<16xi32>,
    %add3A_60 = arith.constant 16 : i32
    %add3A_61 = arith.addi %scan3A_47, %add3A_60 : i32
    %swap3A_62 = arith.index_cast %add3A_61 : i32 to index
    %swap3A_63 = tpu.vector_load %arg8[%swap3A_62] {strides = array<i32>} : memref<10400xi32, #tpu.memory_space<vmem>>, vector<16xi32>,
    tpu.vector_store %arg8[%swap3A_62], %broadcast_in_dim3A_50 {strides = array<i32>} : memref<10400xi32, #tpu.memory_space<vmem>>, vector<16xi32>,
    %add3A_64 = arith.constant 16 : i32
    %add3A_65 = arith.addi %scan3A_47, %add3A_64 : i32
    %swap3A_66 = arith.index_cast %add3A_65 : i32 to index
    %swap3A_67 = tpu.vector_load %arg7[%swap3A_66] {strides = array<i32>} : memref<10400xi32, #tpu.memory_space<vmem>>, vector<16xi32>,
    tpu.vector_store %arg7[%swap3A_66], %broadcast_in_dim3A_52 {strides = array<i32>} : memref<10400xi32, #tpu.memory_space<vmem>>, vector<16xi32>,
    %add3A_68 = arith.constant 32 : i32
    %add3A_69 = arith.addi %scan3A_47, %add3A_68 : i32
    %swap3A_70 = arith.index_cast %add3A_69 : i32 to index
    %swap3A_71 = tpu.vector_load %arg8[%swap3A_70] {strides = array<i32>} : memref<10400xi32, #tpu.memory_space<vmem>>, vector<16xi32>,
    tpu.vector_store %arg8[%swap3A_70], %broadcast_in_dim3A_50 {strides = array<i32>} : memref<10400xi32, #tpu.memory_space<vmem>>, vector<16xi32>,
    %add3A_72 = arith.constant 32 : i32
    %add3A_73 = arith.addi %scan3A_47, %add3A_72 : i32
    %swap3A_74 = arith.index_cast %add3A_73 : i32 to index
    %swap3A_75 = tpu.vector_load %arg7[%swap3A_74] {strides = array<i32>} : memref<10400xi32, #tpu.memory_space<vmem>>, vector<16xi32>,
    tpu.vector_store %arg7[%swap3A_74], %broadcast_in_dim3A_52 {strides = array<i32>} : memref<10400xi32, #tpu.memory_space<vmem>>, vector<16xi32>,
    %add3A_76 = arith.constant 48 : i32
    %add3A_77 = arith.addi %scan3A_47, %add3A_76 : i32
    %swap3A_78 = arith.index_cast %add3A_77 : i32 to index
    %swap3A_79 = tpu.vector_load %arg8[%swap3A_78] {strides = array<i32>} : memref<10400xi32, #tpu.memory_space<vmem>>, vector<16xi32>,
    tpu.vector_store %arg8[%swap3A_78], %broadcast_in_dim3A_50 {strides = array<i32>} : memref<10400xi32, #tpu.memory_space<vmem>>, vector<16xi32>,
    %add3A_80 = arith.constant 48 : i32
    %add3A_81 = arith.addi %scan3A_47, %add3A_80 : i32
    %swap3A_82 = arith.index_cast %add3A_81 : i32 to index
    %swap3A_83 = tpu.vector_load %arg7[%swap3A_82] {strides = array<i32>} : memref<10400xi32, #tpu.memory_space<vmem>>, vector<16xi32>,
    tpu.vector_store %arg7[%swap3A_82], %broadcast_in_dim3A_52 {strides = array<i32>} : memref<10400xi32, #tpu.memory_space<vmem>>, vector<16xi32>,
    %add3A_84 = arith.constant 64 : i32
    %add3A_85 = arith.addi %scan3A_47, %add3A_84 : i32
    %swap3A_86 = arith.index_cast %add3A_85 : i32 to index
    %swap3A_87 = tpu.vector_load %arg8[%swap3A_86] {strides = array<i32>} : memref<10400xi32, #tpu.memory_space<vmem>>, vector<16xi32>,
    tpu.vector_store %arg8[%swap3A_86], %broadcast_in_dim3A_50 {strides = array<i32>} : memref<10400xi32, #tpu.memory_space<vmem>>, vector<16xi32>,
    %add3A_88 = arith.constant 64 : i32
    %add3A_89 = arith.addi %scan3A_47, %add3A_88 : i32
    %swap3A_90 = arith.index_cast %add3A_89 : i32 to index
    %swap3A_91 = tpu.vector_load %arg7[%swap3A_90] {strides = array<i32>} : memref<10400xi32, #tpu.memory_space<vmem>>, vector<16xi32>,
    tpu.vector_store %arg7[%swap3A_90], %broadcast_in_dim3A_52 {strides = array<i32>} : memref<10400xi32, #tpu.memory_space<vmem>>, vector<16xi32>,
    %add3A_92 = arith.constant 80 : i32
    %add3A_93 = arith.addi %scan3A_47, %add3A_92 : i32
    %swap3A_94 = arith.index_cast %add3A_93 : i32 to index
    %swap3A_95 = tpu.vector_load %arg8[%swap3A_94] {strides = array<i32>} : memref<10400xi32, #tpu.memory_space<vmem>>, vector<16xi32>,
    tpu.vector_store %arg8[%swap3A_94], %broadcast_in_dim3A_50 {strides = array<i32>} : memref<10400xi32, #tpu.memory_space<vmem>>, vector<16xi32>,
    %add3A_96 = arith.constant 80 : i32
    %add3A_97 = arith.addi %scan3A_47, %add3A_96 : i32
    %swap3A_98 = arith.index_cast %add3A_97 : i32 to index
    %swap3A_99 = tpu.vector_load %arg7[%swap3A_98] {strides = array<i32>} : memref<10400xi32, #tpu.memory_space<vmem>>, vector<16xi32>,
    tpu.vector_store %arg7[%swap3A_98], %broadcast_in_dim3A_52 {strides = array<i32>} : memref<10400xi32, #tpu.memory_space<vmem>>, vector<16xi32>,
    %add3A_100 = arith.constant 80 : i32
    %add3A_101 = arith.addi %scan3A_47, %add3A_100 : i32
    %sub3A = arith.constant 1 : i32
    %sub3A_102 = arith.subi %add3A_101, %sub3A : i32
    %jit3A = arith.constant 80 : i32
    %div3A = arith.divsi %sub3A_102, %jit3A : i32
    %sign3A = arith.constant 0 : i32
    %sign3A_103 = arith.cmpi sgt, %sub3A_102, %sign3A : i32
    %sign3A_104 = arith.extui %sign3A_103 : i1 to i32
    %sign3A_105 = arith.constant 0 : i32
    %sign3A_106 = arith.cmpi slt, %sub3A_102, %sign3A_105 : i32
    %sign3A_107 = arith.extui %sign3A_106 : i1 to i32
    %sign3A_108 = arith.subi %sign3A_104, %sign3A_107 : i32
    %sign3A_109 = arith.constant 0 : i32
    %sign3A_110 = arith.cmpi sgt, %jit3A, %sign3A_109 : i32
    %sign3A_111 = arith.extui %sign3A_110 : i1 to i32
    %sign3A_112 = arith.constant 0 : i32
    %sign3A_113 = arith.cmpi slt, %jit3A, %sign3A_112 : i32
    %sign3A_114 = arith.extui %sign3A_113 : i1 to i32
    %sign3A_115 = arith.subi %sign3A_111, %sign3A_114 : i32
    %ne3A = arith.cmpi ne, %sign3A_108, %sign3A_115 : i32
    %rem3A = arith.remsi %sub3A_102, %jit3A : i32
    %ne3A_116 = arith.constant 0 : i32
    %ne3A_117 = arith.cmpi ne, %rem3A, %ne3A_116 : i32
    %and3A = arith.andi %ne3A, %ne3A_117 : i1
    %sub3A_118 = arith.constant 1 : i32
    %sub3A_119 = arith.subi %div3A, %sub3A_118 : i32
    %select_n3A = arith.select %and3A, %sub3A_119, %div3A : i32
    "tpu.trace_start"() <{level = 10 : i32, message = "c1_edges"}> : () -> ()
    %scan3A_120 = arith.constant 0 : i32
    %scan3A_121 = arith.constant 0 : i32
    %scan3A_122 = arith.constant 128 : i32
    %scan3A_123 = arith.addi %scan3A_121, %scan3A_122 : i32
    %scan3A_124 = arith.constant 1 : i32
    %scan3A_125 = scf.for %scan3A_132 = %scan3A_121 to %scan3A_123 step %scan3A_124 iter_args(%scan3A_133 = %scan3A_120) -> (i32)  : i32 {
      %lt3A = arith.cmpi slt, %scan3A_132, %select_n3A : i32
      %convert_element_type3A = arith.extui %lt3A : i1 to i32
      %cond3A = arith.constant 0 : i32
      %cond3A_134 = arith.cmpi ne, %convert_element_type3A, %cond3A : i32
      scf.if %cond3A_134 {
        %mul3A_136 = arith.constant 80 : i32
        %mul3A_137 = arith.muli %scan3A_132, %mul3A_136 : i32
        %dma_start3A = tpu.memref_slice %arg7[%mul3A_137] : memref<10400xi32, #tpu.memory_space<vmem>> -> memref<80xi32, #tpu.memory_space<vmem>>
        %dma_start3A_138 = arith.constant 0 : i32
        %dma_start3A_139 = arith.constant 0 : i32
        %dma_start3A_140 = tpu.memref_slice %arg2[%dma_start3A_138, %dma_start3A_139] : memref<10000x128xf32, #tpu.memory_space<hbm>> -> memref<10000x128xf32, #tpu.memory_space<hbm>>
        tpu.enqueue_indirect_dma source(%dma_start3A_140 : memref<10000x128xf32, #tpu.memory_space<hbm>>) target(%arg10 : memref<80x128xf32, #tpu.memory_space<vmem>>) offsets(%dma_start3A : memref<80xi32, #tpu.memory_space<vmem>>) semaphore(%arg12 : memref<!tpu.dma_semaphore, #tpu.memory_space<semaphore_mem>>)
        %dma_wait3A = tpu.memref_slice %arg7[%mul3A_137] : memref<10400xi32, #tpu.memory_space<vmem>> -> memref<80xi32, #tpu.memory_space<vmem>>
        %dma_wait3A_141 = arith.constant 0 : i32
        %dma_wait3A_142 = arith.constant 0 : i32
        %dma_wait3A_143 = tpu.memref_slice %arg2[%dma_wait3A_141, %dma_wait3A_142] : memref<10000x128xf32, #tpu.memory_space<hbm>> -> memref<10000x128xf32, #tpu.memory_space<hbm>>
        tpu.wait_indirect_dma semaphore(%arg12 : memref<!tpu.dma_semaphore, #tpu.memory_space<semaphore_mem>>) src(%dma_wait3A_143 : memref<10000x128xf32, #tpu.memory_space<hbm>>) dst(%arg10 : memref<80x128xf32, #tpu.memory_space<vmem>>)
        %mul3A_144 = arith.constant 80 : i32
        %mul3A_145 = arith.muli %scan3A_132, %mul3A_144 : i32
        "tpu.region"() ({
          %run_scoped3A = tpu.sem_alloc : memref<!tpu.dma_semaphore, #tpu.memory_space<semaphore_mem>>
          %dma_start3A_146 = tpu.memref_slice %arg8[%mul3A_145] : memref<10400xi32, #tpu.memory_space<vmem>> -> memref<80xi32, #tpu.memory_space<vmem>>
          %dma_start3A_147 = arith.constant 0 : i32
          %dma_start3A_148 = arith.constant 0 : i32
          %dma_start3A_149 = tpu.memref_slice %arg11[%dma_start3A_147, %dma_start3A_148] : memref<10240x128xf32, #tpu.memory_space<vmem_shared>> -> memref<10240x128xf32, #tpu.memory_space<vmem_shared>>
          tpu.enqueue_indirect_dma source(%arg10 : memref<80x128xf32, #tpu.memory_space<vmem>>) target(%dma_start3A_149 : memref<10240x128xf32, #tpu.memory_space<vmem_shared>>) offsets(%dma_start3A_146 : memref<80xi32, #tpu.memory_space<vmem>>) semaphore(%run_scoped3A : memref<!tpu.dma_semaphore, #tpu.memory_space<semaphore_mem>>) {add = true}
          %dma_wait3A_150 = tpu.memref_slice %arg8[%mul3A_145] : memref<10400xi32, #tpu.memory_space<vmem>> -> memref<80xi32, #tpu.memory_space<vmem>>
          %dma_wait3A_151 = arith.constant 0 : i32
          %dma_wait3A_152 = arith.constant 0 : i32
          %dma_wait3A_153 = tpu.memref_slice %arg11[%dma_wait3A_151, %dma_wait3A_152] : memref<10240x128xf32, #tpu.memory_space<vmem_shared>> -> memref<10240x128xf32, #tpu.memory_space<vmem_shared>>
          tpu.wait_indirect_dma semaphore(%run_scoped3A : memref<!tpu.dma_semaphore, #tpu.memory_space<semaphore_mem>>) src(%arg10 : memref<80x128xf32, #tpu.memory_space<vmem>>) dst(%dma_wait3A_153 : memref<10240x128xf32, #tpu.memory_space<vmem_shared>>)
          tpu.yield
        }) : () -> ()
      } else {
      }
      %scan3A_135 = arith.constant 0 : i32
      scf.yield %scan3A_135 : i32
    }
    %scan3A_126 = arith.constant 128 : i32
    "tpu.trace_stop"() : () -> ()
    %barrier3A_127 = arith.constant 0 : index
    tpu.barrier barrier_id(%barrier3A_127)
    "tpu.trace_start"() <{level = 10 : i32, message = "c1_flush"}> : () -> ()
    %mul3A_128 = arith.constant 640 : i32
    %mul3A_129 = arith.muli %arg1, %mul3A_128 : i32
    %mul3A_130 = arith.constant 640 : i32
    %mul3A_131 = arith.muli %arg1, %mul3A_130 : i32
    "tpu.region"() ({
      %run_scoped3A = tpu.sem_alloc : memref<!tpu.dma_semaphore, #tpu.memory_space<semaphore_mem>>
      %dma_start3A = arith.constant 0 : i32
      %dma_start3A_132 = tpu.memref_slice %arg6[%arg0, %mul3A_131, %dma_start3A] : memref<2x10240x128xf32, #tpu.memory_space<hbm>> -> memref<1x640x128xf32, #tpu.memory_space<hbm>>
      %dma_start3A_133 = tpu.memref_squeeze %dma_start3A_132 : memref<1x640x128xf32, #tpu.memory_space<hbm>> -> memref<640x128xf32, #tpu.memory_space<hbm>>
      %dma_start3A_134 = arith.constant 0 : i32
      %dma_start3A_135 = tpu.memref_slice %arg11[%mul3A_129, %dma_start3A_134] : memref<10240x128xf32, #tpu.memory_space<vmem_shared>> -> memref<640x128xf32, #tpu.memory_space<vmem_shared>>
      tpu.enqueue_dma source(%dma_start3A_135 : memref<640x128xf32, #tpu.memory_space<vmem_shared>>) target(%dma_start3A_133 : memref<640x128xf32, #tpu.memory_space<hbm>>) target_semaphore(%run_scoped3A : memref<!tpu.dma_semaphore, #tpu.memory_space<semaphore_mem>>)
      %dma_wait3A = arith.constant 0 : i32
      %dma_wait3A_136 = tpu.memref_slice %arg6[%arg0, %mul3A_131, %dma_wait3A] : memref<2x10240x128xf32, #tpu.memory_space<hbm>> -> memref<1x640x128xf32, #tpu.memory_space<hbm>>
      %dma_wait3A_137 = tpu.memref_squeeze %dma_wait3A_136 : memref<1x640x128xf32, #tpu.memory_space<hbm>> -> memref<640x128xf32, #tpu.memory_space<hbm>>
      %dma_wait3A_138 = arith.constant 0 : i32
      %dma_wait3A_139 = tpu.memref_slice %arg11[%mul3A_129, %dma_wait3A_138] : memref<10240x128xf32, #tpu.memory_space<vmem_shared>> -> memref<640x128xf32, #tpu.memory_space<vmem_shared>>
      tpu.wait_dma2 semaphore(%run_scoped3A : memref<!tpu.dma_semaphore, #tpu.memory_space<semaphore_mem>>) src(%dma_wait3A_139 : memref<640x128xf32, #tpu.memory_space<vmem_shared>>) dst(%dma_wait3A_137 : memref<640x128xf32, #tpu.memory_space<hbm>>)
      tpu.yield
    }) : () -> ()
    "tpu.trace_stop"() : () -> ()
    return
  }
}

#map = affine_map<(d0, d1) -> (0, 0)>
#map1 = affine_map<(d0, d1) -> (0)>
#map2 = affine_map<(d0, d1) -> (0, 0, 0)>
module attributes {stable_mosaic.version = 14 : i64} {
  func.func @k(%arg0: i32, %arg1: i32, %arg2: memref<10000x128xf32, #tpu.memory_space<hbm>>, %arg3: memref<327680xi32, #tpu.memory_space<hbm>>, %arg4: memref<327680xi32, #tpu.memory_space<hbm>>, %arg5: memref<10016xf32, #tpu.memory_space<hbm>>, %arg6: memref<2x10240x128xf32, #tpu.memory_space<hbm>>, %arg7: memref<10400xi32, #tpu.memory_space<vmem>>, %arg8: memref<10400xi32, #tpu.memory_space<vmem>>, %arg9: memref<10016xf32, #tpu.memory_space<vmem>>, %arg10: memref<80x128xf32, #tpu.memory_space<vmem>>, %arg11: memref<10240x128xf32, #tpu.memory_space<vmem_shared>>, %arg12: memref<!tpu.dma_semaphore, #tpu.memory_space<semaphore_mem>>) attributes {dimension_semantics = [#tpu.dimension_semantics<core_parallel>, #tpu.dimension_semantics<subcore_parallel>], iteration_bounds = array<i64: 2, 16>, scalar_prefetch = 0 : i64, scratch_operands = 6 : i64, tpu.core_type = #tpu.core_type<sc_vector_subcore>, window_params = [{transform_indices = #map}, {transform_indices = #map1}, {transform_indices = #map1}, {transform_indices = #map1}, {transform_indices = #map2}]} {
    %mul3A = arith.constant 16 : i32
    %mul3A_0 = arith.muli %arg0, %mul3A : i32
    %add3A = arith.addi %mul3A_0, %arg1 : i32
    %broadcast_in_dim3A = arith.constant 0.000000e+00 : f32
    %broadcast_in_dim3A_1 = vector.broadcast %broadcast_in_dim3A : f32 to vector<16xf32>
    %scan3A = arith.constant 0 : i32
    %scan3A_2 = arith.constant 0 : i32
    %scan3A_3 = arith.constant 640 : i32
    %scan3A_4 = arith.addi %scan3A_2, %scan3A_3 : i32
    %scan3A_5 = arith.constant 1 : i32
    %scan3A_6 = scf.for %scan3A_132 = %scan3A_2 to %scan3A_4 step %scan3A_5 iter_args(%scan3A_133 = %scan3A) -> (i32)  : i32 {
      %jit3A_134 = arith.constant 8 : i32
      %div3A_135 = arith.divsi %scan3A_132, %jit3A_134 : i32
      %sign3A_136 = arith.constant 0 : i32
      %sign3A_137 = arith.cmpi sgt, %scan3A_132, %sign3A_136 : i32
      %sign3A_138 = arith.extui %sign3A_137 : i1 to i32
      %sign3A_139 = arith.constant 0 : i32
      %sign3A_140 = arith.cmpi slt, %scan3A_132, %sign3A_139 : i32
      %sign3A_141 = arith.extui %sign3A_140 : i1 to i32
      %sign3A_142 = arith.subi %sign3A_138, %sign3A_141 : i32
      %sign3A_143 = arith.constant 0 : i32
      %sign3A_144 = arith.cmpi sgt, %jit3A_134, %sign3A_143 : i32
      %sign3A_145 = arith.extui %sign3A_144 : i1 to i32
      %sign3A_146 = arith.constant 0 : i32
      %sign3A_147 = arith.cmpi slt, %jit3A_134, %sign3A_146 : i32
      %sign3A_148 = arith.extui %sign3A_147 : i1 to i32
      %sign3A_149 = arith.subi %sign3A_145, %sign3A_148 : i32
      %ne3A_150 = arith.cmpi ne, %sign3A_142, %sign3A_149 : i32
      %rem3A_151 = arith.remsi %scan3A_132, %jit3A_134 : i32
      %ne3A_152 = arith.constant 0 : i32
      %ne3A_153 = arith.cmpi ne, %rem3A_151, %ne3A_152 : i32
      %and3A_154 = arith.andi %ne3A_150, %ne3A_153 : i1
      %sub3A_155 = arith.constant 1 : i32
      %sub3A_156 = arith.subi %div3A_135, %sub3A_155 : i32
      %select_n3A_157 = arith.select %and3A_154, %sub3A_156, %div3A_135 : i32
      %jit3A_158 = arith.constant 8 : i32
      %eq3A = arith.constant 0 : i32
      %eq3A_159 = arith.cmpi eq, %jit3A_158, %eq3A : i32
      %jit3A_160 = arith.constant 1 : i32
      %select_n3A_161 = arith.select %eq3A_159, %jit3A_160, %jit3A_158 : i32
      %rem3A_162 = arith.remsi %scan3A_132, %select_n3A_161 : i32
      %ne3A_163 = arith.constant 0 : i32
      %ne3A_164 = arith.cmpi ne, %rem3A_162, %ne3A_163 : i32
      %lt3A = arith.constant 0 : i32
      %lt3A_165 = arith.cmpi slt, %rem3A_162, %lt3A : i32
      %lt3A_166 = arith.constant 0 : i32
      %lt3A_167 = arith.cmpi slt, %select_n3A_161, %lt3A_166 : i32
      %ne3A_168 = arith.xori %lt3A_165, %lt3A_167 : i1
      %and3A_169 = arith.andi %ne3A_168, %ne3A_164 : i1
      %add3A_170 = arith.addi %rem3A_162, %select_n3A_161 : i32
      %select_n3A_171 = arith.select %and3A_169, %add3A_170, %rem3A_162 : i32
      %mul3A_172 = arith.constant 16 : i32
      %mul3A_173 = arith.muli %select_n3A_171, %mul3A_172 : i32
      %swap3A_174 = arith.index_cast %select_n3A_157 : i32 to index
      %swap3A_175 = arith.index_cast %mul3A_173 : i32 to index
      %swap3A_176 = tpu.vector_load %arg10[%swap3A_174, %swap3A_175] {strides = array<i32>} : memref<80x128xf32, #tpu.memory_space<vmem>>, vector<16xf32>,
      tpu.vector_store %arg10[%swap3A_174, %swap3A_175], %broadcast_in_dim3A_1 {strides = array<i32>} : memref<80x128xf32, #tpu.memory_space<vmem>>, vector<16xf32>,
      %scan3A_177 = arith.constant 0 : i32
      scf.yield %scan3A_177 : i32
    }
    %scan3A_7 = arith.constant 640 : i32
    %mul3A_8 = arith.constant 640 : i32
    %mul3A_9 = arith.muli %arg1, %mul3A_8 : i32
    %add3A_10 = arith.constant 0 : i32
    %add3A_11 = arith.addi %mul3A_9, %add3A_10 : i32
    "tpu.region"() ({
      %run_scoped3A = tpu.sem_alloc : memref<!tpu.dma_semaphore, #tpu.memory_space<semaphore_mem>>
      %dma_start3A = arith.constant 0 : i32
      %dma_start3A_132 = tpu.memref_slice %arg11[%add3A_11, %dma_start3A] : memref<10240x128xf32, #tpu.memory_space<vmem_shared>> -> memref<80x128xf32, #tpu.memory_space<vmem_shared>>
      %dma_start3A_133 = arith.constant 0 : i32
      %dma_start3A_134 = tpu.memref_slice %arg11[%add3A_11, %dma_start3A_133] : memref<10240x128xf32, #tpu.memory_space<vmem_shared>> -> memref<80x128xf32, #tpu.memory_space<vmem_shared>>
      tpu.enqueue_dma source(%arg10 : memref<80x128xf32, #tpu.memory_space<vmem>>) target(%dma_start3A_134 : memref<80x128xf32, #tpu.memory_space<vmem_shared>>) target_semaphore(%run_scoped3A : memref<!tpu.dma_semaphore, #tpu.memory_space<semaphore_mem>>)
      %dma_wait3A = arith.constant 0 : i32
      %dma_wait3A_135 = tpu.memref_slice %arg11[%add3A_11, %dma_wait3A] : memref<10240x128xf32, #tpu.memory_space<vmem_shared>> -> memref<80x128xf32, #tpu.memory_space<vmem_shared>>
      %dma_wait3A_136 = arith.constant 0 : i32
      %dma_wait3A_137 = tpu.memref_slice %arg11[%add3A_11, %dma_wait3A_136] : memref<10240x128xf32, #tpu.memory_space<vmem_shared>> -> memref<80x128xf32, #tpu.memory_space<vmem_shared>>
      tpu.wait_dma2 semaphore(%run_scoped3A : memref<!tpu.dma_semaphore, #tpu.memory_space<semaphore_mem>>) src(%arg10 : memref<80x128xf32, #tpu.memory_space<vmem>>) dst(%dma_wait3A_137 : memref<80x128xf32, #tpu.memory_space<vmem_shared>>)
      tpu.yield
    }) : () -> ()
    %mul3A_12 = arith.constant 640 : i32
    %mul3A_13 = arith.muli %arg1, %mul3A_12 : i32
    %add3A_14 = arith.constant 80 : i32
    %add3A_15 = arith.addi %mul3A_13, %add3A_14 : i32
    "tpu.region"() ({
      %run_scoped3A = tpu.sem_alloc : memref<!tpu.dma_semaphore, #tpu.memory_space<semaphore_mem>>
      %dma_start3A = arith.constant 0 : i32
      %dma_start3A_132 = tpu.memref_slice %arg11[%add3A_15, %dma_start3A] : memref<10240x128xf32, #tpu.memory_space<vmem_shared>> -> memref<80x128xf32, #tpu.memory_space<vmem_shared>>
      %dma_start3A_133 = arith.constant 0 : i32
      %dma_start3A_134 = tpu.memref_slice %arg11[%add3A_15, %dma_start3A_133] : memref<10240x128xf32, #tpu.memory_space<vmem_shared>> -> memref<80x128xf32, #tpu.memory_space<vmem_shared>>
      tpu.enqueue_dma source(%arg10 : memref<80x128xf32, #tpu.memory_space<vmem>>) target(%dma_start3A_134 : memref<80x128xf32, #tpu.memory_space<vmem_shared>>) target_semaphore(%run_scoped3A : memref<!tpu.dma_semaphore, #tpu.memory_space<semaphore_mem>>)
      %dma_wait3A = arith.constant 0 : i32
      %dma_wait3A_135 = tpu.memref_slice %arg11[%add3A_15, %dma_wait3A] : memref<10240x128xf32, #tpu.memory_space<vmem_shared>> -> memref<80x128xf32, #tpu.memory_space<vmem_shared>>
      %dma_wait3A_136 = arith.constant 0 : i32
      %dma_wait3A_137 = tpu.memref_slice %arg11[%add3A_15, %dma_wait3A_136] : memref<10240x128xf32, #tpu.memory_space<vmem_shared>> -> memref<80x128xf32, #tpu.memory_space<vmem_shared>>
      tpu.wait_dma2 semaphore(%run_scoped3A : memref<!tpu.dma_semaphore, #tpu.memory_space<semaphore_mem>>) src(%arg10 : memref<80x128xf32, #tpu.memory_space<vmem>>) dst(%dma_wait3A_137 : memref<80x128xf32, #tpu.memory_space<vmem_shared>>)
      tpu.yield
    }) : () -> ()
    %mul3A_16 = arith.constant 640 : i32
    %mul3A_17 = arith.muli %arg1, %mul3A_16 : i32
    %add3A_18 = arith.constant 160 : i32
    %add3A_19 = arith.addi %mul3A_17, %add3A_18 : i32
    "tpu.region"() ({
      %run_scoped3A = tpu.sem_alloc : memref<!tpu.dma_semaphore, #tpu.memory_space<semaphore_mem>>
      %dma_start3A = arith.constant 0 : i32
      %dma_start3A_132 = tpu.memref_slice %arg11[%add3A_19, %dma_start3A] : memref<10240x128xf32, #tpu.memory_space<vmem_shared>> -> memref<80x128xf32, #tpu.memory_space<vmem_shared>>
      %dma_start3A_133 = arith.constant 0 : i32
      %dma_start3A_134 = tpu.memref_slice %arg11[%add3A_19, %dma_start3A_133] : memref<10240x128xf32, #tpu.memory_space<vmem_shared>> -> memref<80x128xf32, #tpu.memory_space<vmem_shared>>
      tpu.enqueue_dma source(%arg10 : memref<80x128xf32, #tpu.memory_space<vmem>>) target(%dma_start3A_134 : memref<80x128xf32, #tpu.memory_space<vmem_shared>>) target_semaphore(%run_scoped3A : memref<!tpu.dma_semaphore, #tpu.memory_space<semaphore_mem>>)
      %dma_wait3A = arith.constant 0 : i32
      %dma_wait3A_135 = tpu.memref_slice %arg11[%add3A_19, %dma_wait3A] : memref<10240x128xf32, #tpu.memory_space<vmem_shared>> -> memref<80x128xf32, #tpu.memory_space<vmem_shared>>
      %dma_wait3A_136 = arith.constant 0 : i32
      %dma_wait3A_137 = tpu.memref_slice %arg11[%add3A_19, %dma_wait3A_136] : memref<10240x128xf32, #tpu.memory_space<vmem_shared>> -> memref<80x128xf32, #tpu.memory_space<vmem_shared>>
      tpu.wait_dma2 semaphore(%run_scoped3A : memref<!tpu.dma_semaphore, #tpu.memory_space<semaphore_mem>>) src(%arg10 : memref<80x128xf32, #tpu.memory_space<vmem>>) dst(%dma_wait3A_137 : memref<80x128xf32, #tpu.memory_space<vmem_shared>>)
      tpu.yield
    }) : () -> ()
    %mul3A_20 = arith.constant 640 : i32
    %mul3A_21 = arith.muli %arg1, %mul3A_20 : i32
    %add3A_22 = arith.constant 240 : i32
    %add3A_23 = arith.addi %mul3A_21, %add3A_22 : i32
    "tpu.region"() ({
      %run_scoped3A = tpu.sem_alloc : memref<!tpu.dma_semaphore, #tpu.memory_space<semaphore_mem>>
      %dma_start3A = arith.constant 0 : i32
      %dma_start3A_132 = tpu.memref_slice %arg11[%add3A_23, %dma_start3A] : memref<10240x128xf32, #tpu.memory_space<vmem_shared>> -> memref<80x128xf32, #tpu.memory_space<vmem_shared>>
      %dma_start3A_133 = arith.constant 0 : i32
      %dma_start3A_134 = tpu.memref_slice %arg11[%add3A_23, %dma_start3A_133] : memref<10240x128xf32, #tpu.memory_space<vmem_shared>> -> memref<80x128xf32, #tpu.memory_space<vmem_shared>>
      tpu.enqueue_dma source(%arg10 : memref<80x128xf32, #tpu.memory_space<vmem>>) target(%dma_start3A_134 : memref<80x128xf32, #tpu.memory_space<vmem_shared>>) target_semaphore(%run_scoped3A : memref<!tpu.dma_semaphore, #tpu.memory_space<semaphore_mem>>)
      %dma_wait3A = arith.constant 0 : i32
      %dma_wait3A_135 = tpu.memref_slice %arg11[%add3A_23, %dma_wait3A] : memref<10240x128xf32, #tpu.memory_space<vmem_shared>> -> memref<80x128xf32, #tpu.memory_space<vmem_shared>>
      %dma_wait3A_136 = arith.constant 0 : i32
      %dma_wait3A_137 = tpu.memref_slice %arg11[%add3A_23, %dma_wait3A_136] : memref<10240x128xf32, #tpu.memory_space<vmem_shared>> -> memref<80x128xf32, #tpu.memory_space<vmem_shared>>
      tpu.wait_dma2 semaphore(%run_scoped3A : memref<!tpu.dma_semaphore, #tpu.memory_space<semaphore_mem>>) src(%arg10 : memref<80x128xf32, #tpu.memory_space<vmem>>) dst(%dma_wait3A_137 : memref<80x128xf32, #tpu.memory_space<vmem_shared>>)
      tpu.yield
    }) : () -> ()
    %mul3A_24 = arith.constant 640 : i32
    %mul3A_25 = arith.muli %arg1, %mul3A_24 : i32
    %add3A_26 = arith.constant 320 : i32
    %add3A_27 = arith.addi %mul3A_25, %add3A_26 : i32
    "tpu.region"() ({
      %run_scoped3A = tpu.sem_alloc : memref<!tpu.dma_semaphore, #tpu.memory_space<semaphore_mem>>
      %dma_start3A = arith.constant 0 : i32
      %dma_start3A_132 = tpu.memref_slice %arg11[%add3A_27, %dma_start3A] : memref<10240x128xf32, #tpu.memory_space<vmem_shared>> -> memref<80x128xf32, #tpu.memory_space<vmem_shared>>
      %dma_start3A_133 = arith.constant 0 : i32
      %dma_start3A_134 = tpu.memref_slice %arg11[%add3A_27, %dma_start3A_133] : memref<10240x128xf32, #tpu.memory_space<vmem_shared>> -> memref<80x128xf32, #tpu.memory_space<vmem_shared>>
      tpu.enqueue_dma source(%arg10 : memref<80x128xf32, #tpu.memory_space<vmem>>) target(%dma_start3A_134 : memref<80x128xf32, #tpu.memory_space<vmem_shared>>) target_semaphore(%run_scoped3A : memref<!tpu.dma_semaphore, #tpu.memory_space<semaphore_mem>>)
      %dma_wait3A = arith.constant 0 : i32
      %dma_wait3A_135 = tpu.memref_slice %arg11[%add3A_27, %dma_wait3A] : memref<10240x128xf32, #tpu.memory_space<vmem_shared>> -> memref<80x128xf32, #tpu.memory_space<vmem_shared>>
      %dma_wait3A_136 = arith.constant 0 : i32
      %dma_wait3A_137 = tpu.memref_slice %arg11[%add3A_27, %dma_wait3A_136] : memref<10240x128xf32, #tpu.memory_space<vmem_shared>> -> memref<80x128xf32, #tpu.memory_space<vmem_shared>>
      tpu.wait_dma2 semaphore(%run_scoped3A : memref<!tpu.dma_semaphore, #tpu.memory_space<semaphore_mem>>) src(%arg10 : memref<80x128xf32, #tpu.memory_space<vmem>>) dst(%dma_wait3A_137 : memref<80x128xf32, #tpu.memory_space<vmem_shared>>)
      tpu.yield
    }) : () -> ()
    %mul3A_28 = arith.constant 640 : i32
    %mul3A_29 = arith.muli %arg1, %mul3A_28 : i32
    %add3A_30 = arith.constant 400 : i32
    %add3A_31 = arith.addi %mul3A_29, %add3A_30 : i32
    "tpu.region"() ({
      %run_scoped3A = tpu.sem_alloc : memref<!tpu.dma_semaphore, #tpu.memory_space<semaphore_mem>>
      %dma_start3A = arith.constant 0 : i32
      %dma_start3A_132 = tpu.memref_slice %arg11[%add3A_31, %dma_start3A] : memref<10240x128xf32, #tpu.memory_space<vmem_shared>> -> memref<80x128xf32, #tpu.memory_space<vmem_shared>>
      %dma_start3A_133 = arith.constant 0 : i32
      %dma_start3A_134 = tpu.memref_slice %arg11[%add3A_31, %dma_start3A_133] : memref<10240x128xf32, #tpu.memory_space<vmem_shared>> -> memref<80x128xf32, #tpu.memory_space<vmem_shared>>
      tpu.enqueue_dma source(%arg10 : memref<80x128xf32, #tpu.memory_space<vmem>>) target(%dma_start3A_134 : memref<80x128xf32, #tpu.memory_space<vmem_shared>>) target_semaphore(%run_scoped3A : memref<!tpu.dma_semaphore, #tpu.memory_space<semaphore_mem>>)
      %dma_wait3A = arith.constant 0 : i32
      %dma_wait3A_135 = tpu.memref_slice %arg11[%add3A_31, %dma_wait3A] : memref<10240x128xf32, #tpu.memory_space<vmem_shared>> -> memref<80x128xf32, #tpu.memory_space<vmem_shared>>
      %dma_wait3A_136 = arith.constant 0 : i32
      %dma_wait3A_137 = tpu.memref_slice %arg11[%add3A_31, %dma_wait3A_136] : memref<10240x128xf32, #tpu.memory_space<vmem_shared>> -> memref<80x128xf32, #tpu.memory_space<vmem_shared>>
      tpu.wait_dma2 semaphore(%run_scoped3A : memref<!tpu.dma_semaphore, #tpu.memory_space<semaphore_mem>>) src(%arg10 : memref<80x128xf32, #tpu.memory_space<vmem>>) dst(%dma_wait3A_137 : memref<80x128xf32, #tpu.memory_space<vmem_shared>>)
      tpu.yield
    }) : () -> ()
    %mul3A_32 = arith.constant 640 : i32
    %mul3A_33 = arith.muli %arg1, %mul3A_32 : i32
    %add3A_34 = arith.constant 480 : i32
    %add3A_35 = arith.addi %mul3A_33, %add3A_34 : i32
    "tpu.region"() ({
      %run_scoped3A = tpu.sem_alloc : memref<!tpu.dma_semaphore, #tpu.memory_space<semaphore_mem>>
      %dma_start3A = arith.constant 0 : i32
      %dma_start3A_132 = tpu.memref_slice %arg11[%add3A_35, %dma_start3A] : memref<10240x128xf32, #tpu.memory_space<vmem_shared>> -> memref<80x128xf32, #tpu.memory_space<vmem_shared>>
      %dma_start3A_133 = arith.constant 0 : i32
      %dma_start3A_134 = tpu.memref_slice %arg11[%add3A_35, %dma_start3A_133] : memref<10240x128xf32, #tpu.memory_space<vmem_shared>> -> memref<80x128xf32, #tpu.memory_space<vmem_shared>>
      tpu.enqueue_dma source(%arg10 : memref<80x128xf32, #tpu.memory_space<vmem>>) target(%dma_start3A_134 : memref<80x128xf32, #tpu.memory_space<vmem_shared>>) target_semaphore(%run_scoped3A : memref<!tpu.dma_semaphore, #tpu.memory_space<semaphore_mem>>)
      %dma_wait3A = arith.constant 0 : i32
      %dma_wait3A_135 = tpu.memref_slice %arg11[%add3A_35, %dma_wait3A] : memref<10240x128xf32, #tpu.memory_space<vmem_shared>> -> memref<80x128xf32, #tpu.memory_space<vmem_shared>>
      %dma_wait3A_136 = arith.constant 0 : i32
      %dma_wait3A_137 = tpu.memref_slice %arg11[%add3A_35, %dma_wait3A_136] : memref<10240x128xf32, #tpu.memory_space<vmem_shared>> -> memref<80x128xf32, #tpu.memory_space<vmem_shared>>
      tpu.wait_dma2 semaphore(%run_scoped3A : memref<!tpu.dma_semaphore, #tpu.memory_space<semaphore_mem>>) src(%arg10 : memref<80x128xf32, #tpu.memory_space<vmem>>) dst(%dma_wait3A_137 : memref<80x128xf32, #tpu.memory_space<vmem_shared>>)
      tpu.yield
    }) : () -> ()
    %mul3A_36 = arith.constant 640 : i32
    %mul3A_37 = arith.muli %arg1, %mul3A_36 : i32
    %add3A_38 = arith.constant 560 : i32
    %add3A_39 = arith.addi %mul3A_37, %add3A_38 : i32
    "tpu.region"() ({
      %run_scoped3A = tpu.sem_alloc : memref<!tpu.dma_semaphore, #tpu.memory_space<semaphore_mem>>
      %dma_start3A = arith.constant 0 : i32
      %dma_start3A_132 = tpu.memref_slice %arg11[%add3A_39, %dma_start3A] : memref<10240x128xf32, #tpu.memory_space<vmem_shared>> -> memref<80x128xf32, #tpu.memory_space<vmem_shared>>
      %dma_start3A_133 = arith.constant 0 : i32
      %dma_start3A_134 = tpu.memref_slice %arg11[%add3A_39, %dma_start3A_133] : memref<10240x128xf32, #tpu.memory_space<vmem_shared>> -> memref<80x128xf32, #tpu.memory_space<vmem_shared>>
      tpu.enqueue_dma source(%arg10 : memref<80x128xf32, #tpu.memory_space<vmem>>) target(%dma_start3A_134 : memref<80x128xf32, #tpu.memory_space<vmem_shared>>) target_semaphore(%run_scoped3A : memref<!tpu.dma_semaphore, #tpu.memory_space<semaphore_mem>>)
      %dma_wait3A = arith.constant 0 : i32
      %dma_wait3A_135 = tpu.memref_slice %arg11[%add3A_39, %dma_wait3A] : memref<10240x128xf32, #tpu.memory_space<vmem_shared>> -> memref<80x128xf32, #tpu.memory_space<vmem_shared>>
      %dma_wait3A_136 = arith.constant 0 : i32
      %dma_wait3A_137 = tpu.memref_slice %arg11[%add3A_39, %dma_wait3A_136] : memref<10240x128xf32, #tpu.memory_space<vmem_shared>> -> memref<80x128xf32, #tpu.memory_space<vmem_shared>>
      tpu.wait_dma2 semaphore(%run_scoped3A : memref<!tpu.dma_semaphore, #tpu.memory_space<semaphore_mem>>) src(%arg10 : memref<80x128xf32, #tpu.memory_space<vmem>>) dst(%dma_wait3A_137 : memref<80x128xf32, #tpu.memory_space<vmem_shared>>)
      tpu.yield
    }) : () -> ()
    %barrier3A = arith.constant 0 : index
    tpu.barrier barrier_id(%barrier3A)
    %mul3A_40 = arith.constant 10240 : i32
    %mul3A_41 = arith.muli %add3A, %mul3A_40 : i32
    "tpu.region"() ({
      %run_scoped3A = tpu.sem_alloc : memref<!tpu.dma_semaphore, #tpu.memory_space<semaphore_mem>>
      %dma_start3A = arith.constant 0 : i32
      %dma_start3A_132 = tpu.memref_slice %arg7[%dma_start3A] : memref<10400xi32, #tpu.memory_space<vmem>> -> memref<10240xi32, #tpu.memory_space<vmem>>
      %dma_start3A_133 = tpu.memref_slice %arg3[%mul3A_41] : memref<327680xi32, #tpu.memory_space<hbm>> -> memref<10240xi32, #tpu.memory_space<hbm>>
      %dma_start3A_134 = arith.constant 0 : i32
      %dma_start3A_135 = tpu.memref_slice %arg7[%dma_start3A_134] : memref<10400xi32, #tpu.memory_space<vmem>> -> memref<10240xi32, #tpu.memory_space<vmem>>
      %dma_start3A_136 = tpu.memref_slice %arg3[%mul3A_41] : memref<327680xi32, #tpu.memory_space<hbm>> -> memref<10240xi32, #tpu.memory_space<hbm>>
      tpu.enqueue_dma source(%dma_start3A_136 : memref<10240xi32, #tpu.memory_space<hbm>>) target(%dma_start3A_135 : memref<10240xi32, #tpu.memory_space<vmem>>) target_semaphore(%run_scoped3A : memref<!tpu.dma_semaphore, #tpu.memory_space<semaphore_mem>>)
      %dma_wait3A = arith.constant 0 : i32
      %dma_wait3A_137 = tpu.memref_slice %arg7[%dma_wait3A] : memref<10400xi32, #tpu.memory_space<vmem>> -> memref<10240xi32, #tpu.memory_space<vmem>>
      %dma_wait3A_138 = tpu.memref_slice %arg3[%mul3A_41] : memref<327680xi32, #tpu.memory_space<hbm>> -> memref<10240xi32, #tpu.memory_space<hbm>>
      %dma_wait3A_139 = arith.constant 0 : i32
      %dma_wait3A_140 = tpu.memref_slice %arg7[%dma_wait3A_139] : memref<10400xi32, #tpu.memory_space<vmem>> -> memref<10240xi32, #tpu.memory_space<vmem>>
      %dma_wait3A_141 = tpu.memref_slice %arg3[%mul3A_41] : memref<327680xi32, #tpu.memory_space<hbm>> -> memref<10240xi32, #tpu.memory_space<hbm>>
      tpu.wait_dma2 semaphore(%run_scoped3A : memref<!tpu.dma_semaphore, #tpu.memory_space<semaphore_mem>>) src(%dma_wait3A_141 : memref<10240xi32, #tpu.memory_space<hbm>>) dst(%dma_wait3A_140 : memref<10240xi32, #tpu.memory_space<vmem>>)
      tpu.yield
    }) : () -> ()
    "tpu.region"() ({
      %run_scoped3A = tpu.sem_alloc : memref<!tpu.dma_semaphore, #tpu.memory_space<semaphore_mem>>
      %dma_start3A = arith.constant 0 : i32
      %dma_start3A_132 = tpu.memref_slice %arg8[%dma_start3A] : memref<10400xi32, #tpu.memory_space<vmem>> -> memref<10240xi32, #tpu.memory_space<vmem>>
      %dma_start3A_133 = tpu.memref_slice %arg4[%mul3A_41] : memref<327680xi32, #tpu.memory_space<hbm>> -> memref<10240xi32, #tpu.memory_space<hbm>>
      %dma_start3A_134 = arith.constant 0 : i32
      %dma_start3A_135 = tpu.memref_slice %arg8[%dma_start3A_134] : memref<10400xi32, #tpu.memory_space<vmem>> -> memref<10240xi32, #tpu.memory_space<vmem>>
      %dma_start3A_136 = tpu.memref_slice %arg4[%mul3A_41] : memref<327680xi32, #tpu.memory_space<hbm>> -> memref<10240xi32, #tpu.memory_space<hbm>>
      tpu.enqueue_dma source(%dma_start3A_136 : memref<10240xi32, #tpu.memory_space<hbm>>) target(%dma_start3A_135 : memref<10240xi32, #tpu.memory_space<vmem>>) target_semaphore(%run_scoped3A : memref<!tpu.dma_semaphore, #tpu.memory_space<semaphore_mem>>)
      %dma_wait3A = arith.constant 0 : i32
      %dma_wait3A_137 = tpu.memref_slice %arg8[%dma_wait3A] : memref<10400xi32, #tpu.memory_space<vmem>> -> memref<10240xi32, #tpu.memory_space<vmem>>
      %dma_wait3A_138 = tpu.memref_slice %arg4[%mul3A_41] : memref<327680xi32, #tpu.memory_space<hbm>> -> memref<10240xi32, #tpu.memory_space<hbm>>
      %dma_wait3A_139 = arith.constant 0 : i32
      %dma_wait3A_140 = tpu.memref_slice %arg8[%dma_wait3A_139] : memref<10400xi32, #tpu.memory_space<vmem>> -> memref<10240xi32, #tpu.memory_space<vmem>>
      %dma_wait3A_141 = tpu.memref_slice %arg4[%mul3A_41] : memref<327680xi32, #tpu.memory_space<hbm>> -> memref<10240xi32, #tpu.memory_space<hbm>>
      tpu.wait_dma2 semaphore(%run_scoped3A : memref<!tpu.dma_semaphore, #tpu.memory_space<semaphore_mem>>) src(%dma_wait3A_141 : memref<10240xi32, #tpu.memory_space<hbm>>) dst(%dma_wait3A_140 : memref<10240xi32, #tpu.memory_space<vmem>>)
      tpu.yield
    }) : () -> ()
    "tpu.region"() ({
      %run_scoped3A = tpu.sem_alloc : memref<!tpu.dma_semaphore, #tpu.memory_space<semaphore_mem>>
      tpu.enqueue_dma source(%arg5 : memref<10016xf32, #tpu.memory_space<hbm>>) target(%arg9 : memref<10016xf32, #tpu.memory_space<vmem>>) target_semaphore(%run_scoped3A : memref<!tpu.dma_semaphore, #tpu.memory_space<semaphore_mem>>)
      tpu.wait_dma2 semaphore(%run_scoped3A : memref<!tpu.dma_semaphore, #tpu.memory_space<semaphore_mem>>) src(%arg5 : memref<10016xf32, #tpu.memory_space<hbm>>) dst(%arg9 : memref<10016xf32, #tpu.memory_space<vmem>>)
      tpu.yield
    }) : () -> ()
    %scan3A_42 = arith.constant 0 : i32
    %scan3A_43 = arith.constant 0 : i32
    %scan3A_44 = arith.constant 640 : i32
    %scan3A_45 = arith.addi %scan3A_43, %scan3A_44 : i32
    %scan3A_46 = arith.constant 1 : i32
    %scan3A_47 = scf.for %scan3A_132 = %scan3A_43 to %scan3A_45 step %scan3A_46 iter_args(%scan3A_133 = %scan3A_42) -> (i32)  : i32 {
      %mul3A_134 = arith.constant 16 : i32
      %mul3A_135 = arith.muli %scan3A_132, %mul3A_134 : i32
      %get3A = arith.index_cast %mul3A_135 : i32 to index
      %get3A_136 = tpu.vector_load %arg8[%get3A] {strides = array<i32>} : memref<10400xi32, #tpu.memory_space<vmem>>, vector<16xi32>,
      %mul3A_137 = arith.constant 16 : i32
      %mul3A_138 = arith.muli %scan3A_132, %mul3A_137 : i32
      %get3A_139 = arith.index_cast %mul3A_138 : i32 to index
      %get3A_140 = tpu.vector_load %arg7[%get3A_139] {strides = array<i32>} : memref<10400xi32, #tpu.memory_space<vmem>>, vector<16xi32>,
      %gather3A = tpu.vector_load_idx %arg9[%get3A_136] : memref<10016xf32, #tpu.memory_space<vmem>>[vector<16xi32>], vector<16xf32>,
      %gt3A = arith.constant 0.000000e+00 : f32
      %gt3A_141 = vector.broadcast %gt3A : f32 to vector<16xf32>
      %gt3A_142 = arith.cmpf ogt, %gather3A, %gt3A_141 : vector<16xf32>
      %swap3A_143 = arith.index_cast %scan3A_133 : i32 to index
      %swap3A_144 = tpu.vector_load %arg8[%swap3A_143] masked %gt3A_142 {strides = array<i32>} : memref<10400xi32, #tpu.memory_space<vmem>>, vector<16xi32>, vector<16xi1>
      tpu.vector_store %arg8[%swap3A_143], %get3A_136 masked %gt3A_142 {strides = array<i32>} : memref<10400xi32, #tpu.memory_space<vmem>>, vector<16xi32>, vector<16xi1>
      %swap3A_145 = arith.index_cast %scan3A_133 : i32 to index
      %swap3A_146 = tpu.vector_load %arg7[%swap3A_145] masked %gt3A_142 {strides = array<i32>} : memref<10400xi32, #tpu.memory_space<vmem>>, vector<16xi32>, vector<16xi1>
      tpu.vector_store %arg7[%swap3A_145], %get3A_140 masked %gt3A_142 {strides = array<i32>} : memref<10400xi32, #tpu.memory_space<vmem>>, vector<16xi32>, vector<16xi1>
      %convert_element_type3A = arith.extui %gt3A_142 : vector<16xi1> to vector<16xi32>
      %reduce_sum3A = arith.constant true
      %reduce_sum3A_147 = vector.broadcast %reduce_sum3A : i1 to vector<16xi1>
      %reduce_sum3A_148 = tpu.scan <sum>, %convert_element_type3A masked %reduce_sum3A_147 : vector<16xi32>, vector<16xi1> -> vector<16xi32>
      %reduce_sum3A_149 = vector.extract %reduce_sum3A_148[15] : i32 from vector<16xi32>
      %add3A_150 = arith.addi %scan3A_133, %reduce_sum3A_149 : i32
      scf.yield %add3A_150 : i32
    }
    %scan3A_48 = arith.constant 640 : i32
    %broadcast_in_dim3A_49 = arith.constant 10232 : i32
    %broadcast_in_dim3A_50 = vector.broadcast %broadcast_in_dim3A_49 : i32 to vector<16xi32>
    %broadcast_in_dim3A_51 = arith.constant 0 : i32
    %broadcast_in_dim3A_52 = vector.broadcast %broadcast_in_dim3A_51 : i32 to vector<16xi32>
    %add3A_53 = arith.constant 0 : i32
    %add3A_54 = arith.addi %scan3A_47, %add3A_53 : i32
    %swap3A = arith.index_cast %add3A_54 : i32 to index
    %swap3A_55 = tpu.vector_load %arg8[%swap3A] {strides = array<i32>} : memref<10400xi32, #tpu.memory_space<vmem>>, vector<16xi32>,
    tpu.vector_store %arg8[%swap3A], %broadcast_in_dim3A_50 {strides = array<i32>} : memref<10400xi32, #tpu.memory_space<vmem>>, vector<16xi32>,
    %add3A_56 = arith.constant 0 : i32
    %add3A_57 = arith.addi %scan3A_47, %add3A_56 : i32
    %swap3A_58 = arith.index_cast %add3A_57 : i32 to index
    %swap3A_59 = tpu.vector_load %arg7[%swap3A_58] {strides = array<i32>} : memref<10400xi32, #tpu.memory_space<vmem>>, vector<16xi32>,
    tpu.vector_store %arg7[%swap3A_58], %broadcast_in_dim3A_52 {strides = array<i32>} : memref<10400xi32, #tpu.memory_space<vmem>>, vector<16xi32>,
    %add3A_60 = arith.constant 16 : i32
    %add3A_61 = arith.addi %scan3A_47, %add3A_60 : i32
    %swap3A_62 = arith.index_cast %add3A_61 : i32 to index
    %swap3A_63 = tpu.vector_load %arg8[%swap3A_62] {strides = array<i32>} : memref<10400xi32, #tpu.memory_space<vmem>>, vector<16xi32>,
    tpu.vector_store %arg8[%swap3A_62], %broadcast_in_dim3A_50 {strides = array<i32>} : memref<10400xi32, #tpu.memory_space<vmem>>, vector<16xi32>,
    %add3A_64 = arith.constant 16 : i32
    %add3A_65 = arith.addi %scan3A_47, %add3A_64 : i32
    %swap3A_66 = arith.index_cast %add3A_65 : i32 to index
    %swap3A_67 = tpu.vector_load %arg7[%swap3A_66] {strides = array<i32>} : memref<10400xi32, #tpu.memory_space<vmem>>, vector<16xi32>,
    tpu.vector_store %arg7[%swap3A_66], %broadcast_in_dim3A_52 {strides = array<i32>} : memref<10400xi32, #tpu.memory_space<vmem>>, vector<16xi32>,
    %add3A_68 = arith.constant 32 : i32
    %add3A_69 = arith.addi %scan3A_47, %add3A_68 : i32
    %swap3A_70 = arith.index_cast %add3A_69 : i32 to index
    %swap3A_71 = tpu.vector_load %arg8[%swap3A_70] {strides = array<i32>} : memref<10400xi32, #tpu.memory_space<vmem>>, vector<16xi32>,
    tpu.vector_store %arg8[%swap3A_70], %broadcast_in_dim3A_50 {strides = array<i32>} : memref<10400xi32, #tpu.memory_space<vmem>>, vector<16xi32>,
    %add3A_72 = arith.constant 32 : i32
    %add3A_73 = arith.addi %scan3A_47, %add3A_72 : i32
    %swap3A_74 = arith.index_cast %add3A_73 : i32 to index
    %swap3A_75 = tpu.vector_load %arg7[%swap3A_74] {strides = array<i32>} : memref<10400xi32, #tpu.memory_space<vmem>>, vector<16xi32>,
    tpu.vector_store %arg7[%swap3A_74], %broadcast_in_dim3A_52 {strides = array<i32>} : memref<10400xi32, #tpu.memory_space<vmem>>, vector<16xi32>,
    %add3A_76 = arith.constant 48 : i32
    %add3A_77 = arith.addi %scan3A_47, %add3A_76 : i32
    %swap3A_78 = arith.index_cast %add3A_77 : i32 to index
    %swap3A_79 = tpu.vector_load %arg8[%swap3A_78] {strides = array<i32>} : memref<10400xi32, #tpu.memory_space<vmem>>, vector<16xi32>,
    tpu.vector_store %arg8[%swap3A_78], %broadcast_in_dim3A_50 {strides = array<i32>} : memref<10400xi32, #tpu.memory_space<vmem>>, vector<16xi32>,
    %add3A_80 = arith.constant 48 : i32
    %add3A_81 = arith.addi %scan3A_47, %add3A_80 : i32
    %swap3A_82 = arith.index_cast %add3A_81 : i32 to index
    %swap3A_83 = tpu.vector_load %arg7[%swap3A_82] {strides = array<i32>} : memref<10400xi32, #tpu.memory_space<vmem>>, vector<16xi32>,
    tpu.vector_store %arg7[%swap3A_82], %broadcast_in_dim3A_52 {strides = array<i32>} : memref<10400xi32, #tpu.memory_space<vmem>>, vector<16xi32>,
    %add3A_84 = arith.constant 64 : i32
    %add3A_85 = arith.addi %scan3A_47, %add3A_84 : i32
    %swap3A_86 = arith.index_cast %add3A_85 : i32 to index
    %swap3A_87 = tpu.vector_load %arg8[%swap3A_86] {strides = array<i32>} : memref<10400xi32, #tpu.memory_space<vmem>>, vector<16xi32>,
    tpu.vector_store %arg8[%swap3A_86], %broadcast_in_dim3A_50 {strides = array<i32>} : memref<10400xi32, #tpu.memory_space<vmem>>, vector<16xi32>,
    %add3A_88 = arith.constant 64 : i32
    %add3A_89 = arith.addi %scan3A_47, %add3A_88 : i32
    %swap3A_90 = arith.index_cast %add3A_89 : i32 to index
    %swap3A_91 = tpu.vector_load %arg7[%swap3A_90] {strides = array<i32>} : memref<10400xi32, #tpu.memory_space<vmem>>, vector<16xi32>,
    tpu.vector_store %arg7[%swap3A_90], %broadcast_in_dim3A_52 {strides = array<i32>} : memref<10400xi32, #tpu.memory_space<vmem>>, vector<16xi32>,
    %add3A_92 = arith.constant 80 : i32
    %add3A_93 = arith.addi %scan3A_47, %add3A_92 : i32
    %swap3A_94 = arith.index_cast %add3A_93 : i32 to index
    %swap3A_95 = tpu.vector_load %arg8[%swap3A_94] {strides = array<i32>} : memref<10400xi32, #tpu.memory_space<vmem>>, vector<16xi32>,
    tpu.vector_store %arg8[%swap3A_94], %broadcast_in_dim3A_50 {strides = array<i32>} : memref<10400xi32, #tpu.memory_space<vmem>>, vector<16xi32>,
    %add3A_96 = arith.constant 80 : i32
    %add3A_97 = arith.addi %scan3A_47, %add3A_96 : i32
    %swap3A_98 = arith.index_cast %add3A_97 : i32 to index
    %swap3A_99 = tpu.vector_load %arg7[%swap3A_98] {strides = array<i32>} : memref<10400xi32, #tpu.memory_space<vmem>>, vector<16xi32>,
    tpu.vector_store %arg7[%swap3A_98], %broadcast_in_dim3A_52 {strides = array<i32>} : memref<10400xi32, #tpu.memory_space<vmem>>, vector<16xi32>,
    %add3A_100 = arith.constant 80 : i32
    %add3A_101 = arith.addi %scan3A_47, %add3A_100 : i32
    %sub3A = arith.constant 1 : i32
    %sub3A_102 = arith.subi %add3A_101, %sub3A : i32
    %jit3A = arith.constant 80 : i32
    %div3A = arith.divsi %sub3A_102, %jit3A : i32
    %sign3A = arith.constant 0 : i32
    %sign3A_103 = arith.cmpi sgt, %sub3A_102, %sign3A : i32
    %sign3A_104 = arith.extui %sign3A_103 : i1 to i32
    %sign3A_105 = arith.constant 0 : i32
    %sign3A_106 = arith.cmpi slt, %sub3A_102, %sign3A_105 : i32
    %sign3A_107 = arith.extui %sign3A_106 : i1 to i32
    %sign3A_108 = arith.subi %sign3A_104, %sign3A_107 : i32
    %sign3A_109 = arith.constant 0 : i32
    %sign3A_110 = arith.cmpi sgt, %jit3A, %sign3A_109 : i32
    %sign3A_111 = arith.extui %sign3A_110 : i1 to i32
    %sign3A_112 = arith.constant 0 : i32
    %sign3A_113 = arith.cmpi slt, %jit3A, %sign3A_112 : i32
    %sign3A_114 = arith.extui %sign3A_113 : i1 to i32
    %sign3A_115 = arith.subi %sign3A_111, %sign3A_114 : i32
    %ne3A = arith.cmpi ne, %sign3A_108, %sign3A_115 : i32
    %rem3A = arith.remsi %sub3A_102, %jit3A : i32
    %ne3A_116 = arith.constant 0 : i32
    %ne3A_117 = arith.cmpi ne, %rem3A, %ne3A_116 : i32
    %and3A = arith.andi %ne3A, %ne3A_117 : i1
    %sub3A_118 = arith.constant 1 : i32
    %sub3A_119 = arith.subi %div3A, %sub3A_118 : i32
    %select_n3A = arith.select %and3A, %sub3A_119, %div3A : i32
    "tpu.trace_start"() <{level = 10 : i32, message = "c1_edges"}> : () -> ()
    %scan3A_120 = arith.constant 0 : i32
    %scan3A_121 = arith.constant 0 : i32
    %scan3A_122 = arith.constant 128 : i32
    %scan3A_123 = arith.addi %scan3A_121, %scan3A_122 : i32
    %scan3A_124 = arith.constant 1 : i32
    %scan3A_125 = scf.for %scan3A_132 = %scan3A_121 to %scan3A_123 step %scan3A_124 iter_args(%scan3A_133 = %scan3A_120) -> (i32)  : i32 {
      %lt3A = arith.cmpi slt, %scan3A_132, %select_n3A : i32
      %convert_element_type3A = arith.extui %lt3A : i1 to i32
      %cond3A = arith.constant 0 : i32
      %cond3A_134 = arith.cmpi ne, %convert_element_type3A, %cond3A : i32
      scf.if %cond3A_134 {
        %mul3A_136 = arith.constant 80 : i32
        %mul3A_137 = arith.muli %scan3A_132, %mul3A_136 : i32
        %dma_start3A = tpu.memref_slice %arg7[%mul3A_137] : memref<10400xi32, #tpu.memory_space<vmem>> -> memref<80xi32, #tpu.memory_space<vmem>>
        %dma_start3A_138 = arith.constant 0 : i32
        %dma_start3A_139 = arith.constant 0 : i32
        %dma_start3A_140 = tpu.memref_slice %arg2[%dma_start3A_138, %dma_start3A_139] : memref<10000x128xf32, #tpu.memory_space<hbm>> -> memref<10000x128xf32, #tpu.memory_space<hbm>>
        tpu.enqueue_indirect_dma source(%dma_start3A_140 : memref<10000x128xf32, #tpu.memory_space<hbm>>) target(%arg10 : memref<80x128xf32, #tpu.memory_space<vmem>>) offsets(%dma_start3A : memref<80xi32, #tpu.memory_space<vmem>>) semaphore(%arg12 : memref<!tpu.dma_semaphore, #tpu.memory_space<semaphore_mem>>)
        %dma_wait3A = tpu.memref_slice %arg7[%mul3A_137] : memref<10400xi32, #tpu.memory_space<vmem>> -> memref<80xi32, #tpu.memory_space<vmem>>
        %dma_wait3A_141 = arith.constant 0 : i32
        %dma_wait3A_142 = arith.constant 0 : i32
        %dma_wait3A_143 = tpu.memref_slice %arg2[%dma_wait3A_141, %dma_wait3A_142] : memref<10000x128xf32, #tpu.memory_space<hbm>> -> memref<10000x128xf32, #tpu.memory_space<hbm>>
        tpu.wait_indirect_dma semaphore(%arg12 : memref<!tpu.dma_semaphore, #tpu.memory_space<semaphore_mem>>) src(%dma_wait3A_143 : memref<10000x128xf32, #tpu.memory_space<hbm>>) dst(%arg10 : memref<80x128xf32, #tpu.memory_space<vmem>>)
        %mul3A_144 = arith.constant 80 : i32
        %mul3A_145 = arith.muli %scan3A_132, %mul3A_144 : i32
        "tpu.region"() ({
          %run_scoped3A = tpu.sem_alloc : memref<!tpu.dma_semaphore, #tpu.memory_space<semaphore_mem>>
          %dma_start3A_146 = tpu.memref_slice %arg8[%mul3A_145] : memref<10400xi32, #tpu.memory_space<vmem>> -> memref<80xi32, #tpu.memory_space<vmem>>
          %dma_start3A_147 = arith.constant 0 : i32
          %dma_start3A_148 = arith.constant 0 : i32
          %dma_start3A_149 = tpu.memref_slice %arg11[%dma_start3A_147, %dma_start3A_148] : memref<10240x128xf32, #tpu.memory_space<vmem_shared>> -> memref<10240x128xf32, #tpu.memory_space<vmem_shared>>
          tpu.enqueue_indirect_dma source(%arg10 : memref<80x128xf32, #tpu.memory_space<vmem>>) target(%dma_start3A_149 : memref<10240x128xf32, #tpu.memory_space<vmem_shared>>) offsets(%dma_start3A_146 : memref<80xi32, #tpu.memory_space<vmem>>) semaphore(%run_scoped3A : memref<!tpu.dma_semaphore, #tpu.memory_space<semaphore_mem>>) {add = true}
          %dma_wait3A_150 = tpu.memref_slice %arg8[%mul3A_145] : memref<10400xi32, #tpu.memory_space<vmem>> -> memref<80xi32, #tpu.memory_space<vmem>>
          %dma_wait3A_151 = arith.constant 0 : i32
          %dma_wait3A_152 = arith.constant 0 : i32
          %dma_wait3A_153 = tpu.memref_slice %arg11[%dma_wait3A_151, %dma_wait3A_152] : memref<10240x128xf32, #tpu.memory_space<vmem_shared>> -> memref<10240x128xf32, #tpu.memory_space<vmem_shared>>
          tpu.wait_indirect_dma semaphore(%run_scoped3A : memref<!tpu.dma_semaphore, #tpu.memory_space<semaphore_mem>>) src(%arg10 : memref<80x128xf32, #tpu.memory_space<vmem>>) dst(%dma_wait3A_153 : memref<10240x128xf32, #tpu.memory_space<vmem_shared>>)
          tpu.yield
        }) : () -> ()
      } else {
      }
      %scan3A_135 = arith.constant 0 : i32
      scf.yield %scan3A_135 : i32
    }
    %scan3A_126 = arith.constant 128 : i32
    "tpu.trace_stop"() : () -> ()
    %barrier3A_127 = arith.constant 0 : index
    tpu.barrier barrier_id(%barrier3A_127)
    "tpu.trace_start"() <{level = 10 : i32, message = "c1_flush"}> : () -> ()
    %mul3A_128 = arith.constant 640 : i32
    %mul3A_129 = arith.muli %arg1, %mul3A_128 : i32
    %mul3A_130 = arith.constant 640 : i32
    %mul3A_131 = arith.muli %arg1, %mul3A_130 : i32
    "tpu.region"() ({
      %run_scoped3A = tpu.sem_alloc : memref<!tpu.dma_semaphore, #tpu.memory_space<semaphore_mem>>
      %dma_start3A = arith.constant 0 : i32
      %dma_start3A_132 = tpu.memref_slice %arg6[%arg0, %mul3A_131, %dma_start3A] : memref<2x10240x128xf32, #tpu.memory_space<hbm>> -> memref<1x640x128xf32, #tpu.memory_space<hbm>>
      %dma_start3A_133 = tpu.memref_squeeze %dma_start3A_132 : memref<1x640x128xf32, #tpu.memory_space<hbm>> -> memref<640x128xf32, #tpu.memory_space<hbm>>
      %dma_start3A_134 = arith.constant 0 : i32
      %dma_start3A_135 = tpu.memref_slice %arg11[%mul3A_129, %dma_start3A_134] : memref<10240x128xf32, #tpu.memory_space<vmem_shared>> -> memref<640x128xf32, #tpu.memory_space<vmem_shared>>
      tpu.enqueue_dma source(%dma_start3A_135 : memref<640x128xf32, #tpu.memory_space<vmem_shared>>) target(%dma_start3A_133 : memref<640x128xf32, #tpu.memory_space<hbm>>) target_semaphore(%run_scoped3A : memref<!tpu.dma_semaphore, #tpu.memory_space<semaphore_mem>>)
      %dma_wait3A = arith.constant 0 : i32
      %dma_wait3A_136 = tpu.memref_slice %arg6[%arg0, %mul3A_131, %dma_wait3A] : memref<2x10240x128xf32, #tpu.memory_space<hbm>> -> memref<1x640x128xf32, #tpu.memory_space<hbm>>
      %dma_wait3A_137 = tpu.memref_squeeze %dma_wait3A_136 : memref<1x640x128xf32, #tpu.memory_space<hbm>> -> memref<640x128xf32, #tpu.memory_space<hbm>>
      %dma_wait3A_138 = arith.constant 0 : i32
      %dma_wait3A_139 = tpu.memref_slice %arg11[%mul3A_129, %dma_wait3A_138] : memref<10240x128xf32, #tpu.memory_space<vmem_shared>> -> memref<640x128xf32, #tpu.memory_space<vmem_shared>>
      tpu.wait_dma2 semaphore(%run_scoped3A : memref<!tpu.dma_semaphore, #tpu.memory_space<semaphore_mem>>) src(%dma_wait3A_139 : memref<640x128xf32, #tpu.memory_space<vmem_shared>>) dst(%dma_wait3A_137 : memref<640x128xf32, #tpu.memory_space<hbm>>)
      tpu.yield
    }) : () -> ()
    "tpu.trace_stop"() : () -> ()
    return
  }
}

#map = affine_map<(d0, d1) -> (0)>
#map1 = affine_map<(d0, d1) -> (0, 0)>
module attributes {stable_mosaic.version = 14 : i64} {
  func.func @k(%arg0: i32, %arg1: i32, %arg2: memref<10240xi32, #tpu.memory_space<hbm>>, %arg3: memref<50000x128xf32, #tpu.memory_space<hbm>>, %arg4: memref<320000xi32, #tpu.memory_space<hbm>>, %arg5: memref<320000xi32, #tpu.memory_space<hbm>>, %arg6: memref<16xi32, #tpu.memory_space<hbm>>, %arg7: memref<10240x128xf32, #tpu.memory_space<hbm>>, %arg8: memref<32x10000xf32, #tpu.memory_space<hbm>>, %arg9: memref<32x10016xf32, #tpu.memory_space<hbm>>, %arg10: memref<320xi32, #tpu.memory_space<vmem>>, %arg11: memref<320x128xf32, #tpu.memory_space<vmem>>, %arg12: memref<10000xi32, #tpu.memory_space<vmem>>, %arg13: memref<10000xi32, #tpu.memory_space<vmem>>, %arg14: memref<10000xf32, #tpu.memory_space<vmem>>, %arg15: memref<10016xf32, #tpu.memory_space<vmem>>, %arg16: memref<16xi32, #tpu.memory_space<vmem>>, %arg17: memref<!tpu.dma_semaphore, #tpu.memory_space<semaphore_mem>>) attributes {dimension_semantics = [#tpu.dimension_semantics<core_parallel>, #tpu.dimension_semantics<subcore_parallel>], iteration_bounds = array<i64: 2, 16>, scalar_prefetch = 0 : i64, scratch_operands = 8 : i64, tpu.core_type = #tpu.core_type<sc_vector_subcore>, window_params = [{transform_indices = #map}, {transform_indices = #map1}, {transform_indices = #map}, {transform_indices = #map}, {transform_indices = #map}, {transform_indices = #map1}, {transform_indices = #map1}, {transform_indices = #map1}]} {
    %mul3A = arith.constant 16 : i32
    %mul3A_0 = arith.muli %arg0, %mul3A : i32
    %add3A = arith.addi %mul3A_0, %arg1 : i32
    %mul3A_1 = arith.constant 320 : i32
    %mul3A_2 = arith.muli %add3A, %mul3A_1 : i32
    "tpu.region"() ({
      %run_scoped3A = tpu.sem_alloc : memref<!tpu.dma_semaphore, #tpu.memory_space<semaphore_mem>>
      %dma_start3A_84 = tpu.memref_slice %arg2[%mul3A_2] : memref<10240xi32, #tpu.memory_space<hbm>> -> memref<320xi32, #tpu.memory_space<hbm>>
      %dma_start3A_85 = tpu.memref_slice %arg2[%mul3A_2] : memref<10240xi32, #tpu.memory_space<hbm>> -> memref<320xi32, #tpu.memory_space<hbm>>
      tpu.enqueue_dma source(%dma_start3A_85 : memref<320xi32, #tpu.memory_space<hbm>>) target(%arg10 : memref<320xi32, #tpu.memory_space<vmem>>) target_semaphore(%run_scoped3A : memref<!tpu.dma_semaphore, #tpu.memory_space<semaphore_mem>>)
      %dma_wait3A_86 = tpu.memref_slice %arg2[%mul3A_2] : memref<10240xi32, #tpu.memory_space<hbm>> -> memref<320xi32, #tpu.memory_space<hbm>>
      %dma_wait3A_87 = tpu.memref_slice %arg2[%mul3A_2] : memref<10240xi32, #tpu.memory_space<hbm>> -> memref<320xi32, #tpu.memory_space<hbm>>
      tpu.wait_dma2 semaphore(%run_scoped3A : memref<!tpu.dma_semaphore, #tpu.memory_space<semaphore_mem>>) src(%dma_wait3A_87 : memref<320xi32, #tpu.memory_space<hbm>>) dst(%arg10 : memref<320xi32, #tpu.memory_space<vmem>>)
      tpu.yield
    }) : () -> ()
    %dma_start3A = arith.constant 0 : i32
    %dma_start3A_3 = arith.constant 0 : i32
    %dma_start3A_4 = tpu.memref_slice %arg11[%dma_start3A, %dma_start3A_3] : memref<320x128xf32, #tpu.memory_space<vmem>> -> memref<80x128xf32, #tpu.memory_space<vmem>>
    %dma_start3A_5 = arith.constant 0 : i32
    %dma_start3A_6 = tpu.memref_slice %arg10[%dma_start3A_5] : memref<320xi32, #tpu.memory_space<vmem>> -> memref<80xi32, #tpu.memory_space<vmem>>
    %dma_start3A_7 = arith.constant 0 : i32
    %dma_start3A_8 = arith.constant 0 : i32
    %dma_start3A_9 = tpu.memref_slice %arg3[%dma_start3A_7, %dma_start3A_8] : memref<50000x128xf32, #tpu.memory_space<hbm>> -> memref<50000x128xf32, #tpu.memory_space<hbm>>
    tpu.enqueue_indirect_dma source(%dma_start3A_9 : memref<50000x128xf32, #tpu.memory_space<hbm>>) target(%dma_start3A_4 : memref<80x128xf32, #tpu.memory_space<vmem>>) offsets(%dma_start3A_6 : memref<80xi32, #tpu.memory_space<vmem>>) semaphore(%arg17 : memref<!tpu.dma_semaphore, #tpu.memory_space<semaphore_mem>>)
    %dma_start3A_10 = arith.constant 80 : i32
    %dma_start3A_11 = arith.constant 0 : i32
    %dma_start3A_12 = tpu.memref_slice %arg11[%dma_start3A_10, %dma_start3A_11] : memref<320x128xf32, #tpu.memory_space<vmem>> -> memref<80x128xf32, #tpu.memory_space<vmem>>
    %dma_start3A_13 = arith.constant 80 : i32
    %dma_start3A_14 = tpu.memref_slice %arg10[%dma_start3A_13] : memref<320xi32, #tpu.memory_space<vmem>> -> memref<80xi32, #tpu.memory_space<vmem>>
    %dma_start3A_15 = arith.constant 0 : i32
    %dma_start3A_16 = arith.constant 0 : i32
    %dma_start3A_17 = tpu.memref_slice %arg3[%dma_start3A_15, %dma_start3A_16] : memref<50000x128xf32, #tpu.memory_space<hbm>> -> memref<50000x128xf32, #tpu.memory_space<hbm>>
    tpu.enqueue_indirect_dma source(%dma_start3A_17 : memref<50000x128xf32, #tpu.memory_space<hbm>>) target(%dma_start3A_12 : memref<80x128xf32, #tpu.memory_space<vmem>>) offsets(%dma_start3A_14 : memref<80xi32, #tpu.memory_space<vmem>>) semaphore(%arg17 : memref<!tpu.dma_semaphore, #tpu.memory_space<semaphore_mem>>)
    %dma_start3A_18 = arith.constant 160 : i32
    %dma_start3A_19 = arith.constant 0 : i32
    %dma_start3A_20 = tpu.memref_slice %arg11[%dma_start3A_18, %dma_start3A_19] : memref<320x128xf32, #tpu.memory_space<vmem>> -> memref<80x128xf32, #tpu.memory_space<vmem>>
    %dma_start3A_21 = arith.constant 160 : i32
    %dma_start3A_22 = tpu.memref_slice %arg10[%dma_start3A_21] : memref<320xi32, #tpu.memory_space<vmem>> -> memref<80xi32, #tpu.memory_space<vmem>>
    %dma_start3A_23 = arith.constant 0 : i32
    %dma_start3A_24 = arith.constant 0 : i32
    %dma_start3A_25 = tpu.memref_slice %arg3[%dma_start3A_23, %dma_start3A_24] : memref<50000x128xf32, #tpu.memory_space<hbm>> -> memref<50000x128xf32, #tpu.memory_space<hbm>>
    tpu.enqueue_indirect_dma source(%dma_start3A_25 : memref<50000x128xf32, #tpu.memory_space<hbm>>) target(%dma_start3A_20 : memref<80x128xf32, #tpu.memory_space<vmem>>) offsets(%dma_start3A_22 : memref<80xi32, #tpu.memory_space<vmem>>) semaphore(%arg17 : memref<!tpu.dma_semaphore, #tpu.memory_space<semaphore_mem>>)
    %dma_start3A_26 = arith.constant 240 : i32
    %dma_start3A_27 = arith.constant 0 : i32
    %dma_start3A_28 = tpu.memref_slice %arg11[%dma_start3A_26, %dma_start3A_27] : memref<320x128xf32, #tpu.memory_space<vmem>> -> memref<80x128xf32, #tpu.memory_space<vmem>>
    %dma_start3A_29 = arith.constant 240 : i32
    %dma_start3A_30 = tpu.memref_slice %arg10[%dma_start3A_29] : memref<320xi32, #tpu.memory_space<vmem>> -> memref<80xi32, #tpu.memory_space<vmem>>
    %dma_start3A_31 = arith.constant 0 : i32
    %dma_start3A_32 = arith.constant 0 : i32
    %dma_start3A_33 = tpu.memref_slice %arg3[%dma_start3A_31, %dma_start3A_32] : memref<50000x128xf32, #tpu.memory_space<hbm>> -> memref<50000x128xf32, #tpu.memory_space<hbm>>
    tpu.enqueue_indirect_dma source(%dma_start3A_33 : memref<50000x128xf32, #tpu.memory_space<hbm>>) target(%dma_start3A_28 : memref<80x128xf32, #tpu.memory_space<vmem>>) offsets(%dma_start3A_30 : memref<80xi32, #tpu.memory_space<vmem>>) semaphore(%arg17 : memref<!tpu.dma_semaphore, #tpu.memory_space<semaphore_mem>>)
    %mul3A_34 = arith.constant 10000 : i32
    %mul3A_35 = arith.muli %add3A, %mul3A_34 : i32
    "tpu.region"() ({
      %run_scoped3A = tpu.sem_alloc : memref<!tpu.dma_semaphore, #tpu.memory_space<semaphore_mem>>
      %dma_start3A_84 = tpu.memref_slice %arg4[%mul3A_35] : memref<320000xi32, #tpu.memory_space<hbm>> -> memref<10000xi32, #tpu.memory_space<hbm>>
      %dma_start3A_85 = tpu.memref_slice %arg4[%mul3A_35] : memref<320000xi32, #tpu.memory_space<hbm>> -> memref<10000xi32, #tpu.memory_space<hbm>>
      tpu.enqueue_dma source(%dma_start3A_85 : memref<10000xi32, #tpu.memory_space<hbm>>) target(%arg12 : memref<10000xi32, #tpu.memory_space<vmem>>) target_semaphore(%run_scoped3A : memref<!tpu.dma_semaphore, #tpu.memory_space<semaphore_mem>>)
      %dma_wait3A_86 = tpu.memref_slice %arg4[%mul3A_35] : memref<320000xi32, #tpu.memory_space<hbm>> -> memref<10000xi32, #tpu.memory_space<hbm>>
      %dma_wait3A_87 = tpu.memref_slice %arg4[%mul3A_35] : memref<320000xi32, #tpu.memory_space<hbm>> -> memref<10000xi32, #tpu.memory_space<hbm>>
      tpu.wait_dma2 semaphore(%run_scoped3A : memref<!tpu.dma_semaphore, #tpu.memory_space<semaphore_mem>>) src(%dma_wait3A_87 : memref<10000xi32, #tpu.memory_space<hbm>>) dst(%arg12 : memref<10000xi32, #tpu.memory_space<vmem>>)
      tpu.yield
    }) : () -> ()
    "tpu.region"() ({
      %run_scoped3A = tpu.sem_alloc : memref<!tpu.dma_semaphore, #tpu.memory_space<semaphore_mem>>
      %dma_start3A_84 = tpu.memref_slice %arg5[%mul3A_35] : memref<320000xi32, #tpu.memory_space<hbm>> -> memref<10000xi32, #tpu.memory_space<hbm>>
      %dma_start3A_85 = tpu.memref_slice %arg5[%mul3A_35] : memref<320000xi32, #tpu.memory_space<hbm>> -> memref<10000xi32, #tpu.memory_space<hbm>>
      tpu.enqueue_dma source(%dma_start3A_85 : memref<10000xi32, #tpu.memory_space<hbm>>) target(%arg13 : memref<10000xi32, #tpu.memory_space<vmem>>) target_semaphore(%run_scoped3A : memref<!tpu.dma_semaphore, #tpu.memory_space<semaphore_mem>>)
      %dma_wait3A_86 = tpu.memref_slice %arg5[%mul3A_35] : memref<320000xi32, #tpu.memory_space<hbm>> -> memref<10000xi32, #tpu.memory_space<hbm>>
      %dma_wait3A_87 = tpu.memref_slice %arg5[%mul3A_35] : memref<320000xi32, #tpu.memory_space<hbm>> -> memref<10000xi32, #tpu.memory_space<hbm>>
      tpu.wait_dma2 semaphore(%run_scoped3A : memref<!tpu.dma_semaphore, #tpu.memory_space<semaphore_mem>>) src(%dma_wait3A_87 : memref<10000xi32, #tpu.memory_space<hbm>>) dst(%arg13 : memref<10000xi32, #tpu.memory_space<vmem>>)
      tpu.yield
    }) : () -> ()
    "tpu.region"() ({
      %run_scoped3A = tpu.sem_alloc : memref<!tpu.dma_semaphore, #tpu.memory_space<semaphore_mem>>
      tpu.enqueue_dma source(%arg6 : memref<16xi32, #tpu.memory_space<hbm>>) target(%arg16 : memref<16xi32, #tpu.memory_space<vmem>>) target_semaphore(%run_scoped3A : memref<!tpu.dma_semaphore, #tpu.memory_space<semaphore_mem>>)
      tpu.wait_dma2 semaphore(%run_scoped3A : memref<!tpu.dma_semaphore, #tpu.memory_space<semaphore_mem>>) src(%arg6 : memref<16xi32, #tpu.memory_space<hbm>>) dst(%arg16 : memref<16xi32, #tpu.memory_space<vmem>>)
      tpu.yield
    }) : () -> ()
    %get3A = arith.constant 0 : index
    %get3A_36 = tpu.vector_load %arg16[%get3A] {strides = array<i32>} : memref<16xi32, #tpu.memory_space<vmem>>, vector<16xi32>,
    %broadcast_in_dim3A = arith.constant 0.000000e+00 : f32
    %broadcast_in_dim3A_37 = vector.broadcast %broadcast_in_dim3A : f32 to vector<16xf32>
    %broadcast_in_dim3A_38 = arith.constant 1.000000e+00 : f32
    %broadcast_in_dim3A_39 = vector.broadcast %broadcast_in_dim3A_38 : f32 to vector<16xf32>
    %scan3A = arith.constant 0 : i32
    %scan3A_40 = arith.constant 0 : i32
    %scan3A_41 = arith.constant 626 : i32
    %scan3A_42 = arith.addi %scan3A_40, %scan3A_41 : i32
    %scan3A_43 = arith.constant 1 : i32
    %scan3A_44 = scf.for %scan3A_84 = %scan3A_40 to %scan3A_42 step %scan3A_43 iter_args(%scan3A_85 = %scan3A) -> (i32)  : i32 {
      %mul3A_86 = arith.constant 16 : i32
      %mul3A_87 = arith.muli %scan3A_84, %mul3A_86 : i32
      %swap3A = arith.index_cast %mul3A_87 : i32 to index
      %swap3A_88 = tpu.vector_load %arg15[%swap3A] {strides = array<i32>} : memref<10016xf32, #tpu.memory_space<vmem>>, vector<16xf32>,
      tpu.vector_store %arg15[%swap3A], %broadcast_in_dim3A_37 {strides = array<i32>} : memref<10016xf32, #tpu.memory_space<vmem>>, vector<16xf32>,
      %lt3A = arith.constant 625 : i32
      %lt3A_89 = arith.cmpi slt, %scan3A_84, %lt3A : i32
      %convert_element_type3A = arith.extui %lt3A_89 : i1 to i32
      %cond3A = arith.constant 0 : i32
      %cond3A_90 = arith.cmpi ne, %convert_element_type3A, %cond3A : i32
      scf.if %cond3A_90 {
        %mul3A_92 = arith.constant 16 : i32
        %mul3A_93 = arith.muli %scan3A_84, %mul3A_92 : i32
        %swap3A_94 = arith.index_cast %mul3A_93 : i32 to index
        %swap3A_95 = tpu.vector_load %arg14[%swap3A_94] {strides = array<i32>} : memref<10000xf32, #tpu.memory_space<vmem>>, vector<16xf32>,
        tpu.vector_store %arg14[%swap3A_94], %broadcast_in_dim3A_37 {strides = array<i32>} : memref<10000xf32, #tpu.memory_space<vmem>>, vector<16xf32>,
      } else {
      }
      %scan3A_91 = arith.constant 0 : i32
      scf.yield %scan3A_91 : i32
    }
    %scan3A_45 = arith.constant 626 : i32
    %scan3A_46 = arith.constant 0 : i32
    %scan3A_47 = arith.constant 0 : i32
    %scan3A_48 = arith.constant 625 : i32
    %scan3A_49 = arith.addi %scan3A_47, %scan3A_48 : i32
    %scan3A_50 = arith.constant 1 : i32
    %scan3A_51 = scf.for %scan3A_84 = %scan3A_47 to %scan3A_49 step %scan3A_50 iter_args(%scan3A_85 = %scan3A_46) -> (i32)  : i32 {
      %mul3A_86 = arith.constant 16 : i32
      %mul3A_87 = arith.muli %scan3A_84, %mul3A_86 : i32
      %get3A_88 = arith.index_cast %mul3A_87 : i32 to index
      %get3A_89 = tpu.vector_load %arg13[%get3A_88] {strides = array<i32>} : memref<10000xi32, #tpu.memory_space<vmem>>, vector<16xi32>,
      tpu.vector_store_idx %arg14[%get3A_89], %broadcast_in_dim3A_39 {add = true} : memref<10000xf32, #tpu.memory_space<vmem>>[vector<16xi32>], vector<16xf32>,
      %ge3A = arith.cmpi sge, %get3A_89, %get3A_36 : vector<16xi32>
      %add3A_90 = arith.constant 51 : i32
      %add3A_91 = vector.broadcast %add3A_90 : i32 to vector<16xi32>
      %add3A_92 = arith.addi %get3A_36, %add3A_91 : vector<16xi32>
      %lt3A = arith.cmpi slt, %get3A_89, %add3A_92 : vector<16xi32>
      %and3A = arith.andi %ge3A, %lt3A : vector<16xi1>
      %mul3A_93 = arith.constant 16 : i32
      %mul3A_94 = arith.muli %scan3A_84, %mul3A_93 : i32
      %get3A_95 = arith.index_cast %mul3A_94 : i32 to index
      %get3A_96 = tpu.vector_load %arg12[%get3A_95] {strides = array<i32>} : memref<10000xi32, #tpu.memory_space<vmem>>, vector<16xi32>,
      tpu.vector_store_idx %arg15[%get3A_96], %broadcast_in_dim3A_39 masked %and3A {add = true} : memref<10016xf32, #tpu.memory_space<vmem>>[vector<16xi32>], vector<16xf32>, vector<16xi1>
      %scan3A_97 = arith.constant 0 : i32
      scf.yield %scan3A_97 : i32
    }
    %scan3A_52 = arith.constant 625 : i32
    "tpu.region"() ({
      %run_scoped3A = tpu.sem_alloc : memref<!tpu.dma_semaphore, #tpu.memory_space<semaphore_mem>>
      %dma_start3A_84 = arith.constant 0 : i32
      %dma_start3A_85 = tpu.memref_slice %arg8[%add3A, %dma_start3A_84] : memref<32x10000xf32, #tpu.memory_space<hbm>> -> memref<1x10000xf32, #tpu.memory_space<hbm>>
      %dma_start3A_86 = tpu.memref_squeeze %dma_start3A_85 : memref<1x10000xf32, #tpu.memory_space<hbm>> -> memref<10000xf32, #tpu.memory_space<hbm>>
      %dma_start3A_87 = arith.constant 0 : i32
      %dma_start3A_88 = tpu.memref_slice %arg8[%add3A, %dma_start3A_87] : memref<32x10000xf32, #tpu.memory_space<hbm>> -> memref<1x10000xf32, #tpu.memory_space<hbm>>
      %dma_start3A_89 = tpu.memref_squeeze %dma_start3A_88 : memref<1x10000xf32, #tpu.memory_space<hbm>> -> memref<10000xf32, #tpu.memory_space<hbm>>
      tpu.enqueue_dma source(%arg14 : memref<10000xf32, #tpu.memory_space<vmem>>) target(%dma_start3A_89 : memref<10000xf32, #tpu.memory_space<hbm>>) target_semaphore(%run_scoped3A : memref<!tpu.dma_semaphore, #tpu.memory_space<semaphore_mem>>)
      %dma_wait3A_90 = arith.constant 0 : i32
      %dma_wait3A_91 = tpu.memref_slice %arg8[%add3A, %dma_wait3A_90] : memref<32x10000xf32, #tpu.memory_space<hbm>> -> memref<1x10000xf32, #tpu.memory_space<hbm>>
      %dma_wait3A_92 = tpu.memref_squeeze %dma_wait3A_91 : memref<1x10000xf32, #tpu.memory_space<hbm>> -> memref<10000xf32, #tpu.memory_space<hbm>>
      %dma_wait3A_93 = arith.constant 0 : i32
      %dma_wait3A_94 = tpu.memref_slice %arg8[%add3A, %dma_wait3A_93] : memref<32x10000xf32, #tpu.memory_space<hbm>> -> memref<1x10000xf32, #tpu.memory_space<hbm>>
      %dma_wait3A_95 = tpu.memref_squeeze %dma_wait3A_94 : memref<1x10000xf32, #tpu.memory_space<hbm>> -> memref<10000xf32, #tpu.memory_space<hbm>>
      tpu.wait_dma2 semaphore(%run_scoped3A : memref<!tpu.dma_semaphore, #tpu.memory_space<semaphore_mem>>) src(%arg14 : memref<10000xf32, #tpu.memory_space<vmem>>) dst(%dma_wait3A_95 : memref<10000xf32, #tpu.memory_space<hbm>>)
      tpu.yield
    }) : () -> ()
    "tpu.region"() ({
      %run_scoped3A = tpu.sem_alloc : memref<!tpu.dma_semaphore, #tpu.memory_space<semaphore_mem>>
      %dma_start3A_84 = arith.constant 0 : i32
      %dma_start3A_85 = tpu.memref_slice %arg9[%add3A, %dma_start3A_84] : memref<32x10016xf32, #tpu.memory_space<hbm>> -> memref<1x10016xf32, #tpu.memory_space<hbm>>
      %dma_start3A_86 = tpu.memref_squeeze %dma_start3A_85 : memref<1x10016xf32, #tpu.memory_space<hbm>> -> memref<10016xf32, #tpu.memory_space<hbm>>
      %dma_start3A_87 = arith.constant 0 : i32
      %dma_start3A_88 = tpu.memref_slice %arg9[%add3A, %dma_start3A_87] : memref<32x10016xf32, #tpu.memory_space<hbm>> -> memref<1x10016xf32, #tpu.memory_space<hbm>>
      %dma_start3A_89 = tpu.memref_squeeze %dma_start3A_88 : memref<1x10016xf32, #tpu.memory_space<hbm>> -> memref<10016xf32, #tpu.memory_space<hbm>>
      tpu.enqueue_dma source(%arg15 : memref<10016xf32, #tpu.memory_space<vmem>>) target(%dma_start3A_89 : memref<10016xf32, #tpu.memory_space<hbm>>) target_semaphore(%run_scoped3A : memref<!tpu.dma_semaphore, #tpu.memory_space<semaphore_mem>>)
      %dma_wait3A_90 = arith.constant 0 : i32
      %dma_wait3A_91 = tpu.memref_slice %arg9[%add3A, %dma_wait3A_90] : memref<32x10016xf32, #tpu.memory_space<hbm>> -> memref<1x10016xf32, #tpu.memory_space<hbm>>
      %dma_wait3A_92 = tpu.memref_squeeze %dma_wait3A_91 : memref<1x10016xf32, #tpu.memory_space<hbm>> -> memref<10016xf32, #tpu.memory_space<hbm>>
      %dma_wait3A_93 = arith.constant 0 : i32
      %dma_wait3A_94 = tpu.memref_slice %arg9[%add3A, %dma_wait3A_93] : memref<32x10016xf32, #tpu.memory_space<hbm>> -> memref<1x10016xf32, #tpu.memory_space<hbm>>
      %dma_wait3A_95 = tpu.memref_squeeze %dma_wait3A_94 : memref<1x10016xf32, #tpu.memory_space<hbm>> -> memref<10016xf32, #tpu.memory_space<hbm>>
      tpu.wait_dma2 semaphore(%run_scoped3A : memref<!tpu.dma_semaphore, #tpu.memory_space<semaphore_mem>>) src(%arg15 : memref<10016xf32, #tpu.memory_space<vmem>>) dst(%dma_wait3A_95 : memref<10016xf32, #tpu.memory_space<hbm>>)
      tpu.yield
    }) : () -> ()
    %dma_wait3A = arith.constant 0 : i32
    %dma_wait3A_53 = arith.constant 0 : i32
    %dma_wait3A_54 = tpu.memref_slice %arg11[%dma_wait3A, %dma_wait3A_53] : memref<320x128xf32, #tpu.memory_space<vmem>> -> memref<80x128xf32, #tpu.memory_space<vmem>>
    %dma_wait3A_55 = arith.constant 0 : i32
    %dma_wait3A_56 = tpu.memref_slice %arg10[%dma_wait3A_55] : memref<320xi32, #tpu.memory_space<vmem>> -> memref<80xi32, #tpu.memory_space<vmem>>
    %dma_wait3A_57 = arith.constant 0 : i32
    %dma_wait3A_58 = arith.constant 0 : i32
    %dma_wait3A_59 = tpu.memref_slice %arg3[%dma_wait3A_57, %dma_wait3A_58] : memref<50000x128xf32, #tpu.memory_space<hbm>> -> memref<50000x128xf32, #tpu.memory_space<hbm>>
    tpu.wait_indirect_dma semaphore(%arg17 : memref<!tpu.dma_semaphore, #tpu.memory_space<semaphore_mem>>) src(%dma_wait3A_59 : memref<50000x128xf32, #tpu.memory_space<hbm>>) dst(%dma_wait3A_54 : memref<80x128xf32, #tpu.memory_space<vmem>>)
    %dma_wait3A_60 = arith.constant 80 : i32
    %dma_wait3A_61 = arith.constant 0 : i32
    %dma_wait3A_62 = tpu.memref_slice %arg11[%dma_wait3A_60, %dma_wait3A_61] : memref<320x128xf32, #tpu.memory_space<vmem>> -> memref<80x128xf32, #tpu.memory_space<vmem>>
    %dma_wait3A_63 = arith.constant 80 : i32
    %dma_wait3A_64 = tpu.memref_slice %arg10[%dma_wait3A_63] : memref<320xi32, #tpu.memory_space<vmem>> -> memref<80xi32, #tpu.memory_space<vmem>>
    %dma_wait3A_65 = arith.constant 0 : i32
    %dma_wait3A_66 = arith.constant 0 : i32
    %dma_wait3A_67 = tpu.memref_slice %arg3[%dma_wait3A_65, %dma_wait3A_66] : memref<50000x128xf32, #tpu.memory_space<hbm>> -> memref<50000x128xf32, #tpu.memory_space<hbm>>
    tpu.wait_indirect_dma semaphore(%arg17 : memref<!tpu.dma_semaphore, #tpu.memory_space<semaphore_mem>>) src(%dma_wait3A_67 : memref<50000x128xf32, #tpu.memory_space<hbm>>) dst(%dma_wait3A_62 : memref<80x128xf32, #tpu.memory_space<vmem>>)
    %dma_wait3A_68 = arith.constant 160 : i32
    %dma_wait3A_69 = arith.constant 0 : i32
    %dma_wait3A_70 = tpu.memref_slice %arg11[%dma_wait3A_68, %dma_wait3A_69] : memref<320x128xf32, #tpu.memory_space<vmem>> -> memref<80x128xf32, #tpu.memory_space<vmem>>
    %dma_wait3A_71 = arith.constant 160 : i32
    %dma_wait3A_72 = tpu.memref_slice %arg10[%dma_wait3A_71] : memref<320xi32, #tpu.memory_space<vmem>> -> memref<80xi32, #tpu.memory_space<vmem>>
    %dma_wait3A_73 = arith.constant 0 : i32
    %dma_wait3A_74 = arith.constant 0 : i32
    %dma_wait3A_75 = tpu.memref_slice %arg3[%dma_wait3A_73, %dma_wait3A_74] : memref<50000x128xf32, #tpu.memory_space<hbm>> -> memref<50000x128xf32, #tpu.memory_space<hbm>>
    tpu.wait_indirect_dma semaphore(%arg17 : memref<!tpu.dma_semaphore, #tpu.memory_space<semaphore_mem>>) src(%dma_wait3A_75 : memref<50000x128xf32, #tpu.memory_space<hbm>>) dst(%dma_wait3A_70 : memref<80x128xf32, #tpu.memory_space<vmem>>)
    %dma_wait3A_76 = arith.constant 240 : i32
    %dma_wait3A_77 = arith.constant 0 : i32
    %dma_wait3A_78 = tpu.memref_slice %arg11[%dma_wait3A_76, %dma_wait3A_77] : memref<320x128xf32, #tpu.memory_space<vmem>> -> memref<80x128xf32, #tpu.memory_space<vmem>>
    %dma_wait3A_79 = arith.constant 240 : i32
    %dma_wait3A_80 = tpu.memref_slice %arg10[%dma_wait3A_79] : memref<320xi32, #tpu.memory_space<vmem>> -> memref<80xi32, #tpu.memory_space<vmem>>
    %dma_wait3A_81 = arith.constant 0 : i32
    %dma_wait3A_82 = arith.constant 0 : i32
    %dma_wait3A_83 = tpu.memref_slice %arg3[%dma_wait3A_81, %dma_wait3A_82] : memref<50000x128xf32, #tpu.memory_space<hbm>> -> memref<50000x128xf32, #tpu.memory_space<hbm>>
    tpu.wait_indirect_dma semaphore(%arg17 : memref<!tpu.dma_semaphore, #tpu.memory_space<semaphore_mem>>) src(%dma_wait3A_83 : memref<50000x128xf32, #tpu.memory_space<hbm>>) dst(%dma_wait3A_78 : memref<80x128xf32, #tpu.memory_space<vmem>>)
    "tpu.region"() ({
      %run_scoped3A = tpu.sem_alloc : memref<!tpu.dma_semaphore, #tpu.memory_space<semaphore_mem>>
      %dma_start3A_84 = arith.constant 0 : i32
      %dma_start3A_85 = tpu.memref_slice %arg7[%mul3A_2, %dma_start3A_84] : memref<10240x128xf32, #tpu.memory_space<hbm>> -> memref<320x128xf32, #tpu.memory_space<hbm>>
      %dma_start3A_86 = arith.constant 0 : i32
      %dma_start3A_87 = tpu.memref_slice %arg7[%mul3A_2, %dma_start3A_86] : memref<10240x128xf32, #tpu.memory_space<hbm>> -> memref<320x128xf32, #tpu.memory_space<hbm>>
      tpu.enqueue_dma source(%arg11 : memref<320x128xf32, #tpu.memory_space<vmem>>) target(%dma_start3A_87 : memref<320x128xf32, #tpu.memory_space<hbm>>) target_semaphore(%run_scoped3A : memref<!tpu.dma_semaphore, #tpu.memory_space<semaphore_mem>>)
      %dma_wait3A_88 = arith.constant 0 : i32
      %dma_wait3A_89 = tpu.memref_slice %arg7[%mul3A_2, %dma_wait3A_88] : memref<10240x128xf32, #tpu.memory_space<hbm>> -> memref<320x128xf32, #tpu.memory_space<hbm>>
      %dma_wait3A_90 = arith.constant 0 : i32
      %dma_wait3A_91 = tpu.memref_slice %arg7[%mul3A_2, %dma_wait3A_90] : memref<10240x128xf32, #tpu.memory_space<hbm>> -> memref<320x128xf32, #tpu.memory_space<hbm>>
      tpu.wait_dma2 semaphore(%run_scoped3A : memref<!tpu.dma_semaphore, #tpu.memory_space<semaphore_mem>>) src(%arg11 : memref<320x128xf32, #tpu.memory_space<vmem>>) dst(%dma_wait3A_91 : memref<320x128xf32, #tpu.memory_space<hbm>>)
      tpu.yield
    }) : () -> ()
    return
  }
}

module attributes {stable_mosaic.version = 14 : i64} {
  func.func @body(%arg0: memref<10240x128xf32, #tpu.memory_space<vmem>>, %arg1: memref<32x10000xf32, #tpu.memory_space<vmem>>, %arg2: memref<32x10016xf32, #tpu.memory_space<vmem>>, %arg3: memref<5xi32, #tpu.memory_space<smem>>, %arg4: memref<1xi32, #tpu.memory_space<smem>>, %arg5: memref<94x16xf32, #tpu.memory_space<vmem>>, %arg6: memref<16x128xf32, #tpu.memory_space<vmem>>, %arg7: memref<128x128xf32, #tpu.memory_space<vmem>>, %arg8: memref<10000x128xf32, #tpu.memory_space<vmem>>, %arg9: memref<10000xf32, #tpu.memory_space<vmem>>, %arg10: memref<10016xf32, #tpu.memory_space<vmem>>, %arg11: memref<10016xf32, #tpu.memory_space<vmem>>) attributes {dimension_semantics = [], scalar_prefetch = 0 : i64, scratch_operands = 0 : i64, tpu.core_type = #tpu.core_type<tc>} {
    %get3A = arith.constant 0 : index
    %get3A_0 = arith.constant 0 : index
    %get3A_1 = vector.load %arg1[%get3A, %get3A_0] : memref<32x10000xf32, #tpu.memory_space<vmem>>, vector<32x10000xf32>
    %reduce_sum3A = arith.constant dense<0.000000e+00> : vector<10000xf32>
    %reduce_sum3A_2 = vector.multi_reduction <add>, %get3A_1, %reduce_sum3A [0] : vector<32x10000xf32> to vector<10000xf32>
    %add3A = arith.constant 1.000000e+00 : f32
    %add3A_3 = vector.broadcast %add3A : f32 to vector<10000xf32>
    %add3A_4 = arith.addf %reduce_sum3A_2, %add3A_3 : vector<10000xf32>
    %rsqrt3A = math.rsqrt %add3A_4 : vector<10000xf32>
    %swap3A = arith.constant 0 : index
    %swap3A_5 = vector.load %arg9[%swap3A] : memref<10000xf32, #tpu.memory_space<vmem>>, vector<10000xf32>
    tpu.vector_store %arg9[%swap3A], %rsqrt3A {strides = array<i32>} : memref<10000xf32, #tpu.memory_space<vmem>>, vector<10000xf32>,
    %get3A_6 = arith.constant 0 : index
    %get3A_7 = memref.load %arg4[%get3A_6] : memref<1xi32, #tpu.memory_space<smem>>
    %iota3A = tpu.iota {dimensions = array<i32: 1>} : vector<1x10016xi32>
    %iota3A_8 = vector.shape_cast %iota3A : vector<1x10016xi32> to vector<10016xi32>
    %ge3A = vector.broadcast %get3A_7 : i32 to vector<10016xi32>
    %ge3A_9 = arith.cmpi sge, %iota3A_8, %ge3A : vector<10016xi32>
    %add3A_10 = arith.constant 51 : i32
    %add3A_11 = arith.addi %get3A_7, %add3A_10 : i32
    %lt3A = vector.broadcast %add3A_11 : i32 to vector<10016xi32>
    %lt3A_12 = arith.cmpi slt, %iota3A_8, %lt3A : vector<10016xi32>
    %and3A = arith.andi %ge3A_9, %lt3A_12 : vector<10016xi1>
    %get3A_13 = arith.constant 0 : index
    %get3A_14 = arith.constant 0 : index
    %get3A_15 = vector.load %arg2[%get3A_13, %get3A_14] : memref<32x10016xf32, #tpu.memory_space<vmem>>, vector<32x10016xf32>
    %reduce_sum3A_16 = arith.constant dense<0.000000e+00> : vector<10016xf32>
    %reduce_sum3A_17 = vector.multi_reduction <add>, %get3A_15, %reduce_sum3A_16 [0] : vector<32x10016xf32> to vector<10016xf32>
    %gt3A = arith.constant 0.000000e+00 : f32
    %gt3A_18 = vector.broadcast %gt3A : f32 to vector<10016xf32>
    %gt3A_19 = arith.cmpf ogt, %reduce_sum3A_17, %gt3A_18 : vector<10016xf32>
    %or3A = arith.ori %gt3A_19, %and3A : vector<10016xi1>
    %jit3A = arith.constant 1.000000e+00 : f32
    %jit3A_20 = arith.constant 0.000000e+00 : f32
    %broadcast_in_dim3A = vector.broadcast %jit3A : f32 to vector<10016xf32>
    %broadcast_in_dim3A_21 = vector.broadcast %jit3A_20 : f32 to vector<10016xf32>
    %select_n3A = arith.select %or3A, %broadcast_in_dim3A, %broadcast_in_dim3A_21 : vector<10016xi1>, vector<10016xf32>
    %swap3A_22 = arith.constant 0 : index
    %swap3A_23 = vector.load %arg10[%swap3A_22] : memref<10016xf32, #tpu.memory_space<vmem>>, vector<10016xf32>
    tpu.vector_store %arg10[%swap3A_22], %select_n3A {strides = array<i32>} : memref<10016xf32, #tpu.memory_space<vmem>>, vector<10016xf32>,
    %jit3A_24 = arith.constant 1.000000e+00 : f32
    %jit3A_25 = arith.constant 0.000000e+00 : f32
    %broadcast_in_dim3A_26 = vector.broadcast %jit3A_24 : f32 to vector<10016xf32>
    %broadcast_in_dim3A_27 = vector.broadcast %jit3A_25 : f32 to vector<10016xf32>
    %select_n3A_28 = arith.select %and3A, %broadcast_in_dim3A_26, %broadcast_in_dim3A_27 : vector<10016xi1>, vector<10016xf32>
    %swap3A_29 = arith.constant 0 : index
    %swap3A_30 = vector.load %arg11[%swap3A_29] : memref<10016xf32, #tpu.memory_space<vmem>>, vector<10016xf32>
    tpu.vector_store %arg11[%swap3A_29], %select_n3A_28 {strides = array<i32>} : memref<10016xf32, #tpu.memory_space<vmem>>, vector<10016xf32>,
    %get3A_31 = arith.constant 0 : index
    %get3A_32 = memref.load %arg3[%get3A_31] : memref<5xi32, #tpu.memory_space<smem>>
    %get3A_33 = arith.index_cast %get3A_32 : i32 to index
    %get3A_34 = arith.constant 0 : index
    %get3A_35 = vector.load %arg5[%get3A_33, %get3A_34] : memref<94x16xf32, #tpu.memory_space<vmem>>, vector<1x16xf32>
    %get3A_36 = vector.shape_cast %get3A_35 : vector<1x16xf32> to vector<16xf32>
    %broadcast_in_dim3A_37 = vector.shape_cast %get3A_36 : vector<16xf32> to vector<1x16xf32>
    %get3A_38 = arith.constant 1 : index
    %get3A_39 = memref.load %arg3[%get3A_38] : memref<5xi32, #tpu.memory_space<smem>>
    %get3A_40 = arith.index_cast %get3A_39 : i32 to index
    %get3A_41 = arith.constant 0 : index
    %get3A_42 = vector.load %arg5[%get3A_40, %get3A_41] : memref<94x16xf32, #tpu.memory_space<vmem>>, vector<1x16xf32>
    %get3A_43 = vector.shape_cast %get3A_42 : vector<1x16xf32> to vector<16xf32>
    %broadcast_in_dim3A_44 = vector.shape_cast %get3A_43 : vector<16xf32> to vector<1x16xf32>
    %get3A_45 = arith.constant 2 : index
    %get3A_46 = memref.load %arg3[%get3A_45] : memref<5xi32, #tpu.memory_space<smem>>
    %get3A_47 = arith.index_cast %get3A_46 : i32 to index
    %get3A_48 = arith.constant 0 : index
    %get3A_49 = vector.load %arg5[%get3A_47, %get3A_48] : memref<94x16xf32, #tpu.memory_space<vmem>>, vector<1x16xf32>
    %get3A_50 = vector.shape_cast %get3A_49 : vector<1x16xf32> to vector<16xf32>
    %broadcast_in_dim3A_51 = vector.shape_cast %get3A_50 : vector<16xf32> to vector<1x16xf32>
    %get3A_52 = arith.constant 3 : index
    %get3A_53 = memref.load %arg3[%get3A_52] : memref<5xi32, #tpu.memory_space<smem>>
    %get3A_54 = arith.index_cast %get3A_53 : i32 to index
    %get3A_55 = arith.constant 0 : index
    %get3A_56 = vector.load %arg5[%get3A_54, %get3A_55] : memref<94x16xf32, #tpu.memory_space<vmem>>, vector<1x16xf32>
    %get3A_57 = vector.shape_cast %get3A_56 : vector<1x16xf32> to vector<16xf32>
    %broadcast_in_dim3A_58 = vector.shape_cast %get3A_57 : vector<16xf32> to vector<1x16xf32>
    %get3A_59 = arith.constant 4 : index
    %get3A_60 = memref.load %arg3[%get3A_59] : memref<5xi32, #tpu.memory_space<smem>>
    %get3A_61 = arith.index_cast %get3A_60 : i32 to index
    %get3A_62 = arith.constant 0 : index
    %get3A_63 = vector.load %arg5[%get3A_61, %get3A_62] : memref<94x16xf32, #tpu.memory_space<vmem>>, vector<1x16xf32>
    %get3A_64 = vector.shape_cast %get3A_63 : vector<1x16xf32> to vector<16xf32>
    %broadcast_in_dim3A_65 = vector.shape_cast %get3A_64 : vector<16xf32> to vector<1x16xf32>
    %concatenate3A = tpu.concatenate %broadcast_in_dim3A_37, %broadcast_in_dim3A_44, %broadcast_in_dim3A_51, %broadcast_in_dim3A_58, %broadcast_in_dim3A_65 in 0 : vector<1x16xf32>, vector<1x16xf32>, vector<1x16xf32>, vector<1x16xf32>, vector<1x16xf32> -> vector<5x16xf32>
    %get3A_66 = arith.constant 0 : index
    %get3A_67 = arith.constant 0 : index
    %get3A_68 = vector.load %arg6[%get3A_66, %get3A_67] : memref<16x128xf32, #tpu.memory_space<vmem>>, vector<16x128xf32>
    %dot_general3A = arith.constant dense<0.000000e+00> : vector<5x128xf32>
    %dot_general3A_69 = tpu.matmul %concatenate3A, %get3A_68, %dot_general3A {dimension_numbers = #tpu.dot_dimension_numbers<[1], [0], [0], [1], [0, 0, 1, 1], [], []>, transpose_lhs_hint = false} : vector<5x16xf32>, vector<16x128xf32>, vector<5x128xf32> -> vector<5x128xf32>
    %get3A_70 = arith.constant 0 : index
    %get3A_71 = arith.constant 0 : index
    %get3A_72 = vector.load %arg0[%get3A_70, %get3A_71] : memref<10240x128xf32, #tpu.memory_space<vmem>>, vector<9995x128xf32>
    %concatenate3A_73 = tpu.concatenate %get3A_72, %dot_general3A_69 in 0 : vector<9995x128xf32>, vector<5x128xf32> -> vector<10000x128xf32>
    %get3A_74 = arith.constant 0 : index
    %get3A_75 = arith.constant 0 : index
    %get3A_76 = vector.load %arg7[%get3A_74, %get3A_75] : memref<128x128xf32, #tpu.memory_space<vmem>>, vector<128x128xf32>
    %dot_general3A_77 = arith.constant dense<0.000000e+00> : vector<10000x128xf32>
    %dot_general3A_78 = tpu.matmul %concatenate3A_73, %get3A_76, %dot_general3A_77 {dimension_numbers = #tpu.dot_dimension_numbers<[1], [0], [0], [1], [0, 0, 1, 1], [], []>, transpose_lhs_hint = false} : vector<10000x128xf32>, vector<128x128xf32>, vector<10000x128xf32> -> vector<10000x128xf32>
    %broadcast_in_dim3A_79 = vector.shape_cast %rsqrt3A : vector<10000xf32> to vector<10000x1xf32>
    %mul3A = vector.broadcast %broadcast_in_dim3A_79 : vector<10000x1xf32> to vector<10000x128xf32>
    %mul3A_80 = arith.mulf %dot_general3A_78, %mul3A : vector<10000x128xf32>
    %swap3A_81 = arith.constant 0 : index
    %swap3A_82 = arith.constant 0 : index
    %swap3A_83 = vector.load %arg8[%swap3A_81, %swap3A_82] : memref<10000x128xf32, #tpu.memory_space<vmem>>, vector<10000x128xf32>
    tpu.vector_store %arg8[%swap3A_81, %swap3A_82], %mul3A_80 {strides = array<i32>} : memref<10000x128xf32, #tpu.memory_space<vmem>>, vector<10000x128xf32>,
    return
  }
}

module attributes {stable_mosaic.version = 14 : i64} {
  func.func @body(%arg0: memref<2x10240x128xf32, #tpu.memory_space<vmem>>, %arg1: memref<10000x128xf32, #tpu.memory_space<vmem>>, %arg2: memref<10000xf32, #tpu.memory_space<vmem>>, %arg3: memref<128xf32, #tpu.memory_space<vmem>>, %arg4: memref<128x128xf32, #tpu.memory_space<vmem>>, %arg5: memref<10000x128xf32, #tpu.memory_space<vmem>>) attributes {dimension_semantics = [], scalar_prefetch = 0 : i64, scratch_operands = 0 : i64, tpu.core_type = #tpu.core_type<tc>} {
    %get3A = arith.constant 0 : index
    %get3A_0 = arith.constant 0 : index
    %get3A_1 = arith.constant 0 : index
    %get3A_2 = vector.load %arg0[%get3A, %get3A_0, %get3A_1] : memref<2x10240x128xf32, #tpu.memory_space<vmem>>, vector<1x10000x128xf32>
    %get3A_3 = vector.shape_cast %get3A_2 : vector<1x10000x128xf32> to vector<10000x128xf32>
    %get3A_4 = arith.constant 1 : index
    %get3A_5 = arith.constant 0 : index
    %get3A_6 = arith.constant 0 : index
    %get3A_7 = vector.load %arg0[%get3A_4, %get3A_5, %get3A_6] : memref<2x10240x128xf32, #tpu.memory_space<vmem>>, vector<1x10000x128xf32>
    %get3A_8 = vector.shape_cast %get3A_7 : vector<1x10000x128xf32> to vector<10000x128xf32>
    %add3A = arith.addf %get3A_3, %get3A_8 : vector<10000x128xf32>
    %get3A_9 = arith.constant 0 : index
    %get3A_10 = arith.constant 0 : index
    %get3A_11 = vector.load %arg1[%get3A_9, %get3A_10] : memref<10000x128xf32, #tpu.memory_space<vmem>>, vector<10000x128xf32>
    %add3A_12 = arith.addf %add3A, %get3A_11 : vector<10000x128xf32>
    %get3A_13 = arith.constant 0 : index
    %get3A_14 = vector.load %arg2[%get3A_13] : memref<10000xf32, #tpu.memory_space<vmem>>, vector<10000xf32>
    %broadcast_in_dim3A = vector.shape_cast %get3A_14 : vector<10000xf32> to vector<10000x1xf32>
    %mul3A = vector.broadcast %broadcast_in_dim3A : vector<10000x1xf32> to vector<10000x128xf32>
    %mul3A_15 = arith.mulf %add3A_12, %mul3A : vector<10000x128xf32>
    %get3A_16 = arith.constant 0 : index
    %get3A_17 = vector.load %arg3[%get3A_16] : memref<128xf32, #tpu.memory_space<vmem>>, vector<128xf32>
    %broadcast_in_dim3A_18 = vector.shape_cast %get3A_17 : vector<128xf32> to vector<1x128xf32>
    %add3A_19 = vector.broadcast %broadcast_in_dim3A_18 : vector<1x128xf32> to vector<10000x128xf32>
    %add3A_20 = arith.addf %mul3A_15, %add3A_19 : vector<10000x128xf32>
    %get3A_21 = arith.constant 0 : index
    %get3A_22 = arith.constant 0 : index
    %get3A_23 = vector.load %arg4[%get3A_21, %get3A_22] : memref<128x128xf32, #tpu.memory_space<vmem>>, vector<128x128xf32>
    %dot_general3A = arith.constant dense<0.000000e+00> : vector<10000x128xf32>
    %dot_general3A_24 = tpu.matmul %add3A_20, %get3A_23, %dot_general3A {dimension_numbers = #tpu.dot_dimension_numbers<[1], [0], [0], [1], [0, 0, 1, 1], [], []>, transpose_lhs_hint = false} : vector<10000x128xf32>, vector<128x128xf32>, vector<10000x128xf32> -> vector<10000x128xf32>
    %broadcast_in_dim3A_25 = vector.shape_cast %get3A_14 : vector<10000xf32> to vector<10000x1xf32>
    %mul3A_26 = vector.broadcast %broadcast_in_dim3A_25 : vector<10000x1xf32> to vector<10000x128xf32>
    %mul3A_27 = arith.mulf %dot_general3A_24, %mul3A_26 : vector<10000x128xf32>
    %swap3A = arith.constant 0 : index
    %swap3A_28 = arith.constant 0 : index
    %swap3A_29 = vector.load %arg5[%swap3A, %swap3A_28] : memref<10000x128xf32, #tpu.memory_space<vmem>>, vector<10000x128xf32>
    tpu.vector_store %arg5[%swap3A, %swap3A_28], %mul3A_27 {strides = array<i32>} : memref<10000x128xf32, #tpu.memory_space<vmem>>, vector<10000x128xf32>,
    return
  }
}

module attributes {stable_mosaic.version = 14 : i64} {
  func.func @body(%arg0: memref<2x51x128xf32, #tpu.memory_space<vmem>>, %arg1: memref<51x128xf32, #tpu.memory_space<vmem>>, %arg2: memref<51xf32, #tpu.memory_space<vmem>>, %arg3: memref<128xf32, #tpu.memory_space<vmem>>, %arg4: memref<384x128xf32, #tpu.memory_space<vmem>>, %arg5: memref<384x128xf32, #tpu.memory_space<vmem>>, %arg6: memref<384xf32, #tpu.memory_space<vmem>>, %arg7: memref<384xf32, #tpu.memory_space<vmem>>, %arg8: memref<128x128xf32, #tpu.memory_space<vmem>>, %arg9: memref<128xf32, #tpu.memory_space<vmem>>, %arg10: memref<1x128xf32, #tpu.memory_space<vmem>>, %arg11: memref<51x384xf32, #tpu.memory_space<vmem>>) attributes {dimension_semantics = [], scalar_prefetch = 0 : i64, scratch_operands = 1 : i64, tpu.core_type = #tpu.core_type<tc>} {
    %get3A = arith.constant 0 : index
    %get3A_0 = vector.load %arg2[%get3A] : memref<51xf32, #tpu.memory_space<vmem>>, vector<51xf32>
    %get3A_1 = arith.constant 0 : index
    %get3A_2 = arith.constant 0 : index
    %get3A_3 = arith.constant 0 : index
    %get3A_4 = vector.load %arg0[%get3A_1, %get3A_2, %get3A_3] : memref<2x51x128xf32, #tpu.memory_space<vmem>>, vector<1x51x128xf32>
    %get3A_5 = vector.shape_cast %get3A_4 : vector<1x51x128xf32> to vector<51x128xf32>
    %get3A_6 = arith.constant 1 : index
    %get3A_7 = arith.constant 0 : index
    %get3A_8 = arith.constant 0 : index
    %get3A_9 = vector.load %arg0[%get3A_6, %get3A_7, %get3A_8] : memref<2x51x128xf32, #tpu.memory_space<vmem>>, vector<1x51x128xf32>
    %get3A_10 = vector.shape_cast %get3A_9 : vector<1x51x128xf32> to vector<51x128xf32>
    %add3A = arith.addf %get3A_5, %get3A_10 : vector<51x128xf32>
    %get3A_11 = arith.constant 0 : index
    %get3A_12 = arith.constant 0 : index
    %get3A_13 = vector.load %arg1[%get3A_11, %get3A_12] : memref<51x128xf32, #tpu.memory_space<vmem>>, vector<51x128xf32>
    %add3A_14 = arith.addf %add3A, %get3A_13 : vector<51x128xf32>
    %broadcast_in_dim3A = vector.shape_cast %get3A_0 : vector<51xf32> to vector<51x1xf32>
    %mul3A = vector.broadcast %broadcast_in_dim3A : vector<51x1xf32> to vector<51x128xf32>
    %mul3A_15 = arith.mulf %add3A_14, %mul3A : vector<51x128xf32>
    %get3A_16 = arith.constant 0 : index
    %get3A_17 = vector.load %arg3[%get3A_16] : memref<128xf32, #tpu.memory_space<vmem>>, vector<128xf32>
    %broadcast_in_dim3A_18 = vector.shape_cast %get3A_17 : vector<128xf32> to vector<1x128xf32>
    %add3A_19 = vector.broadcast %broadcast_in_dim3A_18 : vector<1x128xf32> to vector<51x128xf32>
    %add3A_20 = arith.addf %mul3A_15, %add3A_19 : vector<51x128xf32>
    %get3A_21 = arith.constant 0 : index
    %get3A_22 = arith.constant 0 : index
    %get3A_23 = vector.load %arg4[%get3A_21, %get3A_22] : memref<384x128xf32, #tpu.memory_space<vmem>>, vector<384x128xf32>
    %dot_general3A = arith.constant dense<0.000000e+00> : vector<51x384xf32>
    %dot_general3A_24 = tpu.matmul %add3A_20, %get3A_23, %dot_general3A {dimension_numbers = #tpu.dot_dimension_numbers<[1], [1], [0], [0], [0, 0, 1, 0], [], []>, transpose_lhs_hint = false} : vector<51x128xf32>, vector<384x128xf32>, vector<51x384xf32> -> vector<51x384xf32>
    %get3A_25 = arith.constant 0 : index
    %get3A_26 = vector.load %arg6[%get3A_25] : memref<384xf32, #tpu.memory_space<vmem>>, vector<384xf32>
    %broadcast_in_dim3A_27 = vector.shape_cast %get3A_26 : vector<384xf32> to vector<1x384xf32>
    %add3A_28 = vector.broadcast %broadcast_in_dim3A_27 : vector<1x384xf32> to vector<51x384xf32>
    %add3A_29 = arith.addf %dot_general3A_24, %add3A_28 : vector<51x384xf32>
    %swap3A = arith.constant 0 : index
    %swap3A_30 = arith.constant 0 : index
    %swap3A_31 = vector.load %arg11[%swap3A, %swap3A_30] : memref<51x384xf32, #tpu.memory_space<vmem>>, vector<51x384xf32>
    tpu.vector_store %arg11[%swap3A, %swap3A_30], %add3A_29 {strides = array<i32>} : memref<51x384xf32, #tpu.memory_space<vmem>>, vector<51x384xf32>,
    %get3A_32 = arith.constant 0 : index
    %get3A_33 = arith.constant 0 : index
    %get3A_34 = vector.load %arg5[%get3A_32, %get3A_33] : memref<384x128xf32, #tpu.memory_space<vmem>>, vector<384x128xf32>
    %get3A_35 = arith.constant 0 : index
    %get3A_36 = vector.load %arg7[%get3A_35] : memref<384xf32, #tpu.memory_space<vmem>>, vector<384xf32>
    %broadcast_in_dim3A_37 = vector.shape_cast %get3A_36 : vector<384xf32> to vector<1x384xf32>
    %broadcast_in_dim3A_38 = arith.constant 0.000000e+00 : f32
    %broadcast_in_dim3A_39 = vector.broadcast %broadcast_in_dim3A_38 : f32 to vector<1x128xf32>
    %scan3A = arith.constant 0 : i32
    %scan3A_40 = arith.constant 51 : i32
    %scan3A_41 = arith.addi %scan3A, %scan3A_40 : i32
    %scan3A_42 = arith.constant 1 : i32
    %scan3A_43 = scf.for %scan3A_59 = %scan3A to %scan3A_41 step %scan3A_42 iter_args(%scan3A_60 = %broadcast_in_dim3A_39) -> (vector<1x128xf32>)  : i32 {
      %get3A_61 = arith.index_cast %scan3A_59 : i32 to index
      %get3A_62 = arith.constant 0 : index
      %get3A_63 = vector.load %arg11[%get3A_61, %get3A_62] : memref<51x384xf32, #tpu.memory_space<vmem>>, vector<1x384xf32>
      %dot_general3A_64 = arith.constant dense<0.000000e+00> : vector<1x384xf32>
      %dot_general3A_65 = tpu.matmul %scan3A_60, %get3A_34, %dot_general3A_64 {dimension_numbers = #tpu.dot_dimension_numbers<[1], [1], [0], [0], [0, 0, 1, 0], [], []>, transpose_lhs_hint = false} : vector<1x128xf32>, vector<384x128xf32>, vector<1x384xf32> -> vector<1x384xf32>
      %add3A_66 = arith.addf %dot_general3A_65, %broadcast_in_dim3A_37 : vector<1x384xf32>
      %slice3A = vector.extract_strided_slice %get3A_63 {offsets = [0, 0], sizes = [1, 128], strides = [1, 1]} : vector<1x384xf32> to vector<1x128xf32>
      %slice3A_67 = vector.extract_strided_slice %get3A_63 {offsets = [0, 128], sizes = [1, 128], strides = [1, 1]} : vector<1x384xf32> to vector<1x128xf32>
      %slice3A_68 = vector.extract_strided_slice %get3A_63 {offsets = [0, 256], sizes = [1, 128], strides = [1, 1]} : vector<1x384xf32> to vector<1x128xf32>
      %slice3A_69 = vector.extract_strided_slice %add3A_66 {offsets = [0, 0], sizes = [1, 128], strides = [1, 1]} : vector<1x384xf32> to vector<1x128xf32>
      %slice3A_70 = vector.extract_strided_slice %add3A_66 {offsets = [0, 128], sizes = [1, 128], strides = [1, 1]} : vector<1x384xf32> to vector<1x128xf32>
      %slice3A_71 = vector.extract_strided_slice %add3A_66 {offsets = [0, 256], sizes = [1, 128], strides = [1, 1]} : vector<1x384xf32> to vector<1x128xf32>
      %add3A_72 = arith.addf %slice3A, %slice3A_69 : vector<1x128xf32>
      %logistic3A = arith.negf %add3A_72 : vector<1x128xf32>
      %logistic3A_73 = math.exp %logistic3A : vector<1x128xf32>
      %logistic3A_74 = arith.constant 1.000000e+00 : f32
      %logistic3A_75 = vector.broadcast %logistic3A_74 : f32 to vector<1x128xf32>
      %logistic3A_76 = arith.addf %logistic3A_75, %logistic3A_73 : vector<1x128xf32>
      %logistic3A_77 = arith.divf %logistic3A_75, %logistic3A_76 : vector<1x128xf32>
      %add3A_78 = arith.addf %slice3A_67, %slice3A_70 : vector<1x128xf32>
      %logistic3A_79 = arith.negf %add3A_78 : vector<1x128xf32>
      %logistic3A_80 = math.exp %logistic3A_79 : vector<1x128xf32>
      %logistic3A_81 = arith.constant 1.000000e+00 : f32
      %logistic3A_82 = vector.broadcast %logistic3A_81 : f32 to vector<1x128xf32>
      %logistic3A_83 = arith.addf %logistic3A_82, %logistic3A_80 : vector<1x128xf32>
      %logistic3A_84 = arith.divf %logistic3A_82, %logistic3A_83 : vector<1x128xf32>
      %mul3A_85 = arith.mulf %logistic3A_77, %slice3A_71 : vector<1x128xf32>
      %add3A_86 = arith.addf %slice3A_68, %mul3A_85 : vector<1x128xf32>
      %tanh3A = math.tanh %add3A_86 : vector<1x128xf32>
      %sub3A = arith.constant 1.000000e+00 : f32
      %sub3A_87 = vector.broadcast %sub3A : f32 to vector<1x128xf32>
      %sub3A_88 = arith.subf %sub3A_87, %logistic3A_84 : vector<1x128xf32>
      %mul3A_89 = arith.mulf %sub3A_88, %tanh3A : vector<1x128xf32>
      %mul3A_90 = arith.mulf %logistic3A_84, %scan3A_60 : vector<1x128xf32>
      %add3A_91 = arith.addf %mul3A_89, %mul3A_90 : vector<1x128xf32>
      scf.yield %add3A_91 : vector<1x128xf32>
    }
    %scan3A_44 = arith.constant 51 : i32
    %get3A_45 = arith.constant 0 : index
    %get3A_46 = arith.constant 0 : index
    %get3A_47 = vector.load %arg8[%get3A_45, %get3A_46] : memref<128x128xf32, #tpu.memory_space<vmem>>, vector<128x128xf32>
    %transpose3A = tpu.transpose %get3A_47, [1, 0] : vector<128x128xf32> -> vector<128x128xf32>
    %dot_general3A_48 = arith.constant dense<0.000000e+00> : vector<1x128xf32>
    %dot_general3A_49 = tpu.matmul %scan3A_43, %transpose3A, %dot_general3A_48 {dimension_numbers = #tpu.dot_dimension_numbers<[1], [0], [0], [1], [0, 0, 1, 1], [], []>, transpose_lhs_hint = false} : vector<1x128xf32>, vector<128x128xf32>, vector<1x128xf32> -> vector<1x128xf32>
    %get3A_50 = arith.constant 0 : index
    %get3A_51 = vector.load %arg9[%get3A_50] : memref<128xf32, #tpu.memory_space<vmem>>, vector<128xf32>
    %broadcast_in_dim3A_52 = vector.shape_cast %get3A_51 : vector<128xf32> to vector<1x128xf32>
    %add3A_53 = arith.addf %dot_general3A_49, %broadcast_in_dim3A_52 : vector<1x128xf32>
    %max3A = arith.constant 0.000000e+00 : f32
    %max3A_54 = vector.broadcast %max3A : f32 to vector<1x128xf32>
    %max3A_55 = arith.maximumf %add3A_53, %max3A_54 : vector<1x128xf32>
    %swap3A_56 = arith.constant 0 : index
    %swap3A_57 = arith.constant 0 : index
    %swap3A_58 = vector.load %arg10[%swap3A_56, %swap3A_57] : memref<1x128xf32, #tpu.memory_space<vmem>>, vector<1x128xf32>
    tpu.vector_store %arg10[%swap3A_56, %swap3A_57], %max3A_55 {strides = array<i32>} : memref<1x128xf32, #tpu.memory_space<vmem>>, vector<1x128xf32>,
    return
  }
}

</mosaic_0001>

<sc_bundles>
// kernel: kernel.11.cloned.1.call-start
scs
__scs_entry_jumppad:
0x0: {  	(pc) =	sbr.rel $0x88, $3  }
0x1: {  	(tag) =	ssettag $0x0;
	lr =	simm.s32 $0x1  }
0x2: {  	[smem:$0x3F90] =	sst lr;
	_ =	strace $0xD0000000  }
0x3: {  	_ = 	snop  }
0x4: {  	_ = 	snop  }
0x5: {  	_ = 	snop  }
0x6: {  	_ = 	snop  }
0x7: {  	_ = 	snop  }
__scs_overlays_trampoline_lowered:
0x8: {  	[smem:$0x3F9F] =	sst s0  }
0x9: {  	[smem:$0x3FA0] =	sst s1  }
0xa: {  	[smem:$0x3FA1] =	sst s2  }
0xb: {  	[smem:$0x3FA2] =	sst s3  }
0xc: {  	[smem:$0x3FA3] =	sst s4  }
0xd: {  	[smem:$0x3FA4] =	sst s5  }
0xe: {  	[smem:$0x3FA5] =	sst s6  }
0xf: {  	[smem:$0x3FA6] =	sst s7  }
0x10: {  	[smem:$0x3FA7] =	sst s8  }
0x11: {  	[smem:$0x3FA8] =	sst s9;
	s0 =	simm.s32 @!p0 $0x0  }
0x12: {  	s1 =	sld [smem:$0x3F8E];
	s0 =	simm.s32 @p0 $0x1  }
0x13: {  	[smem:$0x3FA9] =	sst s0;
	s0 =	simm.s32 @!p1 $0x0  }
0x14: {  	s2 =	sld [smem:$0x3F8D];
	s0 =	simm.s32 @p1 $0x1  }
0x15: {  	[smem:$0x3FAA] =	sst s0;
	s0 =	simm.s32 @!p2 $0x0  }
0x16: {  	s3 =	sld [smem:$0x3FDB];
	s0 =	simm.s32 @p2 $0x1  }
0x17: {  	s4 =	simm.s32 $0x1BF5;
	[smem:$0x3FAC] =	sst s0  }
0x18: {  	s0 =	sld [smem:$0x3F8F];
	_ =	swait.ge [sflag:s4], $0x0  }
0x19: {  	s7 =	sld [smem:$0x3F90]  }
0x1a: {  	s8 =	sadd.s32 $0xFFFFE003, lr  }
0x1b: {  	s9 =	sadd.s32 $0xFFFFFEF7, lr;
	s5 =	simm.s32 $0xFFFFFFFF;
	p2 =	slt.u32 s8, $0xFFFFF086  }
0x1c: {  	p1 =	slt.u32 s9, $0xF7A;
	s5 =	simm.s32 @!p2 $0x0  }
0x1d: {  	s5 =	simm.s32 @p1 $0x1;
	p0 =	seq.s32 s7, s2  }
0x1e: {  	s7 =	smul.u32 @!p0 $0xF7A, s2;
	p2 =	seq.s32 @!p0 s5, $0x0  }
0x1f: {  	s9 =	smul.u32 $0xF7A, s1;
	s8 =	simm.s32 @!p0 $0x1BF5;
	p2 =	por !p2, p0  }
0x20: {  	[sflag:s8] =	ssyncset.s32 @!p0 $0xFFFFF086;
	s6 =	sadd.s32 @!p0 s3, s7;
	s7 =	simm.s32 @!p0 $0x108  }
0x21: {  	s3 =	sadd.s32 s3, s9;
	s6 =	sadd.s32 @!p0 $0x88, s6;
	s7 =	simm.s32 @p2 $0x1082  }
0x22: {  	[simem:s7], [sflag:s8] =	dma.local @!p0 [hbm:s6], $0xF7A  }
0x23: {  	s9 =	sor.u32 $0xD0000000, s2;
	s6 =	simm.s32 $0x108;
	_ =	swait.ge @!p0 [sflag:s8], $0x0  }
0x24: {  	s3 =	sadd.s32 $0x88, s3;
	s6 =	simm.s32 @!p1 $0x1082;
	[sflag:s4] =	ssyncset.s32 $0xFFFFF086  }
0x25: {  	[simem:s6], [sflag:s4] =	dma.local [hbm:s3], $0xF7A  }
0x26: {  	[smem:$0x3F90] =	sst s1;
	(tag) =	ssettag s2;
	_ =	strace s9  }
0x27: {  	s1 =	sld [smem:$0x3FA0]  }
0x28: {  	s2 =	sld [smem:$0x3FA1]  }
0x29: {  	s4 =	sld [smem:$0x3FA3]  }
0x2a: {  	p0 =	seq.s32 s5, $0x0;
	s5 =	sld [smem:$0x3FA4]  }
0x2b: {  	s6 =	sld [smem:$0x3FA5]  }
0x2c: {  	s7 =	sld [smem:$0x3FA6]  }
0x2d: {  	s3 =	simm.s32 $0x108;
	s8 =	sld [smem:$0x3FA7]  }
0x2e: {  	s3 =	simm.s32 @!p0 $0x1082;
	s9 =	sld [smem:$0x3FA8]  }
0x2f: {  	lr =	sadd.s32 s0, s3;
	s0 =	sld [smem:$0x3F9F]  }
0x30: {  	s3 =	sld [smem:$0x3FA2]  }
0x31: {  	[smem:$0x3FAB] =	sst s10  }
0x32: {  	s10 =	sld [smem:$0x3FA9];
	_ =	sdelay $0x3  }
0x33: {  	p0 =	seq.s32 s10, $0x1;
	s10 =	sld [smem:$0x3FAB];
	_ =	sdelay $0x3  }
0x34: {  	[smem:$0x3FAB] =	sst s10  }
0x35: {  	s10 =	sld [smem:$0x3FAA];
	_ =	sdelay $0x3  }
0x36: {  	p1 =	seq.s32 s10, $0x1;
	s10 =	sld [smem:$0x3FAB];
	_ =	sdelay $0x3  }
0x37: {  	[smem:$0x3FAB] =	sst s10  }
0x38: {  	s10 =	sld [smem:$0x3FAC]  }
0x39: {  	_ = 	snop;
	(pc) =	sbr.ind lr, $3  }
0x3a: {  	_ = 	snop  }
0x3b: {  	_ = 	snop  }
0x3c: {  	p2 =	seq.s32 s10, $0x1;
	s10 =	sld [smem:$0x3FAB]  }
0x3d: {  	_ =	shalt  }
0x3e: {  	_ =	shalt  }
0x3f: {  	_ =	shalt  }
0x40: {  	_ =	shalt  }
0x41: {  	_ =	shalt  }
0x42: {  	_ =	shalt  }
0x43: {  	_ =	shalt  }
0x44: {  	_ =	shalt  }
0x45: {  	_ =	shalt  }
0x46: {  	_ =	shalt  }
0x47: {  	_ =	shalt  }
0x48: {  	_ =	shalt  }
0x49: {  	_ =	shalt  }
0x4a: {  	_ =	shalt  }
0x4b: {  	_ =	shalt  }
0x4c: {  	_ =	shalt  }
0x4d: {  	_ =	shalt  }
0x4e: {  	_ =	shalt  }
0x4f: {  	_ =	shalt  }
0x50: {  	_ =	shalt  }
0x51: {  	_ =	shalt  }
0x52: {  	_ =	shalt  }
0x53: {  	_ =	shalt  }
0x54: {  	_ =	shalt  }
0x55: {  	_ =	shalt  }
0x56: {  	_ =	shalt  }
0x57: {  	_ =	shalt  }
0x58: {  	_ =	shalt  }
0x59: {  	_ =	shalt  }
0x5a: {  	_ =	shalt  }
0x5b: {  	_ =	shalt  }
0x5c: {  	_ =	shalt  }
0x5d: {  	_ =	shalt  }
0x5e: {  	_ =	shalt  }
0x5f: {  	_ =	shalt  }
0x60: {  	_ =	shalt  }
0x61: {  	_ =	shalt  }
0x62: {  	_ =	shalt  }
0x63: {  	_ =	shalt  }
0x64: {  	_ =	shalt  }
0x65: {  	_ =	shalt  }
0x66: {  	_ =	shalt  }
0x67: {  	_ =	shalt  }
0x68: {  	_ =	shalt  }
0x69: {  	_ =	shalt  }
0x6a: {  	_ =	shalt  }
0x6b: {  	_ =	shalt  }
0x6c: {  	_ =	shalt  }
0x6d: {  	_ =	shalt  }
0x6e: {  	_ =	shalt  }
0x6f: {  	_ =	shalt  }
0x70: {  	_ =	shalt  }
0x71: {  	_ =	shalt  }
0x72: {  	_ =	shalt  }
0x73: {  	_ =	shalt  }
0x74: {  	_ =	shalt  }
0x75: {  	_ =	shalt  }
0x76: {  	_ =	shalt  }
0x77: {  	_ =	shalt  }
0x78: {  	_ =	shalt  }
0x79: {  	_ =	shalt  }
0x7a: {  	_ =	shalt  }
0x7b: {  	_ =	shalt  }
0x7c: {  	_ =	shalt  }
0x7d: {  	_ =	shalt  }
0x7e: {  	_ =	shalt  }
0x7f: {  	_ =	shalt  }
0x80: {  	_ =	shalt  }
0x81: {  	_ =	shalt  }
0x82: {  	_ =	shalt  }
0x83: {  	_ =	shalt  }
0x84: {  	_ =	shalt  }
0x85: {  	_ =	shalt  }
0x86: {  	_ =	shalt  }
0x87: {  	_ =	shalt  }
.Lfunc_end0:
.L_simem_size_0:
called_computation.1_lowered:
.L_overlay_start_0:
0x88: {  	s2 =	sld [smem:$0x3FD9]  }
0x89: {  	s3 =	sld [smem:$0x3FFE];
	_ =	sdelay $0x1  }
0x8a: {  	s1 =	srdreg.scid  }
0x8b: {  	s0 =	sand.u32 $0x1, s1  }
0x8c: {  	s16 =	sshll.u32 s0, $0xA;
	s2 =	sadd.s32 s3, s2  }
0x8d: {  	s2 =	sadd.s32 s2, s16  }
0x8e: {  	[smem:$0x3FB7] =	sst s2  }
0x8f: {  	_ = 	snop  }
0x90: {  	(tm) =	ssettm $0x1  }
0x91: {  	s17 =	sld [smem:$0x3FFB];
	_ =	sdelay $0x3  }
0x92: {  	_ =	strace s17  }
0x93: {  	s2 =	sld [smem:$0x3FFC];
	_ =	sdelay $0x3  }
0x94: {  	_ =	strace s2  }
0x95: {  	s2 =	sld [smem:$0x3FFD];
	_ =	sdelay $0x3  }
0x96: {  	_ =	strace s2  }
0x97: {  	_ =	strace $0x8FFFFFFF  }
0x98: {  	s18 =	sld [smem:$0x3FDB];
	_ =	sdelay $0x1  }
0x99: {  	s19 =	simm.s32 $_scs_section_size  }
0x9a: {  	s4 =	simm.s32 $_size__tile_overlayer_lowered;
	s5 =	simm.s32 $_tile_overlayer_lowered  }
0x9b: {  	s22 =	simm.s32 $0x1BFF;
	s21 =	sshll.u32 s5, $0x1;
	s2 =	sadd.s32 s19, s18  }
0x9c: {  	s6 =	simm.s32 $0x0;
	s20 =	sshll.u32 s4, $0x1;
	s4 =	sadd.s32 s21, s2  }
0x9d: {  	[timem:s6], [sflag:s22] =	dma.local [hbm:s4], s20  }
0x9e: {  	_ =	swait.ge [sflag:s22], s20  }
0x9f: {  	s3 =	ssub.s32 $0x0, s20;
	[sflag:s22] =	ssyncset.done $0x0  }
0xa0: {  	[sflag:s22] =	ssyncadd.s32 s3;
	_ =	sdelay $0x1  }
0xa1: {  	s23 =	simm.s32 $0x1B8B  }
0xa2: {  	_ =	swait.ge [sflag:s23], $0x1  }
0xa3: {  	[sflag:s23] =	ssyncset.done $0x0  }
0xa4: {  	s25 =	simm.s32 $0x1B8E;
	s24 =	sld [smem:$0x3FFE];
	[sflag:s23] =	ssyncadd.s32 $0xFFFFFFFF  }
0xa5: {  	s26 =	simm.s32 $execute0_lowered;
	[smem:$0x3FD2] =	sst s25  }
0xa6: {  	s4 =	sshll.u32 s26, $0x1;
	_ =	strace $0x80000049;
	[dreg:$0x1] =	wrdreg $0xFFFFFFFF  }
0xa7: {  	s28 =	simm.s32 $_size_execute0_lowered;
	s2 =	sadd.s32 s2, s4;
	[dreg:$0x0] =	wrdreg $0x0  }
0xa8: {  	s4 =	sshll.u32 s28, $0x1;
	[dreg:$0x2] =	wrdreg s2  }
0xa9: {  	[dreg:$0x3] =	wrdreg s4  }
0xaa: {  	[dreg:$0x4] =	wrdreg $0xC0  }
0xab: {  	_ =	task [dreg:s6], $0x5FFFF  }
0xac: {  	[dreg:$0x1] =	wrdreg $0xFFFFFFFF  }
0xad: {  	[dreg:$0x0] =	wrdreg $0x60  }
0xae: {  	[dreg:$0x2] =	wrdreg s24  }
0xaf: {  	[dreg:$0x3] =	wrdreg $0xA1800  }
0xb0: {  	[dreg:$0x4] =	wrdreg $0x9  }
0xb1: {  	_ =	task.clear_ibuf [dreg:s6], $0x5FFFF;
	_ =	strace $0x90000049  }
0xb2: {  	s29 =	simm.s32 $0x9;
	_ =	strace $0x8000004D  }
0xb3: {  	_ =	swait.ge [sflag:s29], $0x1  }
0xb4: {  	[sflag:s29] =	ssyncadd.s32 $0xFFFFFFFF  }
0xb5: {  	_ =	strace $0x9000004D  }
0xb6: {  	_ =	sfence  }
0xb7: {  	s30 =	sld [smem:$0x0];
	_ =	sdelay $0x2  }
0xb8: {  	s31 =	sshll.u32 s1, $0xD;
	s1 =	sshrl.u32 s1, $0x2  }
0xb9: {  	s3 =	sand.u32 $0x4000, s31;
	s1 =	sadd.s32 s1, s30  }
0xba: {  	s0 =	sor.u32 s3, s0;
	s1 =	sshll.u32 s1, $0x11  }
0xbb: {  	s0 =	sor.u32 s1, s0  }
0xbc: {  	s0 =	sadd.s32 $0x8F2B, s0  }
0xbd: {  	[sflag:s0] =	ssyncadd.remote.s32 $0x1  }
0xbe: {  	_ =	sfence.sel $0xFFFF  }
0xbf: {  	[dreg:$0x0] =	wrdreg $0xFFFFFFFF;
	(pc) =	sbr.abs _section_cstart, $3  }
0xc0: {  	[dreg:$0x1] =	wrdreg $0xFFFFFFFF  }
0xc1: {  	_ =	task.clear_ibuf [dreg:s6], $0x2FFFF;
	_ =	strace $0x9FFFFFFF  }
0xc2: {  	(tm) =	ssettm $0x7FFFFFFF  }
0xc3: {  	_ =	shalt  }
tec
execute0_lowered:
.L_overlay_start_1:
0x0: {  	(tag) =	ssettag $0x1  }
0x1: {  	s0 =	srdreg.scid;
	s7 =	rddreg [dreg:$0x0]  }
0x2: {  	s2 =	rddreg [dreg:$0x1];
	s3 =	simm.s32 $0x0;
	s18 =	simm.s32 $0x7980  }
0x3: {  	s19 =	simm.s32 $0x2;
	s20 =	simm.s32 $0x2900;
	s21 =	simm.s32 $0x5200  }
0x4: {  	s22 =	simm.s32 $0x0;
	s6 =	sand.u32 $0x1, s0;
	s0 =	stileid.u32  }
0x5: {  	[smem:$0x7FF] =	sst s3;
	s4 =	sadd.s32 $0x4200, s7;
	s8 =	smul.u32 $0x140000, s6  }
0x6: {  	s1 =	sshll.u32 s6, $0x4;
	s9 =	smul.u32 $0x14000, s0;
	_ =	strace $0x8000004A  }
0x7: {  	s10 =	smul.u32 $0x50000, s0;
	s29 =	ssub.s32 $0x2, s6;
	s1 =	sor.u32 s0, s1  }
0x8: {  	s31 =	sshrl.u32 s29, $0x1;
	s5 =	smul.u32 $0x500, s1;
	s8 =	sadd.s32 s9, s8  }
0x9: {  	s30 =	sshrl.u32 s10, $0x2;
	s17 =	ssub.s32 s29, s31;
	s8 =	sshrl.u32 s8, $0x3  }
0xa: {  	s6 =	sadd.s32 s30, s2;
	s17 =	smax.u32 s17, $0x1;
	s15 =	sadd.s32 s5, s7  }
0xb: {  	s5 =	sadd.s32 $0x2B400, s7;
	s16 =	sadd.s32 s8, s7;
	s7 =	sadd.s32 $0x2800, s6  }
0xc: {  	s8 =	sadd.s32 $0x5000, s6;
	s9 =	sadd.s32 $0x7800, s6;
	s10 =	sadd.s32 $0xA000, s6  }
0xd: {  	s11 =	sadd.s32 $0xC800, s6;
	s12 =	sadd.s32 $0xF000, s6;
	s13 =	sadd.s32 $0x11800, s6  }
0xe: {  	v0 =	vimm.f32 $0.0e+00;
	v1 =	vimm.s32 $0x0;
	v2 =	vimm.s32 $0x27F8;
	s14 =	sadd.s32 $0x54200, s15;
	s15 =	sadd.s32 $0x5E200, s15;
	s16 =	sadd.s32 $0x68200, s16  }
.LBB2_1:
0xf: {  	s23 =	sand.u32 $0xFE00, s3  }
0x10: {  	s24 =	sand.u32 $0x70, s3;
	s25 =	sshrl.u32 s23, $0x2  }
0x11: {  	s23 =	simm.s32 $0x40;
	s25 =	sor.u32 s24, s25;
	s24 =	simm.s32 $0x0  }
.LBB2_2:
0x12: {  	p0 =	sne.s32 s23, $0x9FC0  }
0x13: {  	[tilespmem:s25+$0x7980] =	vst v0;
	s24 =	sadd.s32 $0x10, s24;
	s25 =	smov.u32 s23;
	s23 =	sadd.s32 $0x40, s23  }
.Ltmp0:
0x14: {  	(pc) =	sbr.rel @p0 .LBB2_2-.Ltmp0, $4  }
0x15: {  	_ = 	snop  }
0x16: {  	s25 =	sand.u32 $0xFE00, s25  }
0x17: {  	s26 =	sand.u32 $0x70, s24;
	s25 =	sshrl.u32 s25, $0x2  }
0x18: {  	s25 =	sor.u32 s26, s25  }
0x19: {  	[tilespmem:s25+$0x7980] =	vst v0  }
0x1a: {  	[spmem:s6] =	stream.linear.scatter [tilespmem:s18], [sflag:$0x2], $0x2800, $0x38;
	[tilespmem:$0x1E180] =	vst v63  }
0x1b: {  	_ =	swait.ge [sflag:s19], $0x2800  }
0x1c: {  	[sflag:s19] =	ssyncset.done $0x0  }
0x1d: {  	[sflag:s19] =	ssyncadd.s32 $0xFFFFD800  }
0x1e: {  	[spmem:s7] =	stream.linear.scatter [tilespmem:s18], [sflag:$0x2], $0x2800, $0x38;
	[tilespmem:$0x1E180] =	vst v63  }
0x1f: {  	_ =	swait.ge [sflag:s19], $0x2800  }
0x20: {  	[sflag:s19] =	ssyncset.done $0x0  }
0x21: {  	[sflag:s19] =	ssyncadd.s32 $0xFFFFD800  }
0x22: {  	[spmem:s8] =	stream.linear.scatter [tilespmem:s18], [sflag:$0x2], $0x2800, $0x38;
	[tilespmem:$0x1E180] =	vst v63  }
0x23: {  	_ =	swait.ge [sflag:s19], $0x2800  }
0x24: {  	[sflag:s19] =	ssyncset.done $0x0  }
0x25: {  	[sflag:s19] =	ssyncadd.s32 $0xFFFFD800  }
0x26: {  	[spmem:s9] =	stream.linear.scatter [tilespmem:s18], [sflag:$0x2], $0x2800, $0x38;
	[tilespmem:$0x1E180] =	vst v63  }
0x27: {  	_ =	swait.ge [sflag:s19], $0x2800  }
0x28: {  	[sflag:s19] =	ssyncset.done $0x0  }
0x29: {  	[sflag:s19] =	ssyncadd.s32 $0xFFFFD800  }
0x2a: {  	[spmem:s10] =	stream.linear.scatter [tilespmem:s18], [sflag:$0x2], $0x2800, $0x38;
	[tilespmem:$0x1E180] =	vst v63  }
0x2b: {  	_ =	swait.ge [sflag:s19], $0x2800  }
0x2c: {  	[sflag:s19] =	ssyncset.done $0x0  }
0x2d: {  	[sflag:s19] =	ssyncadd.s32 $0xFFFFD800  }
0x2e: {  	[spmem:s11] =	stream.linear.scatter [tilespmem:s18], [sflag:$0x2], $0x2800, $0x38;
	[tilespmem:$0x1E180] =	vst v63  }
0x2f: {  	_ =	swait.ge [sflag:s19], $0x2800  }
0x30: {  	[sflag:s19] =	ssyncset.done $0x0  }
0x31: {  	[sflag:s19] =	ssyncadd.s32 $0xFFFFD800  }
0x32: {  	[spmem:s12] =	stream.linear.scatter [tilespmem:s18], [sflag:$0x2], $0x2800, $0x38;
	[tilespmem:$0x1E180] =	vst v63  }
0x33: {  	_ =	swait.ge [sflag:s19], $0x2800  }
0x34: {  	[sflag:s19] =	ssyncset.done $0x0  }
0x35: {  	[sflag:s19] =	ssyncadd.s32 $0xFFFFD800  }
0x36: {  	[spmem:s13] =	stream.linear.scatter [tilespmem:s18], [sflag:$0x2], $0x2800, $0x38;
	[tilespmem:$0x1E180] =	vst v63  }
0x37: {  	_ =	swait.ge [sflag:s19], $0x2800  }
0x38: {  	[sflag:s19] =	ssyncset.done $0x0  }
0x39: {  	[sflag:s19] =	ssyncadd.s32 $0xFFFFD800  }
0x3a: {  	s23 =	simm.s32 $0x0;
	[bflag:$0x0] =	sbarrier.arrive $0xFFFF  }
0x3b: {  	[tilespmem:s23], [sflag:$0x2] =	stream.linear.gather [hbm4b:s14+s23], $0x2800, $0x38;
	[tilespmem:$0x1E180] =	vst v63  }
0x3c: {  	_ =	swait.ge [sflag:s19], $0x2800  }
0x3d: {  	[sflag:s19] =	ssyncset.done $0x0  }
0x3e: {  	[sflag:s19] =	ssyncadd.s32 $0xFFFFD800  }
0x3f: {  	[tilespmem:s20], [sflag:$0x2] =	stream.linear.gather [hbm4b:s15+s23], $0x2800, $0x38;
	[tilespmem:$0x1E180] =	vst v63  }
0x40: {  	_ =	swait.ge [sflag:s19], $0x2800  }
0x41: {  	[sflag:s19] =	ssyncset.done $0x0  }
0x42: {  	[sflag:s19] =	ssyncadd.s32 $0xFFFFD800  }
0x43: {  	[tilespmem:s21], [sflag:$0x2] =	stream.linear.gather [hbm4b:s5+s23], $0x2780, $0x38;
	[tilespmem:$0x1E180] =	vst v63  }
0x44: {  	_ =	swait.ge [sflag:s19], $0x2780  }
0x45: {  	[sflag:s19] =	ssyncset.done $0x0  }
0x46: {  	s24 =	simm.s32 $0x0;
	[sflag:s19] =	ssyncadd.s32 $0xFFFFD880  }
0x47: {  	v3 =	vld [tilespmem:s24+$0x2900];
	_ =	sdelay $0x7  }
0x48: {  	v4 =	vld.idx.msk [tilespmem:v3+s21+$0x0], $0xffff;
	_ =	sdelay $0x4  }
0x49: {  	vm0 =	vgt.f32 v4, $0.0e+00  }
0x4a: {  	v5 =	vld [tilespmem:s24+$0x0];
	v4 =	vsel vm0, $0x1, v1  }
0x4b: {  	(xrf0) =	vadd.scan.msk.s32 $0xffff, v4;
	_ =	sdelay $0x2  }
0x4c: {  	[tilespmem:s23+$0x2900] =	vst.msk vm0, v3  }
0x4d: {  	s25 =	simm.s32 $0x80;
	s24 =	simm.s32 $0x10;
	[tilespmem:s23+$0x0] =	vst.msk vm0, v5  }
.LBB2_4:
0x4e: {  	p0 =	sne.s32 s25, $0x9FC0;
	v3 =	vld [tilespmem:s24+$0x2900]  }
0x4f: {  	v4, _, _ =	vpop (xrf0)  }
0x50: {  	(v2sf) =	vpush v4, $0xF;
	_ =	sdelay $0x5  }
0x51: {  	v4 =	vld.idx.msk [tilespmem:v3+s21+$0x0], $0xffff;
	_ =	sdelay $0x5  }
0x52: {  	vm0 =	vgt.f32 v4, $0.0e+00  }
0x53: {  	v5 =	vsel vm0, $0x1, v1;
	v4 =	vld [tilespmem:s24+$0x0]  }
.Ltmp1:
0x54: {  	(xrf0) =	vadd.scan.msk.s32 $0xffff, v5;
	(pc) =	sbr.rel @p0 .LBB2_4-.Ltmp1, $4  }
0x55: {  	s24 =	spop (v2sf)  }
0x56: {  	s23 =	sadd.s32 s23, s24  }
0x57: {  	[tilespmem:s23+$0x2900] =	vst.msk vm0, v3  }
0x58: {  	s24 =	sshra.s32 s25, $0x2;
	s25 =	sadd.s32 $0x40, s25;
	[tilespmem:s23+$0x0] =	vst.msk vm0, v4  }
0x59: {  	v3 =	vld [tilespmem:s24+$0x2900];
	_ =	sdelay $0x7  }
0x5a: {  	v4 =	vld.idx.msk [tilespmem:v3+s21+$0x0], $0xffff;
	_ =	sdelay $0x4  }
0x5b: {  	vm0 =	vgt.f32 v4, $0.0e+00  }
0x5c: {  	v4 =	vsel vm0, $0x1, v1  }
0x5d: {  	(xrf0) =	vadd.scan.msk.s32 $0xffff, v4;
	_ =	sdelay $0x4  }
0x5e: {  	v61, _, _ =	vpop (xrf0)  }
0x5f: {  	(v2sf) =	vpush v61, $0xF;
	v62, _, _ =	vpop (xrf0)  }
0x60: {  	(v2sf) =	vpush v62, $0xF;
	_ =	sdelay $0xc  }
0x61: {  	v63 =	vld [tilespmem:s24+$0x0]  }
0x62: {  	s29 =	spop (v2sf)  }
0x63: {  	s23 =	sadd.s32 s23, s29;
	s30 =	spop (v2sf)  }
0x64: {  	s24 =	sadd.s32 s23, s30  }
0x65: {  	[tilespmem:s23+$0x2900] =	vst.msk vm0, v3;
	s25 =	sadd.s32 $0x4F, s24  }
0x66: {  	[tilespmem:s23+$0x0] =	vst.msk vm0, v63;
	s31 =	smulhi.u32 $0x66666667, s25;
	s26 =	sshra.s32 s25, $0x1F  }
0x67: {  	[tilespmem:s24+$0x2900] =	vst v2;
	s26 =	smul.u32 $0x66666667, s26  }
0x68: {  	[tilespmem:s24+$0x0] =	vst v1  }
0x69: {  	[tilespmem:s24+$0x2910] =	vst v2;
	s23 =	sadd.s32 s26, s31  }
0x6a: {  	[tilespmem:s24+$0x10] =	vst v1;
	s26 =	sshrl.u32 s23, $0x1F;
	s23 =	sshra.s32 s23, $0x5  }
0x6b: {  	[tilespmem:s24+$0x2920] =	vst v2;
	s23 =	sadd.s32 s26, s23  }
0x6c: {  	[tilespmem:s24+$0x20] =	vst v1;
	s26 =	smul.u32 $0xFFFFFFB0, s23  }
0x6d: {  	[tilespmem:s24+$0x2930] =	vst v2;
	s28 =	ssub.s32 $0xFFFFFFB1, s24  }
0x6e: {  	[tilespmem:s24+$0x30] =	vst v1;
	p0 =	slt.s32 s25, $0x1;
	p1 =	sne.s32 s26, s28  }
0x6f: {  	[tilespmem:s24+$0x2940] =	vst v2;
	p0 =	por !p0, !p1  }
0x70: {  	[tilespmem:s24+$0x40] =	vst v1;
	s25 =	simm.s32 $0x1;
	p0 =	por !p0, !p0  }
0x71: {  	[tilespmem:s24+$0x2950] =	vst v2;
	s25 =	simm.s32 @!p0 $0x0  }
0x72: {  	[tilespmem:s24+$0x50] =	vst v1;
	s23 =	ssub.s32 s23, s25  }
0x73: {  	s24 =	simm.s32 $0x0;
	_ =	strace $0x8000004B;
	p0 =	sle.s32 s23, $0x0  }
0x74: {  	s25 =	simm.s32 @!p0 $0x50;
	s26 =	simm.s32 @!p0 $0x7980;
	s28 =	simm.s32 @!p0 $0x1  }
0x75: {  	[tilespmem:s26], [sflag:$0x1] =	stream.indirect.gather @!p0 [hbm4b:s4+s25], $0x80, s24, s25, $0x2000b8;
	[tilespmem:$0x1E180] =	vst v63  }
0x76: {  	_ =	swait.ge @!p0 [sflag:s28], $0x2800  }
0x77: {  	[sflag:s28] =	ssyncset.done @!p0 $0x0;
	p0 =	por p0, p0  }
0x78: {  	s24 =	simm.s32 $0x2900;
	[sflag:s28] =	ssyncadd.s32 @!p0 $0xFFFFD800  }
0x79: {  	[spmem:s2] =	stream.indirect.scatter.add.f32 @!p0 [tilespmem:s26], [sflag:$0x2], $0x80, s24, s25, $0x2000b8;
	[tilespmem:$0x1E180] =	vst v63  }
0x7a: {  	p1 =	sle.s32 s23, $0x1;
	s28 =	simm.s32 @!p0 $0x2;
	s26 =	simm.s32 $0x2  }
0x7b: {  	s25 =	simm.s32 $0x50;
	s24 =	simm.s32 $0x2950;
	_ =	swait.ge @!p0 [sflag:s28], $0x2800  }
.LBB2_6:
0x7c: {  	s29 =	simm.s32 @!p1 $0x50;
	s30 =	simm.s32 @!p1 $0x7980  }
0x7d: {  	[sflag:s28] =	ssyncset.done @!p0 $0x0;
	s31 =	smov.u32 s26;
	s26 =	sadd.s32 $0x1, s26  }
0x7e: {  	s1 =	simm.s32 @!p1 $0x1;
	[sflag:s28] =	ssyncadd.s32 @!p0 $0xFFFFD800;
	p2 =	sne.s32 s26, $0x80  }
0x7f: {  	[tilespmem:s30], [sflag:$0x1] =	stream.indirect.gather @!p1 [hbm4b:s4+s29], $0x80, s25, s29, $0x2000b8;
	[tilespmem:$0x1E180] =	vst v63  }
.Ltmp2:
0x80: {  	_ =	swait.ge @!p1 [sflag:s1], $0x2800;
	(pc) =	sbr.rel @p2 .LBB2_6-.Ltmp2, $4  }
0x81: {  	p0 =	por p1, p1;
	[sflag:s1] =	ssyncset.done @!p1 $0x0  }
0x82: {  	s28 =	simm.s32 @!p0 $0x2;
	s25 =	sadd.s32 $0x50, s25;
	[sflag:s1] =	ssyncadd.s32 @!p0 $0xFFFFD800  }
0x83: {  	[spmem:s2] =	stream.indirect.scatter.add.f32 @!p0 [tilespmem:s30], [sflag:$0x2], $0x80, s24, s29, $0x2000b8;
	[tilespmem:$0x1E180] =	vst v63  }
0x84: {  	p1 =	sge.s32 s31, s23;
	s24 =	sadd.s32 $0x50, s24;
	_ =	swait.ge @!p0 [sflag:s28], $0x2800  }
0x85: {  	s1 =	simm.s32 @!p1 $0x50;
	[sflag:s28] =	ssyncset.done @!p0 $0x0  }
0x86: {  	s23 =	simm.s32 @!p1 $0x7980;
	s26 =	simm.s32 @!p1 $0x1;
	[sflag:s28] =	ssyncadd.s32 @!p0 $0xFFFFD800  }
0x87: {  	[tilespmem:s23], [sflag:$0x1] =	stream.indirect.gather @!p1 [hbm4b:s4+s1], $0x80, s25, s1, $0x2000b8;
	[tilespmem:$0x1E180] =	vst v63  }
0x88: {  	_ =	swait.ge @!p1 [sflag:s26], $0x2800  }
0x89: {  	p0 =	por p1, p1;
	[sflag:s26] =	ssyncset.done @!p1 $0x0  }
0x8a: {  	s25 =	simm.s32 @!p0 $0x2;
	[sflag:s26] =	ssyncadd.s32 @!p0 $0xFFFFD800  }
0x8b: {  	[spmem:s2] =	stream.indirect.scatter.add.f32 @!p0 [tilespmem:s23], [sflag:$0x2], $0x80, s24, s1, $0x2000b8;
	[tilespmem:$0x1E180] =	vst v63  }
0x8c: {  	_ =	swait.ge @!p0 [sflag:s25], $0x2800  }
0x8d: {  	[sflag:s25] =	ssyncset.done @!p0 $0x0  }
0x8e: {  	[sflag:s25] =	ssyncadd.s32 @!p0 $0xFFFFD800  }
0x8f: {  	s30 =	sshll.u32 s0, $0x6;
	_ =	strace $0x9000004B  }
0x90: {  	s31 =	sshrl.u32 s6, $0x3;
	s22 =	sadd.s32 $0x1, s22;
	[bflag:$0x0] =	sbarrier.arrive $0xFFFF  }
0x91: {  	s1 =	sor.u32 $0x1C02, s30;
	p0 =	sne.s32 s22, s17;
	_ =	strace $0x8000004C  }
0x92: {  	[hbm:s16], [sflag:s1] =	dma.local [spmem:s31], $0x2800  }
.Ltmp3:
0x93: {  	_ = 	snop;
	(pc) =	sbr.rel @p0 .LBB2_1-.Ltmp3, $4  }
0x94: {  	_ =	swait.ge [sflag:s19], $0x2800  }
0x95: {  	[sflag:s19] =	ssyncset.done $0x0  }
0x96: {  	[sflag:s19] =	ssyncadd.s32 $0xFFFFD800  }
0x97: {  	_ =	strace $0x9000004C  }
0x98: {  	_ =	sfence.sel $0x180000  }
0x99: {  	[bflag:$0x0] =	sbarrier.arrive $0xFFFF  }
0x9a: {  	_ =	strace $0x9000004A  }
0x9b: {  	[bflag:$0x2] =	sbarrier.arrive $0xFFFF  }
0x9c: {  	p0 =	sne.s32 s0, $0x0;
	s0 =	rddreg [dreg:$0x2]  }
0x9d: {  	s0 =	sadd.s32 @!p0 $0x100000, s0  }
0x9e: {  	[sflag:s0] =	ssyncadd.tile.s32 @!p0 $0x1;
	_ =	shalt  }
.Lfunc_end2:
_tile_overlayer_lowered:
.L_overlay_start_2:
0x9f: {  	(tag) =	ssettag $0x2  }
0xa0: {  	s0 =	rddreg [dreg:$0x0];
	s2 =	stileid.u32  }
0xa1: {  	s1 =	rddreg [dreg:$0x1];
	p0 =	sne.s32 s2, $0x0  }
0xa2: {  	s3 =	rddreg [dreg:$0x2];
	[bflag:$0x3] =	sbarrier.arrive $0xFFFF;
	s2 =	simm.s32 @!p0 $0x1C02  }
0xa3: {  	[timem:s3], [sflag:s2] =	dma.local @!p0 [hbm:s0], s1  }
0xa4: {  	s0 =	simm.s32 @!p0 $0x2  }
0xa5: {  	_ =	swait.ge @!p0 [sflag:s0], s1  }
0xa6: {  	s1 =	ssub.s32 @!p0 $0x0, s1;
	[sflag:s0] =	ssyncset.done @!p0 $0x0  }
0xa7: {  	[sflag:s0] =	ssyncadd.s32 @!p0 s1  }
0xa8: {  	[bflag:$0x3] =	sbarrier.arrive $0xFFFF  }
0xa9: {  	_ =	shalt  }

// kernel: kernel.14.cloned.1.call-start
scs
__scs_entry_jumppad:
0x0: {  	(pc) =	sbr.rel $0x88, $3  }
0x1: {  	(tag) =	ssettag $0x0;
	lr =	simm.s32 $0x1  }
0x2: {  	[smem:$0x3F90] =	sst lr;
	_ =	strace $0xD0000000  }
0x3: {  	_ = 	snop  }
0x4: {  	_ = 	snop  }
0x5: {  	_ = 	snop  }
0x6: {  	_ = 	snop  }
0x7: {  	_ = 	snop  }
__scs_overlays_trampoline_lowered:
0x8: {  	[smem:$0x3F9F] =	sst s0  }
0x9: {  	[smem:$0x3FA0] =	sst s1  }
0xa: {  	[smem:$0x3FA1] =	sst s2  }
0xb: {  	[smem:$0x3FA2] =	sst s3  }
0xc: {  	[smem:$0x3FA3] =	sst s4  }
0xd: {  	[smem:$0x3FA4] =	sst s5  }
0xe: {  	[smem:$0x3FA5] =	sst s6  }
0xf: {  	[smem:$0x3FA6] =	sst s7  }
0x10: {  	[smem:$0x3FA7] =	sst s8  }
0x11: {  	[smem:$0x3FA8] =	sst s9;
	s0 =	simm.s32 @!p0 $0x0  }
0x12: {  	s1 =	sld [smem:$0x3F8E];
	s0 =	simm.s32 @p0 $0x1  }
0x13: {  	[smem:$0x3FA9] =	sst s0;
	s0 =	simm.s32 @!p1 $0x0  }
0x14: {  	s2 =	sld [smem:$0x3F8D];
	s0 =	simm.s32 @p1 $0x1  }
0x15: {  	[smem:$0x3FAA] =	sst s0;
	s0 =	simm.s32 @!p2 $0x0  }
0x16: {  	s3 =	sld [smem:$0x3FDB];
	s0 =	simm.s32 @p2 $0x1  }
0x17: {  	s4 =	simm.s32 $0x1BF5;
	[smem:$0x3FAC] =	sst s0  }
0x18: {  	s0 =	sld [smem:$0x3F8F];
	_ =	swait.ge [sflag:s4], $0x0  }
0x19: {  	s7 =	sld [smem:$0x3F90]  }
0x1a: {  	s8 =	sadd.s32 $0xFFFFE003, lr  }
0x1b: {  	s9 =	sadd.s32 $0xFFFFFEF7, lr;
	s5 =	simm.s32 $0xFFFFFFFF;
	p2 =	slt.u32 s8, $0xFFFFF086  }
0x1c: {  	p1 =	slt.u32 s9, $0xF7A;
	s5 =	simm.s32 @!p2 $0x0  }
0x1d: {  	s5 =	simm.s32 @p1 $0x1;
	p0 =	seq.s32 s7, s2  }
0x1e: {  	s7 =	smul.u32 @!p0 $0xF7A, s2;
	p2 =	seq.s32 @!p0 s5, $0x0  }
0x1f: {  	s9 =	smul.u32 $0xF7A, s1;
	s8 =	simm.s32 @!p0 $0x1BF5;
	p2 =	por !p2, p0  }
0x20: {  	[sflag:s8] =	ssyncset.s32 @!p0 $0xFFFFF086;
	s6 =	sadd.s32 @!p0 s3, s7;
	s7 =	simm.s32 @!p0 $0x108  }
0x21: {  	s3 =	sadd.s32 s3, s9;
	s6 =	sadd.s32 @!p0 $0x88, s6;
	s7 =	simm.s32 @p2 $0x1082  }
0x22: {  	[simem:s7], [sflag:s8] =	dma.local @!p0 [hbm:s6], $0xF7A  }
0x23: {  	s9 =	sor.u32 $0xD0000000, s2;
	s6 =	simm.s32 $0x108;
	_ =	swait.ge @!p0 [sflag:s8], $0x0  }
0x24: {  	s3 =	sadd.s32 $0x88, s3;
	s6 =	simm.s32 @!p1 $0x1082;
	[sflag:s4] =	ssyncset.s32 $0xFFFFF086  }
0x25: {  	[simem:s6], [sflag:s4] =	dma.local [hbm:s3], $0xF7A  }
0x26: {  	[smem:$0x3F90] =	sst s1;
	(tag) =	ssettag s2;
	_ =	strace s9  }
0x27: {  	s1 =	sld [smem:$0x3FA0]  }
0x28: {  	s2 =	sld [smem:$0x3FA1]  }
0x29: {  	s4 =	sld [smem:$0x3FA3]  }
0x2a: {  	p0 =	seq.s32 s5, $0x0;
	s5 =	sld [smem:$0x3FA4]  }
0x2b: {  	s6 =	sld [smem:$0x3FA5]  }
0x2c: {  	s7 =	sld [smem:$0x3FA6]  }
0x2d: {  	s3 =	simm.s32 $0x108;
	s8 =	sld [smem:$0x3FA7]  }
0x2e: {  	s3 =	simm.s32 @!p0 $0x1082;
	s9 =	sld [smem:$0x3FA8]  }
0x2f: {  	lr =	sadd.s32 s0, s3;
	s0 =	sld [smem:$0x3F9F]  }
0x30: {  	s3 =	sld [smem:$0x3FA2]  }
0x31: {  	[smem:$0x3FAB] =	sst s10  }
0x32: {  	s10 =	sld [smem:$0x3FA9];
	_ =	sdelay $0x3  }
0x33: {  	p0 =	seq.s32 s10, $0x1;
	s10 =	sld [smem:$0x3FAB];
	_ =	sdelay $0x3  }
0x34: {  	[smem:$0x3FAB] =	sst s10  }
0x35: {  	s10 =	sld [smem:$0x3FAA];
	_ =	sdelay $0x3  }
0x36: {  	p1 =	seq.s32 s10, $0x1;
	s10 =	sld [smem:$0x3FAB];
	_ =	sdelay $0x3  }
0x37: {  	[smem:$0x3FAB] =	sst s10  }
0x38: {  	s10 =	sld [smem:$0x3FAC]  }
0x39: {  	_ = 	snop;
	(pc) =	sbr.ind lr, $3  }
0x3a: {  	_ = 	snop  }
0x3b: {  	_ = 	snop  }
0x3c: {  	p2 =	seq.s32 s10, $0x1;
	s10 =	sld [smem:$0x3FAB]  }
0x3d: {  	_ =	shalt  }
0x3e: {  	_ =	shalt  }
0x3f: {  	_ =	shalt  }
0x40: {  	_ =	shalt  }
0x41: {  	_ =	shalt  }
0x42: {  	_ =	shalt  }
0x43: {  	_ =	shalt  }
0x44: {  	_ =	shalt  }
0x45: {  	_ =	shalt  }
0x46: {  	_ =	shalt  }
0x47: {  	_ =	shalt  }
0x48: {  	_ =	shalt  }
0x49: {  	_ =	shalt  }
0x4a: {  	_ =	shalt  }
0x4b: {  	_ =	shalt  }
0x4c: {  	_ =	shalt  }
0x4d: {  	_ =	shalt  }
0x4e: {  	_ =	shalt  }
0x4f: {  	_ =	shalt  }
0x50: {  	_ =	shalt  }
0x51: {  	_ =	shalt  }
0x52: {  	_ =	shalt  }
0x53: {  	_ =	shalt  }
0x54: {  	_ =	shalt  }
0x55: {  	_ =	shalt  }
0x56: {  	_ =	shalt  }
0x57: {  	_ =	shalt  }
0x58: {  	_ =	shalt  }
0x59: {  	_ =	shalt  }
0x5a: {  	_ =	shalt  }
0x5b: {  	_ =	shalt  }
0x5c: {  	_ =	shalt  }
0x5d: {  	_ =	shalt  }
0x5e: {  	_ =	shalt  }
0x5f: {  	_ =	shalt  }
0x60: {  	_ =	shalt  }
0x61: {  	_ =	shalt  }
0x62: {  	_ =	shalt  }
0x63: {  	_ =	shalt  }
0x64: {  	_ =	shalt  }
0x65: {  	_ =	shalt  }
0x66: {  	_ =	shalt  }
0x67: {  	_ =	shalt  }
0x68: {  	_ =	shalt  }
0x69: {  	_ =	shalt  }
0x6a: {  	_ =	shalt  }
0x6b: {  	_ =	shalt  }
0x6c: {  	_ =	shalt  }
0x6d: {  	_ =	shalt  }
0x6e: {  	_ =	shalt  }
0x6f: {  	_ =	shalt  }
0x70: {  	_ =	shalt  }
0x71: {  	_ =	shalt  }
0x72: {  	_ =	shalt  }
0x73: {  	_ =	shalt  }
0x74: {  	_ =	shalt  }
0x75: {  	_ =	shalt  }
0x76: {  	_ =	shalt  }
0x77: {  	_ =	shalt  }
0x78: {  	_ =	shalt  }
0x79: {  	_ =	shalt  }
0x7a: {  	_ =	shalt  }
0x7b: {  	_ =	shalt  }
0x7c: {  	_ =	shalt  }
0x7d: {  	_ =	shalt  }
0x7e: {  	_ =	shalt  }
0x7f: {  	_ =	shalt  }
0x80: {  	_ =	shalt  }
0x81: {  	_ =	shalt  }
0x82: {  	_ =	shalt  }
0x83: {  	_ =	shalt  }
0x84: {  	_ =	shalt  }
0x85: {  	_ =	shalt  }
0x86: {  	_ =	shalt  }
0x87: {  	_ =	shalt  }
.Lfunc_end0:
.L_simem_size_0:
called_computation.2_lowered:
.L_overlay_start_0:
0x88: {  	s2 =	sld [smem:$0x3FD9]  }
0x89: {  	s3 =	sld [smem:$0x3FFE];
	_ =	sdelay $0x1  }
0x8a: {  	s1 =	srdreg.scid  }
0x8b: {  	s0 =	sand.u32 $0x1, s1  }
0x8c: {  	s16 =	sshll.u32 s0, $0xA;
	s2 =	sadd.s32 s3, s2  }
0x8d: {  	s2 =	sadd.s32 s2, s16  }
0x8e: {  	[smem:$0x3FB7] =	sst s2  }
0x8f: {  	_ = 	snop  }
0x90: {  	(tm) =	ssettm $0x1  }
0x91: {  	s17 =	sld [smem:$0x3FFB];
	_ =	sdelay $0x3  }
0x92: {  	_ =	strace s17  }
0x93: {  	s2 =	sld [smem:$0x3FFC];
	_ =	sdelay $0x3  }
0x94: {  	_ =	strace s2  }
0x95: {  	s2 =	sld [smem:$0x3FFD];
	_ =	sdelay $0x3  }
0x96: {  	_ =	strace s2  }
0x97: {  	_ =	strace $0x8FFFFFFF  }
0x98: {  	s18 =	sld [smem:$0x3FDB];
	_ =	sdelay $0x1  }
0x99: {  	s19 =	simm.s32 $_scs_section_size  }
0x9a: {  	s4 =	simm.s32 $_size__tile_overlayer_lowered;
	s5 =	simm.s32 $_tile_overlayer_lowered  }
0x9b: {  	s22 =	simm.s32 $0x1BFF;
	s21 =	sshll.u32 s5, $0x1;
	s2 =	sadd.s32 s19, s18  }
0x9c: {  	s6 =	simm.s32 $0x0;
	s20 =	sshll.u32 s4, $0x1;
	s4 =	sadd.s32 s21, s2  }
0x9d: {  	[timem:s6], [sflag:s22] =	dma.local [hbm:s4], s20  }
0x9e: {  	_ =	swait.ge [sflag:s22], s20  }
0x9f: {  	s3 =	ssub.s32 $0x0, s20;
	[sflag:s22] =	ssyncset.done $0x0  }
0xa0: {  	[sflag:s22] =	ssyncadd.s32 s3;
	_ =	sdelay $0x1  }
0xa1: {  	s23 =	simm.s32 $0x1B8B  }
0xa2: {  	_ =	swait.ge [sflag:s23], $0x1  }
0xa3: {  	[sflag:s23] =	ssyncset.done $0x0  }
0xa4: {  	s25 =	simm.s32 $0x1B8E;
	s24 =	sld [smem:$0x3FFE];
	[sflag:s23] =	ssyncadd.s32 $0xFFFFFFFF  }
0xa5: {  	s26 =	simm.s32 $execute0_lowered;
	[smem:$0x3FD2] =	sst s25  }
0xa6: {  	s4 =	sshll.u32 s26, $0x1;
	_ =	strace $0x8000004E;
	[dreg:$0x1] =	wrdreg $0xFFFFFFFF  }
0xa7: {  	s28 =	simm.s32 $_size_execute0_lowered;
	s2 =	sadd.s32 s2, s4;
	[dreg:$0x0] =	wrdreg $0x0  }
0xa8: {  	s4 =	sshll.u32 s28, $0x1;
	[dreg:$0x2] =	wrdreg s2  }
0xa9: {  	[dreg:$0x3] =	wrdreg s4  }
0xaa: {  	[dreg:$0x4] =	wrdreg $0xC0  }
0xab: {  	_ =	task [dreg:s6], $0x5FFFF  }
0xac: {  	[dreg:$0x1] =	wrdreg $0xFFFFFFFF  }
0xad: {  	[dreg:$0x0] =	wrdreg $0x60  }
0xae: {  	[dreg:$0x2] =	wrdreg s24  }
0xaf: {  	[dreg:$0x3] =	wrdreg $0xA1800  }
0xb0: {  	[dreg:$0x4] =	wrdreg $0x9  }
0xb1: {  	_ =	task.clear_ibuf [dreg:s6], $0x5FFFF;
	_ =	strace $0x9000004E  }
0xb2: {  	s29 =	simm.s32 $0x9;
	_ =	strace $0x80000052  }
0xb3: {  	_ =	swait.ge [sflag:s29], $0x1  }
0xb4: {  	[sflag:s29] =	ssyncadd.s32 $0xFFFFFFFF  }
0xb5: {  	_ =	strace $0x90000052  }
0xb6: {  	_ =	sfence  }
0xb7: {  	s30 =	sld [smem:$0x0];
	_ =	sdelay $0x2  }
0xb8: {  	s31 =	sshll.u32 s1, $0xD;
	s1 =	sshrl.u32 s1, $0x2  }
0xb9: {  	s3 =	sand.u32 $0x4000, s31;
	s1 =	sadd.s32 s1, s30  }
0xba: {  	s0 =	sor.u32 s3, s0;
	s1 =	sshll.u32 s1, $0x11  }
0xbb: {  	s0 =	sor.u32 s1, s0  }
0xbc: {  	s0 =	sadd.s32 $0x8F2B, s0  }
0xbd: {  	[sflag:s0] =	ssyncadd.remote.s32 $0x1  }
0xbe: {  	_ =	sfence.sel $0xFFFF  }
0xbf: {  	[dreg:$0x0] =	wrdreg $0xFFFFFFFF;
	(pc) =	sbr.abs _section_cstart, $3  }
0xc0: {  	[dreg:$0x1] =	wrdreg $0xFFFFFFFF  }
0xc1: {  	_ =	task.clear_ibuf [dreg:s6], $0x2FFFF;
	_ =	strace $0x9FFFFFFF  }
0xc2: {  	(tm) =	ssettm $0x7FFFFFFF  }
0xc3: {  	_ =	shalt  }
tec
execute0_lowered:
.L_overlay_start_1:
0x0: {  	(tag) =	ssettag $0x1  }
0x1: {  	s0 =	srdreg.scid;
	s7 =	rddreg [dreg:$0x0]  }
0x2: {  	s2 =	rddreg [dreg:$0x1];
	s3 =	simm.s32 $0x0;
	s18 =	simm.s32 $0x7980  }
0x3: {  	s19 =	simm.s32 $0x2;
	s20 =	simm.s32 $0x2900;
	s21 =	simm.s32 $0x5200  }
0x4: {  	s22 =	simm.s32 $0x0;
	s6 =	sand.u32 $0x1, s0;
	s0 =	stileid.u32  }
0x5: {  	[smem:$0x7FF] =	sst s3;
	s4 =	sadd.s32 $0x4200, s7;
	s8 =	smul.u32 $0x140000, s6  }
0x6: {  	s1 =	sshll.u32 s6, $0x4;
	s9 =	smul.u32 $0x14000, s0;
	_ =	strace $0x8000004F  }
0x7: {  	s10 =	smul.u32 $0x50000, s0;
	s29 =	ssub.s32 $0x2, s6;
	s1 =	sor.u32 s0, s1  }
0x8: {  	s31 =	sshrl.u32 s29, $0x1;
	s5 =	smul.u32 $0x500, s1;
	s8 =	sadd.s32 s9, s8  }
0x9: {  	s30 =	sshrl.u32 s10, $0x2;
	s17 =	ssub.s32 s29, s31;
	s8 =	sshrl.u32 s8, $0x3  }
0xa: {  	s6 =	sadd.s32 s30, s2;
	s17 =	smax.u32 s17, $0x1;
	s15 =	sadd.s32 s5, s7  }
0xb: {  	s5 =	sadd.s32 $0x2BA00, s7;
	s16 =	sadd.s32 s8, s7;
	s7 =	sadd.s32 $0x2800, s6  }
0xc: {  	s8 =	sadd.s32 $0x5000, s6;
	s9 =	sadd.s32 $0x7800, s6;
	s10 =	sadd.s32 $0xA000, s6  }
0xd: {  	s11 =	sadd.s32 $0xC800, s6;
	s12 =	sadd.s32 $0xF000, s6;
	s13 =	sadd.s32 $0x11800, s6  }
0xe: {  	v0 =	vimm.f32 $0.0e+00;
	v1 =	vimm.s32 $0x0;
	v2 =	vimm.s32 $0x27F8;
	s14 =	sadd.s32 $0x54200, s15;
	s15 =	sadd.s32 $0x5E200, s15;
	s16 =	sadd.s32 $0x68200, s16  }
.LBB2_1:
0xf: {  	s23 =	sand.u32 $0xFE00, s3  }
0x10: {  	s24 =	sand.u32 $0x70, s3;
	s25 =	sshrl.u32 s23, $0x2  }
0x11: {  	s23 =	simm.s32 $0x40;
	s25 =	sor.u32 s24, s25;
	s24 =	simm.s32 $0x0  }
.LBB2_2:
0x12: {  	p0 =	sne.s32 s23, $0x9FC0  }
0x13: {  	[tilespmem:s25+$0x7980] =	vst v0;
	s24 =	sadd.s32 $0x10, s24;
	s25 =	smov.u32 s23;
	s23 =	sadd.s32 $0x40, s23  }
.Ltmp0:
0x14: {  	(pc) =	sbr.rel @p0 .LBB2_2-.Ltmp0, $4  }
0x15: {  	_ = 	snop  }
0x16: {  	s25 =	sand.u32 $0xFE00, s25  }
0x17: {  	s26 =	sand.u32 $0x70, s24;
	s25 =	sshrl.u32 s25, $0x2  }
0x18: {  	s25 =	sor.u32 s26, s25  }
0x19: {  	[tilespmem:s25+$0x7980] =	vst v0  }
0x1a: {  	[spmem:s6] =	stream.linear.scatter [tilespmem:s18], [sflag:$0x2], $0x2800, $0x38;
	[tilespmem:$0x1E180] =	vst v63  }
0x1b: {  	_ =	swait.ge [sflag:s19], $0x2800  }
0x1c: {  	[sflag:s19] =	ssyncset.done $0x0  }
0x1d: {  	[sflag:s19] =	ssyncadd.s32 $0xFFFFD800  }
0x1e: {  	[spmem:s7] =	stream.linear.scatter [tilespmem:s18], [sflag:$0x2], $0x2800, $0x38;
	[tilespmem:$0x1E180] =	vst v63  }
0x1f: {  	_ =	swait.ge [sflag:s19], $0x2800  }
0x20: {  	[sflag:s19] =	ssyncset.done $0x0  }
0x21: {  	[sflag:s19] =	ssyncadd.s32 $0xFFFFD800  }
0x22: {  	[spmem:s8] =	stream.linear.scatter [tilespmem:s18], [sflag:$0x2], $0x2800, $0x38;
	[tilespmem:$0x1E180] =	vst v63  }
0x23: {  	_ =	swait.ge [sflag:s19], $0x2800  }
0x24: {  	[sflag:s19] =	ssyncset.done $0x0  }
0x25: {  	[sflag:s19] =	ssyncadd.s32 $0xFFFFD800  }
0x26: {  	[spmem:s9] =	stream.linear.scatter [tilespmem:s18], [sflag:$0x2], $0x2800, $0x38;
	[tilespmem:$0x1E180] =	vst v63  }
0x27: {  	_ =	swait.ge [sflag:s19], $0x2800  }
0x28: {  	[sflag:s19] =	ssyncset.done $0x0  }
0x29: {  	[sflag:s19] =	ssyncadd.s32 $0xFFFFD800  }
0x2a: {  	[spmem:s10] =	stream.linear.scatter [tilespmem:s18], [sflag:$0x2], $0x2800, $0x38;
	[tilespmem:$0x1E180] =	vst v63  }
0x2b: {  	_ =	swait.ge [sflag:s19], $0x2800  }
0x2c: {  	[sflag:s19] =	ssyncset.done $0x0  }
0x2d: {  	[sflag:s19] =	ssyncadd.s32 $0xFFFFD800  }
0x2e: {  	[spmem:s11] =	stream.linear.scatter [tilespmem:s18], [sflag:$0x2], $0x2800, $0x38;
	[tilespmem:$0x1E180] =	vst v63  }
0x2f: {  	_ =	swait.ge [sflag:s19], $0x2800  }
0x30: {  	[sflag:s19] =	ssyncset.done $0x0  }
0x31: {  	[sflag:s19] =	ssyncadd.s32 $0xFFFFD800  }
0x32: {  	[spmem:s12] =	stream.linear.scatter [tilespmem:s18], [sflag:$0x2], $0x2800, $0x38;
	[tilespmem:$0x1E180] =	vst v63  }
0x33: {  	_ =	swait.ge [sflag:s19], $0x2800  }
0x34: {  	[sflag:s19] =	ssyncset.done $0x0  }
0x35: {  	[sflag:s19] =	ssyncadd.s32 $0xFFFFD800  }
0x36: {  	[spmem:s13] =	stream.linear.scatter [tilespmem:s18], [sflag:$0x2], $0x2800, $0x38;
	[tilespmem:$0x1E180] =	vst v63  }
0x37: {  	_ =	swait.ge [sflag:s19], $0x2800  }
0x38: {  	[sflag:s19] =	ssyncset.done $0x0  }
0x39: {  	[sflag:s19] =	ssyncadd.s32 $0xFFFFD800  }
0x3a: {  	s23 =	simm.s32 $0x0;
	[bflag:$0x0] =	sbarrier.arrive $0xFFFF  }
0x3b: {  	[tilespmem:s23], [sflag:$0x2] =	stream.linear.gather [hbm4b:s14+s23], $0x2800, $0x38;
	[tilespmem:$0x1E180] =	vst v63  }
0x3c: {  	_ =	swait.ge [sflag:s19], $0x2800  }
0x3d: {  	[sflag:s19] =	ssyncset.done $0x0  }
0x3e: {  	[sflag:s19] =	ssyncadd.s32 $0xFFFFD800  }
0x3f: {  	[tilespmem:s20], [sflag:$0x2] =	stream.linear.gather [hbm4b:s15+s23], $0x2800, $0x38;
	[tilespmem:$0x1E180] =	vst v63  }
0x40: {  	_ =	swait.ge [sflag:s19], $0x2800  }
0x41: {  	[sflag:s19] =	ssyncset.done $0x0  }
0x42: {  	[sflag:s19] =	ssyncadd.s32 $0xFFFFD800  }
0x43: {  	[tilespmem:s21], [sflag:$0x2] =	stream.linear.gather [hbm4b:s5+s23], $0x2780, $0x38;
	[tilespmem:$0x1E180] =	vst v63  }
0x44: {  	_ =	swait.ge [sflag:s19], $0x2780  }
0x45: {  	[sflag:s19] =	ssyncset.done $0x0  }
0x46: {  	s24 =	simm.s32 $0x0;
	[sflag:s19] =	ssyncadd.s32 $0xFFFFD880  }
0x47: {  	v3 =	vld [tilespmem:s24+$0x2900];
	_ =	sdelay $0x7  }
0x48: {  	v4 =	vld.idx.msk [tilespmem:v3+s21+$0x0], $0xffff;
	_ =	sdelay $0x4  }
0x49: {  	vm0 =	vgt.f32 v4, $0.0e+00  }
0x4a: {  	v5 =	vld [tilespmem:s24+$0x0];
	v4 =	vsel vm0, $0x1, v1  }
0x4b: {  	(xrf0) =	vadd.scan.msk.s32 $0xffff, v4;
	_ =	sdelay $0x2  }
0x4c: {  	[tilespmem:s23+$0x2900] =	vst.msk vm0, v3  }
0x4d: {  	s25 =	simm.s32 $0x80;
	s24 =	simm.s32 $0x10;
	[tilespmem:s23+$0x0] =	vst.msk vm0, v5  }
.LBB2_4:
0x4e: {  	p0 =	sne.s32 s25, $0x9FC0;
	v3 =	vld [tilespmem:s24+$0x2900]  }
0x4f: {  	v4, _, _ =	vpop (xrf0)  }
0x50: {  	(v2sf) =	vpush v4, $0xF;
	_ =	sdelay $0x5  }
0x51: {  	v4 =	vld.idx.msk [tilespmem:v3+s21+$0x0], $0xffff;
	_ =	sdelay $0x5  }
0x52: {  	vm0 =	vgt.f32 v4, $0.0e+00  }
0x53: {  	v5 =	vsel vm0, $0x1, v1;
	v4 =	vld [tilespmem:s24+$0x0]  }
.Ltmp1:
0x54: {  	(xrf0) =	vadd.scan.msk.s32 $0xffff, v5;
	(pc) =	sbr.rel @p0 .LBB2_4-.Ltmp1, $4  }
0x55: {  	s24 =	spop (v2sf)  }
0x56: {  	s23 =	sadd.s32 s23, s24  }
0x57: {  	[tilespmem:s23+$0x2900] =	vst.msk vm0, v3  }
0x58: {  	s24 =	sshra.s32 s25, $0x2;
	s25 =	sadd.s32 $0x40, s25;
	[tilespmem:s23+$0x0] =	vst.msk vm0, v4  }
0x59: {  	v3 =	vld [tilespmem:s24+$0x2900];
	_ =	sdelay $0x7  }
0x5a: {  	v4 =	vld.idx.msk [tilespmem:v3+s21+$0x0], $0xffff;
	_ =	sdelay $0x4  }
0x5b: {  	vm0 =	vgt.f32 v4, $0.0e+00  }
0x5c: {  	v4 =	vsel vm0, $0x1, v1  }
0x5d: {  	(xrf0) =	vadd.scan.msk.s32 $0xffff, v4;
	_ =	sdelay $0x4  }
0x5e: {  	v61, _, _ =	vpop (xrf0)  }
0x5f: {  	(v2sf) =	vpush v61, $0xF;
	v62, _, _ =	vpop (xrf0)  }
0x60: {  	(v2sf) =	vpush v62, $0xF;
	_ =	sdelay $0xc  }
0x61: {  	v63 =	vld [tilespmem:s24+$0x0]  }
0x62: {  	s29 =	spop (v2sf)  }
0x63: {  	s23 =	sadd.s32 s23, s29;
	s30 =	spop (v2sf)  }
0x64: {  	s24 =	sadd.s32 s23, s30  }
0x65: {  	[tilespmem:s23+$0x2900] =	vst.msk vm0, v3;
	s25 =	sadd.s32 $0x4F, s24  }
0x66: {  	[tilespmem:s23+$0x0] =	vst.msk vm0, v63;
	s31 =	smulhi.u32 $0x66666667, s25;
	s26 =	sshra.s32 s25, $0x1F  }
0x67: {  	[tilespmem:s24+$0x2900] =	vst v2;
	s26 =	smul.u32 $0x66666667, s26  }
0x68: {  	[tilespmem:s24+$0x0] =	vst v1  }
0x69: {  	[tilespmem:s24+$0x2910] =	vst v2;
	s23 =	sadd.s32 s26, s31  }
0x6a: {  	[tilespmem:s24+$0x10] =	vst v1;
	s26 =	sshrl.u32 s23, $0x1F;
	s23 =	sshra.s32 s23, $0x5  }
0x6b: {  	[tilespmem:s24+$0x2920] =	vst v2;
	s23 =	sadd.s32 s26, s23  }
0x6c: {  	[tilespmem:s24+$0x20] =	vst v1;
	s26 =	smul.u32 $0xFFFFFFB0, s23  }
0x6d: {  	[tilespmem:s24+$0x2930] =	vst v2;
	s28 =	ssub.s32 $0xFFFFFFB1, s24  }
0x6e: {  	[tilespmem:s24+$0x30] =	vst v1;
	p0 =	slt.s32 s25, $0x1;
	p1 =	sne.s32 s26, s28  }
0x6f: {  	[tilespmem:s24+$0x2940] =	vst v2;
	p0 =	por !p0, !p1  }
0x70: {  	[tilespmem:s24+$0x40] =	vst v1;
	s25 =	simm.s32 $0x1;
	p0 =	por !p0, !p0  }
0x71: {  	[tilespmem:s24+$0x2950] =	vst v2;
	s25 =	simm.s32 @!p0 $0x0  }
0x72: {  	[tilespmem:s24+$0x50] =	vst v1;
	s23 =	ssub.s32 s23, s25  }
0x73: {  	s24 =	simm.s32 $0x0;
	_ =	strace $0x80000050;
	p0 =	sle.s32 s23, $0x0  }
0x74: {  	s25 =	simm.s32 @!p0 $0x50;
	s26 =	simm.s32 @!p0 $0x7980;
	s28 =	simm.s32 @!p0 $0x1  }
0x75: {  	[tilespmem:s26], [sflag:$0x1] =	stream.indirect.gather @!p0 [hbm4b:s4+s25], $0x80, s24, s25, $0x2000b8;
	[tilespmem:$0x1E180] =	vst v63  }
0x76: {  	_ =	swait.ge @!p0 [sflag:s28], $0x2800  }
0x77: {  	[sflag:s28] =	ssyncset.done @!p0 $0x0;
	p0 =	por p0, p0  }
0x78: {  	s24 =	simm.s32 $0x2900;
	[sflag:s28] =	ssyncadd.s32 @!p0 $0xFFFFD800  }
0x79: {  	[spmem:s2] =	stream.indirect.scatter.add.f32 @!p0 [tilespmem:s26], [sflag:$0x2], $0x80, s24, s25, $0x2000b8;
	[tilespmem:$0x1E180] =	vst v63  }
0x7a: {  	p1 =	sle.s32 s23, $0x1;
	s28 =	simm.s32 @!p0 $0x2;
	s26 =	simm.s32 $0x2  }
0x7b: {  	s25 =	simm.s32 $0x50;
	s24 =	simm.s32 $0x2950;
	_ =	swait.ge @!p0 [sflag:s28], $0x2800  }
.LBB2_6:
0x7c: {  	s29 =	simm.s32 @!p1 $0x50;
	s30 =	simm.s32 @!p1 $0x7980  }
0x7d: {  	[sflag:s28] =	ssyncset.done @!p0 $0x0;
	s31 =	smov.u32 s26;
	s26 =	sadd.s32 $0x1, s26  }
0x7e: {  	s1 =	simm.s32 @!p1 $0x1;
	[sflag:s28] =	ssyncadd.s32 @!p0 $0xFFFFD800;
	p2 =	sne.s32 s26, $0x80  }
0x7f: {  	[tilespmem:s30], [sflag:$0x1] =	stream.indirect.gather @!p1 [hbm4b:s4+s29], $0x80, s25, s29, $0x2000b8;
	[tilespmem:$0x1E180] =	vst v63  }
.Ltmp2:
0x80: {  	_ =	swait.ge @!p1 [sflag:s1], $0x2800;
	(pc) =	sbr.rel @p2 .LBB2_6-.Ltmp2, $4  }
0x81: {  	p0 =	por p1, p1;
	[sflag:s1] =	ssyncset.done @!p1 $0x0  }
0x82: {  	s28 =	simm.s32 @!p0 $0x2;
	s25 =	sadd.s32 $0x50, s25;
	[sflag:s1] =	ssyncadd.s32 @!p0 $0xFFFFD800  }
0x83: {  	[spmem:s2] =	stream.indirect.scatter.add.f32 @!p0 [tilespmem:s30], [sflag:$0x2], $0x80, s24, s29, $0x2000b8;
	[tilespmem:$0x1E180] =	vst v63  }
0x84: {  	p1 =	sge.s32 s31, s23;
	s24 =	sadd.s32 $0x50, s24;
	_ =	swait.ge @!p0 [sflag:s28], $0x2800  }
0x85: {  	s1 =	simm.s32 @!p1 $0x50;
	[sflag:s28] =	ssyncset.done @!p0 $0x0  }
0x86: {  	s23 =	simm.s32 @!p1 $0x7980;
	s26 =	simm.s32 @!p1 $0x1;
	[sflag:s28] =	ssyncadd.s32 @!p0 $0xFFFFD800  }
0x87: {  	[tilespmem:s23], [sflag:$0x1] =	stream.indirect.gather @!p1 [hbm4b:s4+s1], $0x80, s25, s1, $0x2000b8;
	[tilespmem:$0x1E180] =	vst v63  }
0x88: {  	_ =	swait.ge @!p1 [sflag:s26], $0x2800  }
0x89: {  	p0 =	por p1, p1;
	[sflag:s26] =	ssyncset.done @!p1 $0x0  }
0x8a: {  	s25 =	simm.s32 @!p0 $0x2;
	[sflag:s26] =	ssyncadd.s32 @!p0 $0xFFFFD800  }
0x8b: {  	[spmem:s2] =	stream.indirect.scatter.add.f32 @!p0 [tilespmem:s23], [sflag:$0x2], $0x80, s24, s1, $0x2000b8;
	[tilespmem:$0x1E180] =	vst v63  }
0x8c: {  	_ =	swait.ge @!p0 [sflag:s25], $0x2800  }
0x8d: {  	[sflag:s25] =	ssyncset.done @!p0 $0x0  }
0x8e: {  	[sflag:s25] =	ssyncadd.s32 @!p0 $0xFFFFD800  }
0x8f: {  	s30 =	sshll.u32 s0, $0x6;
	_ =	strace $0x90000050  }
0x90: {  	s31 =	sshrl.u32 s6, $0x3;
	s22 =	sadd.s32 $0x1, s22;
	[bflag:$0x0] =	sbarrier.arrive $0xFFFF  }
0x91: {  	s1 =	sor.u32 $0x1C02, s30;
	p0 =	sne.s32 s22, s17;
	_ =	strace $0x80000051  }
0x92: {  	[hbm:s16], [sflag:s1] =	dma.local [spmem:s31], $0x2800  }
.Ltmp3:
0x93: {  	_ = 	snop;
	(pc) =	sbr.rel @p0 .LBB2_1-.Ltmp3, $4  }
0x94: {  	_ =	swait.ge [sflag:s19], $0x2800  }
0x95: {  	[sflag:s19] =	ssyncset.done $0x0  }
0x96: {  	[sflag:s19] =	ssyncadd.s32 $0xFFFFD800  }
0x97: {  	_ =	strace $0x90000051  }
0x98: {  	_ =	sfence.sel $0x180000  }
0x99: {  	[bflag:$0x0] =	sbarrier.arrive $0xFFFF  }
0x9a: {  	_ =	strace $0x9000004F  }
0x9b: {  	[bflag:$0x2] =	sbarrier.arrive $0xFFFF  }
0x9c: {  	p0 =	sne.s32 s0, $0x0;
	s0 =	rddreg [dreg:$0x2]  }
0x9d: {  	s0 =	sadd.s32 @!p0 $0x100000, s0  }
0x9e: {  	[sflag:s0] =	ssyncadd.tile.s32 @!p0 $0x1;
	_ =	shalt  }
.Lfunc_end2:
_tile_overlayer_lowered:
.L_overlay_start_2:
0x9f: {  	(tag) =	ssettag $0x2  }
0xa0: {  	s0 =	rddreg [dreg:$0x0];
	s2 =	stileid.u32  }
0xa1: {  	s1 =	rddreg [dreg:$0x1];
	p0 =	sne.s32 s2, $0x0  }
0xa2: {  	s3 =	rddreg [dreg:$0x2];
	[bflag:$0x3] =	sbarrier.arrive $0xFFFF;
	s2 =	simm.s32 @!p0 $0x1C02  }
0xa3: {  	[timem:s3], [sflag:s2] =	dma.local @!p0 [hbm:s0], s1  }
0xa4: {  	s0 =	simm.s32 @!p0 $0x2  }
0xa5: {  	_ =	swait.ge @!p0 [sflag:s0], s1  }
0xa6: {  	s1 =	ssub.s32 @!p0 $0x0, s1;
	[sflag:s0] =	ssyncset.done @!p0 $0x0  }
0xa7: {  	[sflag:s0] =	ssyncadd.s32 @!p0 s1  }
0xa8: {  	[bflag:$0x3] =	sbarrier.arrive $0xFFFF  }
0xa9: {  	_ =	shalt  }

// kernel: kernel.8.cloned.1.call-start
scs
__scs_entry_jumppad:
0x0: {  	(pc) =	sbr.rel $0x88, $3  }
0x1: {  	(tag) =	ssettag $0x0;
	lr =	simm.s32 $0x1  }
0x2: {  	[smem:$0x3F90] =	sst lr;
	_ =	strace $0xD0000000  }
0x3: {  	_ = 	snop  }
0x4: {  	_ = 	snop  }
0x5: {  	_ = 	snop  }
0x6: {  	_ = 	snop  }
0x7: {  	_ = 	snop  }
__scs_overlays_trampoline_lowered:
0x8: {  	[smem:$0x3F9F] =	sst s0  }
0x9: {  	[smem:$0x3FA0] =	sst s1  }
0xa: {  	[smem:$0x3FA1] =	sst s2  }
0xb: {  	[smem:$0x3FA2] =	sst s3  }
0xc: {  	[smem:$0x3FA3] =	sst s4  }
0xd: {  	[smem:$0x3FA4] =	sst s5  }
0xe: {  	[smem:$0x3FA5] =	sst s6  }
0xf: {  	[smem:$0x3FA6] =	sst s7  }
0x10: {  	[smem:$0x3FA7] =	sst s8  }
0x11: {  	[smem:$0x3FA8] =	sst s9;
	s0 =	simm.s32 @!p0 $0x0  }
0x12: {  	s1 =	sld [smem:$0x3F8E];
	s0 =	simm.s32 @p0 $0x1  }
0x13: {  	[smem:$0x3FA9] =	sst s0;
	s0 =	simm.s32 @!p1 $0x0  }
0x14: {  	s2 =	sld [smem:$0x3F8D];
	s0 =	simm.s32 @p1 $0x1  }
0x15: {  	[smem:$0x3FAA] =	sst s0;
	s0 =	simm.s32 @!p2 $0x0  }
0x16: {  	s3 =	sld [smem:$0x3FDB];
	s0 =	simm.s32 @p2 $0x1  }
0x17: {  	s4 =	simm.s32 $0x1BF5;
	[smem:$0x3FAC] =	sst s0  }
0x18: {  	s0 =	sld [smem:$0x3F8F];
	_ =	swait.ge [sflag:s4], $0x0  }
0x19: {  	s7 =	sld [smem:$0x3F90]  }
0x1a: {  	s8 =	sadd.s32 $0xFFFFE003, lr  }
0x1b: {  	s9 =	sadd.s32 $0xFFFFFEF7, lr;
	s5 =	simm.s32 $0xFFFFFFFF;
	p2 =	slt.u32 s8, $0xFFFFF086  }
0x1c: {  	p1 =	slt.u32 s9, $0xF7A;
	s5 =	simm.s32 @!p2 $0x0  }
0x1d: {  	s5 =	simm.s32 @p1 $0x1;
	p0 =	seq.s32 s7, s2  }
0x1e: {  	s7 =	smul.u32 @!p0 $0xF7A, s2;
	p2 =	seq.s32 @!p0 s5, $0x0  }
0x1f: {  	s9 =	smul.u32 $0xF7A, s1;
	s8 =	simm.s32 @!p0 $0x1BF5;
	p2 =	por !p2, p0  }
0x20: {  	[sflag:s8] =	ssyncset.s32 @!p0 $0xFFFFF086;
	s6 =	sadd.s32 @!p0 s3, s7;
	s7 =	simm.s32 @!p0 $0x108  }
0x21: {  	s3 =	sadd.s32 s3, s9;
	s6 =	sadd.s32 @!p0 $0x88, s6;
	s7 =	simm.s32 @p2 $0x1082  }
0x22: {  	[simem:s7], [sflag:s8] =	dma.local @!p0 [hbm:s6], $0xF7A  }
0x23: {  	s9 =	sor.u32 $0xD0000000, s2;
	s6 =	simm.s32 $0x108;
	_ =	swait.ge @!p0 [sflag:s8], $0x0  }
0x24: {  	s3 =	sadd.s32 $0x88, s3;
	s6 =	simm.s32 @!p1 $0x1082;
	[sflag:s4] =	ssyncset.s32 $0xFFFFF086  }
0x25: {  	[simem:s6], [sflag:s4] =	dma.local [hbm:s3], $0xF7A  }
0x26: {  	[smem:$0x3F90] =	sst s1;
	(tag) =	ssettag s2;
	_ =	strace s9  }
0x27: {  	s1 =	sld [smem:$0x3FA0]  }
0x28: {  	s2 =	sld [smem:$0x3FA1]  }
0x29: {  	s4 =	sld [smem:$0x3FA3]  }
0x2a: {  	p0 =	seq.s32 s5, $0x0;
	s5 =	sld [smem:$0x3FA4]  }
0x2b: {  	s6 =	sld [smem:$0x3FA5]  }
0x2c: {  	s7 =	sld [smem:$0x3FA6]  }
0x2d: {  	s3 =	simm.s32 $0x108;
	s8 =	sld [smem:$0x3FA7]  }
0x2e: {  	s3 =	simm.s32 @!p0 $0x1082;
	s9 =	sld [smem:$0x3FA8]  }
0x2f: {  	lr =	sadd.s32 s0, s3;
	s0 =	sld [smem:$0x3F9F]  }
0x30: {  	s3 =	sld [smem:$0x3FA2]  }
0x31: {  	[smem:$0x3FAB] =	sst s10  }
0x32: {  	s10 =	sld [smem:$0x3FA9];
	_ =	sdelay $0x3  }
0x33: {  	p0 =	seq.s32 s10, $0x1;
	s10 =	sld [smem:$0x3FAB];
	_ =	sdelay $0x3  }
0x34: {  	[smem:$0x3FAB] =	sst s10  }
0x35: {  	s10 =	sld [smem:$0x3FAA];
	_ =	sdelay $0x3  }
0x36: {  	p1 =	seq.s32 s10, $0x1;
	s10 =	sld [smem:$0x3FAB];
	_ =	sdelay $0x3  }
0x37: {  	[smem:$0x3FAB] =	sst s10  }
0x38: {  	s10 =	sld [smem:$0x3FAC]  }
0x39: {  	_ = 	snop;
	(pc) =	sbr.ind lr, $3  }
0x3a: {  	_ = 	snop  }
0x3b: {  	_ = 	snop  }
0x3c: {  	p2 =	seq.s32 s10, $0x1;
	s10 =	sld [smem:$0x3FAB]  }
0x3d: {  	_ =	shalt  }
0x3e: {  	_ =	shalt  }
0x3f: {  	_ =	shalt  }
0x40: {  	_ =	shalt  }
0x41: {  	_ =	shalt  }
0x42: {  	_ =	shalt  }
0x43: {  	_ =	shalt  }
0x44: {  	_ =	shalt  }
0x45: {  	_ =	shalt  }
0x46: {  	_ =	shalt  }
0x47: {  	_ =	shalt  }
0x48: {  	_ =	shalt  }
0x49: {  	_ =	shalt  }
0x4a: {  	_ =	shalt  }
0x4b: {  	_ =	shalt  }
0x4c: {  	_ =	shalt  }
0x4d: {  	_ =	shalt  }
0x4e: {  	_ =	shalt  }
0x4f: {  	_ =	shalt  }
0x50: {  	_ =	shalt  }
0x51: {  	_ =	shalt  }
0x52: {  	_ =	shalt  }
0x53: {  	_ =	shalt  }
0x54: {  	_ =	shalt  }
0x55: {  	_ =	shalt  }
0x56: {  	_ =	shalt  }
0x57: {  	_ =	shalt  }
0x58: {  	_ =	shalt  }
0x59: {  	_ =	shalt  }
0x5a: {  	_ =	shalt  }
0x5b: {  	_ =	shalt  }
0x5c: {  	_ =	shalt  }
0x5d: {  	_ =	shalt  }
0x5e: {  	_ =	shalt  }
0x5f: {  	_ =	shalt  }
0x60: {  	_ =	shalt  }
0x61: {  	_ =	shalt  }
0x62: {  	_ =	shalt  }
0x63: {  	_ =	shalt  }
0x64: {  	_ =	shalt  }
0x65: {  	_ =	shalt  }
0x66: {  	_ =	shalt  }
0x67: {  	_ =	shalt  }
0x68: {  	_ =	shalt  }
0x69: {  	_ =	shalt  }
0x6a: {  	_ =	shalt  }
0x6b: {  	_ =	shalt  }
0x6c: {  	_ =	shalt  }
0x6d: {  	_ =	shalt  }
0x6e: {  	_ =	shalt  }
0x6f: {  	_ =	shalt  }
0x70: {  	_ =	shalt  }
0x71: {  	_ =	shalt  }
0x72: {  	_ =	shalt  }
0x73: {  	_ =	shalt  }
0x74: {  	_ =	shalt  }
0x75: {  	_ =	shalt  }
0x76: {  	_ =	shalt  }
0x77: {  	_ =	shalt  }
0x78: {  	_ =	shalt  }
0x79: {  	_ =	shalt  }
0x7a: {  	_ =	shalt  }
0x7b: {  	_ =	shalt  }
0x7c: {  	_ =	shalt  }
0x7d: {  	_ =	shalt  }
0x7e: {  	_ =	shalt  }
0x7f: {  	_ =	shalt  }
0x80: {  	_ =	shalt  }
0x81: {  	_ =	shalt  }
0x82: {  	_ =	shalt  }
0x83: {  	_ =	shalt  }
0x84: {  	_ =	shalt  }
0x85: {  	_ =	shalt  }
0x86: {  	_ =	shalt  }
0x87: {  	_ =	shalt  }
.Lfunc_end0:
.L_simem_size_0:
called_computation_lowered:
.L_overlay_start_0:
0x88: {  	s2 =	sld [smem:$0x3FD9]  }
0x89: {  	s3 =	sld [smem:$0x3FFE];
	_ =	sdelay $0x1  }
0x8a: {  	s1 =	srdreg.scid  }
0x8b: {  	s0 =	sand.u32 $0x1, s1  }
0x8c: {  	s17 =	sshll.u32 s0, $0xA;
	s2 =	sadd.s32 s3, s2  }
0x8d: {  	s2 =	sadd.s32 s2, s17  }
0x8e: {  	[smem:$0x3FB7] =	sst s2  }
0x8f: {  	_ = 	snop  }
0x90: {  	s2 =	sld [smem:$0x3FC5];
	(tm) =	ssettm $0x1  }
0x91: {  	s18 =	sld [smem:$0x3FFB];
	_ =	sdelay $0x3  }
0x92: {  	_ =	strace s18  }
0x93: {  	s3 =	sld [smem:$0x3FFC];
	_ =	sdelay $0x3  }
0x94: {  	_ =	strace s3  }
0x95: {  	s3 =	sld [smem:$0x3FFD];
	_ =	sdelay $0x3  }
0x96: {  	_ =	strace s3  }
0x97: {  	_ =	strace $0x8FFFFFFF  }
0x98: {  	s19 =	sld [smem:$0x3FDB];
	_ =	sdelay $0x1  }
0x99: {  	s4 =	simm.s32 $_scs_section_size  }
0x9a: {  	s5 =	simm.s32 $_size__tile_overlayer_lowered;
	s6 =	simm.s32 $_tile_overlayer_lowered  }
0x9b: {  	s22 =	simm.s32 $0x1BFF;
	s21 =	sshll.u32 s6, $0x1;
	s3 =	sadd.s32 s4, s19  }
0x9c: {  	s7 =	simm.s32 $0x0;
	s20 =	sshll.u32 s5, $0x1;
	s5 =	sadd.s32 s21, s3  }
0x9d: {  	[timem:s7], [sflag:s22] =	dma.local [hbm:s5], s20  }
0x9e: {  	_ =	swait.ge [sflag:s22], s20  }
0x9f: {  	s4 =	ssub.s32 $0x0, s20;
	[sflag:s22] =	ssyncset.done $0x0  }
0xa0: {  	[sflag:s22] =	ssyncadd.s32 s4;
	_ =	sdelay $0x1  }
0xa1: {  	s23 =	simm.s32 $0x1B8B  }
0xa2: {  	_ =	swait.ge [sflag:s23], $0x1  }
0xa3: {  	[sflag:s23] =	ssyncset.done $0x0  }
0xa4: {  	s25 =	simm.s32 $0x1B8E;
	s24 =	sld [smem:$0x3FFE];
	[sflag:s23] =	ssyncadd.s32 $0xFFFFFFFF  }
0xa5: {  	s26 =	simm.s32 $execute0_lowered;
	[smem:$0x3FD2] =	sst s25  }
0xa6: {  	s5 =	sshll.u32 s26, $0x1;
	_ =	strace $0x80000046;
	[dreg:$0x1] =	wrdreg $0xFFFFFFFF  }
0xa7: {  	s28 =	simm.s32 $_size_execute0_lowered;
	s3 =	sadd.s32 s3, s5;
	[dreg:$0x0] =	wrdreg $0x0  }
0xa8: {  	s5 =	sshll.u32 s28, $0x1;
	[dreg:$0x2] =	wrdreg s3  }
0xa9: {  	[dreg:$0x3] =	wrdreg s5  }
0xaa: {  	[dreg:$0x4] =	wrdreg $0xC0  }
0xab: {  	_ =	task [dreg:s7], $0x5FFFF  }
0xac: {  	[dreg:$0x1] =	wrdreg $0xFFFFFFFF  }
0xad: {  	[dreg:$0x0] =	wrdreg $0x60  }
0xae: {  	[dreg:$0x2] =	wrdreg s24  }
0xaf: {  	[dreg:$0x3] =	wrdreg s2  }
0xb0: {  	[dreg:$0x4] =	wrdreg $0x9  }
0xb1: {  	_ =	task.clear_ibuf [dreg:s7], $0x5FFFF;
	_ =	strace $0x90000046  }
0xb2: {  	s29 =	simm.s32 $0x9;
	_ =	strace $0x80000048  }
0xb3: {  	_ =	swait.ge [sflag:s29], $0x1  }
0xb4: {  	[sflag:s29] =	ssyncadd.s32 $0xFFFFFFFF  }
0xb5: {  	_ =	strace $0x90000048  }
0xb6: {  	_ =	sfence  }
0xb7: {  	s30 =	sld [smem:$0x0];
	_ =	sdelay $0x2  }
0xb8: {  	s31 =	sshll.u32 s1, $0xD;
	s1 =	sshrl.u32 s1, $0x2  }
0xb9: {  	s3 =	sand.u32 $0x4000, s31;
	s1 =	sadd.s32 s1, s30  }
0xba: {  	s0 =	sor.u32 s3, s0;
	s1 =	sshll.u32 s1, $0x11  }
0xbb: {  	s0 =	sor.u32 s1, s0  }
0xbc: {  	s0 =	sadd.s32 $0x8F2B, s0  }
0xbd: {  	[sflag:s0] =	ssyncadd.remote.s32 $0x1  }
0xbe: {  	_ =	sfence.sel $0xFFFF  }
0xbf: {  	[dreg:$0x0] =	wrdreg $0xFFFFFFFF;
	(pc) =	sbr.abs _section_cstart, $3  }
0xc0: {  	[dreg:$0x1] =	wrdreg $0xFFFFFFFF  }
0xc1: {  	_ =	task.clear_ibuf [dreg:s7], $0x2FFFF;
	_ =	strace $0x9FFFFFFF  }
0xc2: {  	(tm) =	ssettm $0x7FFFFFFF  }
0xc3: {  	_ =	shalt  }
tec
execute0_lowered:
.L_overlay_start_1:
0x0: {  	(tag) =	ssettag $0x1  }
0x1: {  	s5 =	rddreg [dreg:$0x0]  }
0x2: {  	s0 =	srdreg.scid;
	s2 =	rddreg [dreg:$0x1]  }
0x3: {  	s3 =	simm.s32 $0x0;
	s13 =	simm.s32 $0x50;
	s14 =	simm.s32 $0x180  }
0x4: {  	s15 =	simm.s32 $0x2980;
	s16 =	simm.s32 $0xA0;
	s17 =	simm.s32 $0x5180  }
0x5: {  	s18 =	simm.s32 $0xF0;
	s19 =	simm.s32 $0x7980;
	s20 =	simm.s32 $0xA180  }
0x6: {  	s21 =	simm.s32 $0xC900;
	s22 =	simm.s32 $0x13F80;
	s23 =	simm.s32 $0xF080  }
0x7: {  	s24 =	simm.s32 $0x11800;
	s25 =	simm.s32 $0x80;
	s4 =	sand.u32 $0x1, s0  }
0x8: {  	s26 =	simm.s32 $0x400;
	s0 =	stileid.u32;
	s1 =	sshll.u32 s4, $0x4  }
0x9: {  	s28 =	simm.s32 $0x1;
	[smem:$0x7FF] =	sst s3;
	s6 =	sor.u32 s0, s1  }
0xa: {  	s29 =	simm.s32 $0x0;
	_ =	strace $0x80000047;
	s7 =	smul.u32 $0x28, s6  }
0xb: {  	s10 =	sshll.u32 s0, $0x7;
	s31 =	ssub.s32 $0x2, s4;
	s8 =	smul.u32 $0x4E2, s6  }
0xc: {  	s11 =	sshrl.u32 s31, $0x1;
	s9 =	sshrl.u32 s6, $0x3;
	s6 =	smul.u32 $0x1400, s6  }
0xd: {  	s4 =	sadd.s32 $0x18400, s5;
	s11 =	ssub.s32 s31, s11;
	s9 =	smul.u32 $0x13C00, s9  }
0xe: {  	s10 =	sand.u32 $0x380, s10;
	s11 =	smax.u32 s11, $0x1;
	s7 =	sadd.s32 s7, s5  }
0xf: {  	s8 =	sadd.s32 s8, s5;
	s12 =	sadd.s32 s6, s5;
	s9 =	sor.u32 s10, s9  }
0x10: {  	s6 =	sadd.s32 $0xE000, s8;
	s10 =	sadd.s32 $0x18600, s12;
	s9 =	sshrl.u32 s9, $0x3  }
0x11: {  	s12 =	simm.s32 $0x2;
	s9 =	sadd.s32 s9, s5;
	s5 =	sadd.s32 $0x17E00, s7  }
0x12: {  	v0 =	vimm.f32 $0.0e+00;
	v1 =	vimm.f32 $1.000000000e+00;
	s7 =	sadd.s32 $0x4200, s8;
	s8 =	sadd.s32 $0x40600, s9;
	s9 =	sadd.s32 $0x4A400, s9  }
.LBB2_1:
0x13: {  	[tilespmem:s3], [sflag:$0x2] =	stream.linear.gather [hbm4b:s5+s3], $0x140, $0x38;
	[tilespmem:$0x14000] =	vst v63  }
0x14: {  	_ =	swait.ge [sflag:s12], $0x140  }
0x15: {  	[sflag:s12] =	ssyncset.done $0x0  }
0x16: {  	[sflag:s12] =	ssyncadd.s32 $0xFFFFFEC0  }
0x17: {  	[tilespmem:s14], [sflag:$0x1] =	stream.indirect.gather [hbm4b:s2+s13], $0x80, s3, s13, $0xb8;
	[tilespmem:$0x14000] =	vst v63  }
0x18: {  	_ = 	snop  }
0x19: {  	[tilespmem:s15], [sflag:$0x1] =	stream.indirect.gather [hbm4b:s2+s13], $0x80, s13, s13, $0xb8;
	[tilespmem:$0x14000] =	vst v63  }
0x1a: {  	_ = 	snop  }
0x1b: {  	[tilespmem:s17], [sflag:$0x1] =	stream.indirect.gather [hbm4b:s2+s13], $0x80, s16, s13, $0xb8;
	[tilespmem:$0x14000] =	vst v63  }
0x1c: {  	_ = 	snop  }
0x1d: {  	[tilespmem:s19], [sflag:$0x1] =	stream.indirect.gather [hbm4b:s2+s13], $0x80, s18, s13, $0xb8;
	[tilespmem:$0x14000] =	vst v63  }
0x1e: {  	_ = 	snop  }
0x1f: {  	[tilespmem:s20], [sflag:$0x2] =	stream.linear.gather [hbm4b:s6+s3], $0x2710, $0x38;
	[tilespmem:$0x14000] =	vst v63  }
0x20: {  	_ =	swait.ge [sflag:s12], $0x2710  }
0x21: {  	[sflag:s12] =	ssyncset.done $0x0  }
0x22: {  	[sflag:s12] =	ssyncadd.s32 $0xFFFFD8F0  }
0x23: {  	[tilespmem:s21], [sflag:$0x2] =	stream.linear.gather [hbm4b:s7+s3], $0x2710, $0x38;
	[tilespmem:$0x14000] =	vst v63  }
0x24: {  	_ =	swait.ge [sflag:s12], $0x2710  }
0x25: {  	[sflag:s12] =	ssyncset.done $0x0  }
0x26: {  	[sflag:s12] =	ssyncadd.s32 $0xFFFFD8F0  }
0x27: {  	[tilespmem:s22], [sflag:$0x2] =	stream.linear.gather [hbm4b:s4+s3], $0x80, $0x38;
	[tilespmem:$0x14000] =	vst v63  }
0x28: {  	_ =	swait.ge [sflag:s12], $0x80  }
0x29: {  	[sflag:s12] =	ssyncset.done $0x0  }
0x2a: {  	[sflag:s12] =	ssyncadd.s32 $0xFFFFFF80  }
0x2b: {  	s30 =	simm.s32 $0x40;
	s31 =	simm.s32 $0x0;
	v2 =	vld [tilespmem:$0x13F80]  }
.LBB2_2:
0x2c: {  	p0 =	seq.s32 s30, $0x9C00;
	[tilespmem:s31+$0x11800] =	vst v0;
	s1 =	smov.u32 s30;
	s30 =	sadd.s32 $0x40, s30  }
.Ltmp0:
0x2d: {  	[tilespmem:s31+$0xF080] =	vst v0;
	(pc) =	sbr.rel @!p0 .LBB2_2-.Ltmp0, $2  }
0x2e: {  	_ =	sdelay $0x2  }
0x2f: {  	s31 =	sshra.s32 s1, $0x2  }
0x30: {  	[tilespmem:s31+$0x11800] =	vst v0  }
0x31: {  	[tilespmem:s31+$0xF080] =	vst v0  }
0x32: {  	s1 =	simm.s32 $0x0;
	[tilespmem:$0x13F10] =	vst v0  }
0x33: {  	v4 =	vld [tilespmem:s1+$0xC900];
	_ =	sdelay $0x6  }
0x34: {  	v3 =	vadd.s32 $0x33, v2  }
0x35: {  	vm0 =	vge.s32 v4, v2;
	vm1 =	vlt.s32 v4, v3;
	[tilespmem:v4+s23+$0x0] =	vst.idx.add.f32.msk $0xffff, v1  }
0x36: {  	s30 =	simm.s32 $0x40;
	s31 =	simm.s32 $0x80;
	vm0 =	vmand vm0, vm1;
	v4 =	vld [tilespmem:s1+$0xA180]  }
.LBB2_4:
0x37: {  	_ =	sdelay $0x5  }
0x38: {  	p0 =	sne.s32 s31, $0x9C00  }
0x39: {  	s1 =	sshra.s32 s30, $0x2;
	s30 =	smov.u32 s31;
	s31 =	sadd.s32 $0x40, s31;
	[tilespmem:v4+s24+$0x0] =	vst.idx.add.f32.msk vm0, v1  }
0x3a: {  	v4 =	vld [tilespmem:s1+$0xC900];
	_ =	sdelay $0x4  }
.Ltmp1:
0x3b: {  	vm0 =	vge.s32 v4, v2;
	vm1 =	vlt.s32 v4, v3;
	(pc) =	sbr.rel @p0 .LBB2_4-.Ltmp1, $3  }
0x3c: {  	vm0 =	vmand vm0, vm1;
	_ =	sdelay $0x1  }
0x3d: {  	[tilespmem:v4+s23+$0x0] =	vst.idx.add.f32.msk $0xffff, v1  }
0x3e: {  	v4 =	vld [tilespmem:s1+$0xA180]  }
0x3f: {  	_ =	sdelay $0x7  }
0x40: {  	s1 =	sshra.s32 s30, $0x2;
	[tilespmem:v4+s24+$0x0] =	vst.idx.add.f32.msk vm0, v1  }
0x41: {  	v4 =	vld [tilespmem:s1+$0xC900];
	_ =	sdelay $0x7  }
0x42: {  	[tilespmem:v4+s23+$0x0] =	vst.idx.add.f32.msk $0xffff, v1  }
0x43: {  	v5 =	vld [tilespmem:s1+$0xA180]  }
0x44: {  	vm15 =	vge.s32 v4, v2;
	vm1 =	vlt.s32 v4, v3  }
0x45: {  	vm0 =	vmand vm15, vm1;
	_ =	sdelay $0x5  }
0x46: {  	[tilespmem:v5+s24+$0x0] =	vst.idx.add.f32.msk vm0, v1  }
0x47: {  	[hbm4b:s8+s25] =	stream.strided.scatter [tilespmem:s23], [sflag:$0x2], $0x2780, s26, s25, $0x38;
	[tilespmem:$0x14000] =	vst v63  }
0x48: {  	_ =	swait.ge [sflag:s12], $0x2780  }
0x49: {  	[sflag:s12] =	ssyncset.done $0x0  }
0x4a: {  	[sflag:s12] =	ssyncadd.s32 $0xFFFFD880  }
0x4b: {  	[hbm4b:s9+s25] =	stream.strided.scatter [tilespmem:s24], [sflag:$0x2], $0x2780, s26, s25, $0x38;
	[tilespmem:$0x14000] =	vst v63  }
0x4c: {  	_ =	swait.ge [sflag:s12], $0x2780  }
0x4d: {  	[sflag:s12] =	ssyncset.done $0x0  }
0x4e: {  	[sflag:s12] =	ssyncadd.s32 $0xFFFFD880  }
0x4f: {  	_ =	swait.ge [sflag:s28], $0x2800  }
0x50: {  	[sflag:s28] =	ssyncset.done $0x0  }
0x51: {  	[sflag:s28] =	ssyncadd.s32 $0xFFFFD800  }
0x52: {  	_ =	swait.ge [sflag:s28], $0x2800  }
0x53: {  	[sflag:s28] =	ssyncset.done $0x0  }
0x54: {  	[sflag:s28] =	ssyncadd.s32 $0xFFFFD800  }
0x55: {  	_ =	swait.ge [sflag:s28], $0x2800  }
0x56: {  	[sflag:s28] =	ssyncset.done $0x0  }
0x57: {  	[sflag:s28] =	ssyncadd.s32 $0xFFFFD800  }
0x58: {  	s29 =	sadd.s32 $0x1, s29;
	_ =	swait.ge [sflag:s28], $0x2800  }
0x59: {  	p0 =	sne.s32 s29, s11;
	[sflag:s28] =	ssyncset.done $0x0  }
.Ltmp2:
0x5a: {  	[sflag:s28] =	ssyncadd.s32 $0xFFFFD800;
	(pc) =	sbr.rel @p0 .LBB2_1-.Ltmp2, $4  }
0x5b: {  	[hbm4b:s10+s3] =	stream.linear.scatter [tilespmem:s14], [sflag:$0x2], $0xA000, $0x38;
	[tilespmem:$0x14000] =	vst v63  }
0x5c: {  	_ =	swait.ge [sflag:s12], $0xA000  }
0x5d: {  	[sflag:s12] =	ssyncset.done $0x0  }
0x5e: {  	[sflag:s12] =	ssyncadd.s32 $0xFFFF6000  }
0x5f: {  	_ =	sfence.sel $0x180000  }
0x60: {  	[bflag:$0x0] =	sbarrier.arrive $0xFFFF  }
0x61: {  	_ =	strace $0x90000047  }
0x62: {  	[bflag:$0x2] =	sbarrier.arrive $0xFFFF  }
0x63: {  	p0 =	sne.s32 s0, $0x0;
	s0 =	rddreg [dreg:$0x2]  }
0x64: {  	s0 =	sadd.s32 @!p0 $0x100000, s0  }
0x65: {  	[sflag:s0] =	ssyncadd.tile.s32 @!p0 $0x1;
	_ =	shalt  }
.Lfunc_end2:
_tile_overlayer_lowered:
.L_overlay_start_2:
0x66: {  	(tag) =	ssettag $0x2  }
0x67: {  	s0 =	rddreg [dreg:$0x0];
	s2 =	stileid.u32  }
0x68: {  	s1 =	rddreg [dreg:$0x1];
	p0 =	sne.s32 s2, $0x0  }
0x69: {  	s3 =	rddreg [dreg:$0x2];
	[bflag:$0x3] =	sbarrier.arrive $0xFFFF;
	s2 =	simm.s32 @!p0 $0x1C02  }
0x6a: {  	[timem:s3], [sflag:s2] =	dma.local @!p0 [hbm:s0], s1  }
0x6b: {  	s0 =	simm.s32 @!p0 $0x2  }
0x6c: {  	_ =	swait.ge @!p0 [sflag:s0], s1  }
0x6d: {  	s1 =	ssub.s32 @!p0 $0x0, s1;
	[sflag:s0] =	ssyncset.done @!p0 $0x0  }
0x6e: {  	[sflag:s0] =	ssyncadd.s32 @!p0 s1  }
0x6f: {  	[bflag:$0x3] =	sbarrier.arrive $0xFFFF  }
0x70: {  	_ =	shalt  }

</sc_bundles>
